<compile_context>
chip_gen: v7x
topology: tpu7x:2x2x1
jax: 0.10.2.dev20260603
libtpu: 0.0.44.dev20260713+nightly
codegen_flags: <defaults>
</compile_context>

<pallas_src>
import functools

import jax
import jax.numpy as jnp
from jax import lax
from jax.experimental import pallas as pl
from jax.experimental.pallas import tpu as pltpu
from jax.experimental.pallas import tpu_sc as plsc

NC = 2
NS = 16
LANES = 16
NW = NC * NS
CHUNK = 128
NBUF = 13


def _sc_mesh():
    return plsc.VectorSubcoreMesh(
        core_axis_name="c", subcore_axis_name="s",
        num_cores=NC, num_subcores=NS)


_SC_PARAMS = pltpu.CompilerParams(use_tc_tiling_on_sc=False)


def _make_deg_kernel(n_pad, epw):
    rpt = n_pad // NS
    nfull = epw // CHUNK
    tail = epw - nfull * CHUNK

    @functools.partial(
        pl.kernel,
        out_type=jax.ShapeDtypeStruct((NC * n_pad,), jnp.float32),
        mesh=_sc_mesh(),
        compiler_params=_SC_PARAMS,
        scratch_types=[
            pltpu.VMEM((epw,), jnp.int32),
            pltpu.VMEM((CHUNK,), jnp.float32),
            pltpu.VMEM((rpt,), jnp.float32),
            pltpu.VMEM_SHARED((n_pad,), jnp.float32),
            pltpu.SemaphoreType.DMA,
        ],
    )
    def deg_kernel(edge_hbm, out_hbm, colv, ones_v, zero_v, acc_sh, sem):
        cid = lax.axis_index("c")
        sid = lax.axis_index("s")
        wid = sid * NC + cid

        def fill_zero(i, carry):
            zero_v[pl.ds(i * LANES, LANES)] = jnp.zeros((LANES,), jnp.float32)
            return carry
        lax.fori_loop(0, rpt // LANES, fill_zero, 0)

        def fill_ones(i, carry):
            ones_v[pl.ds(i * LANES, LANES)] = jnp.ones((LANES,), jnp.float32)
            return carry
        lax.fori_loop(0, CHUNK // LANES, fill_ones, 0)

        pltpu.sync_copy(zero_v, acc_sh.at[pl.ds(sid * rpt, rpt)])
        plsc.subcore_barrier()

        pltpu.sync_copy(edge_hbm.at[1, pl.ds(wid * epw, epw)], colv)

        if tail:
            pltpu.sync_copy(ones_v.at[pl.ds(0, tail)],
                            acc_sh.at[colv.at[pl.ds(nfull * CHUNK, tail)]],
                            add=True)

        def body(j, carry):
            pltpu.async_copy(ones_v,
                             acc_sh.at[colv.at[pl.ds(j * CHUNK, CHUNK)]],
                             sem, add=True)
            return carry
        lax.fori_loop(0, nfull, body, 0)

        def drain(j, carry):
            pltpu.make_async_copy(
                ones_v, acc_sh.at[colv.at[pl.ds(j * CHUNK, CHUNK)]],
                sem).wait()
            return carry
        lax.fori_loop(0, nfull, drain, 0)

        plsc.subcore_barrier()
        pltpu.sync_copy(acc_sh.at[pl.ds(sid * rpt, rpt)],
                        out_hbm.at[pl.ds(cid * n_pad + sid * rpt, rpt)])

    return deg_kernel


def _make_agg_kernel(n_pad, epw, nz):
    rpt = n_pad // NS
    nfull = epw // CHUNK
    tail = epw - nfull * CHUNK
    assert nfull % NBUF == 0 and nfull // NBUF >= 2

    @functools.partial(
        pl.kernel,
        out_type=jax.ShapeDtypeStruct((NC * n_pad, LANES), jnp.float32),
        mesh=_sc_mesh(),
        compiler_params=_SC_PARAMS,
        scratch_types=(
            [pltpu.VMEM((epw,), jnp.int32)] * 2
            + [pltpu.VMEM((CHUNK, LANES), jnp.float32)] * NBUF
            + [pltpu.VMEM((max(tail, 1), LANES), jnp.float32)]
            + [pltpu.VMEM((rpt, LANES), jnp.float32)]
            + [pltpu.VMEM_SHARED((n_pad, LANES), jnp.float32)]
            + [pltpu.SemaphoreType.DMA] * (2 * NBUF + 1)
        ),
    )
    def agg_kernel(edge_hbm, z_hbm, out_hbm, *refs):
        rowv, colv = refs[0], refs[1]
        bufs = refs[2:2 + NBUF]
        tbuf = refs[2 + NBUF]
        zero_v = refs[3 + NBUF]
        acc_sh = refs[4 + NBUF]
        gsem = refs[5 + NBUF:5 + 2 * NBUF]
        ssem = refs[5 + 2 * NBUF:5 + 3 * NBUF]
        tsem = refs[5 + 3 * NBUF]

        cid = lax.axis_index("c")
        sid = lax.axis_index("s")
        wid = sid * NC + cid

        def fill_zero(i, carry):
            zero_v[i, :] = jnp.zeros((LANES,), jnp.float32)
            return carry
        lax.fori_loop(0, rpt, fill_zero, 0)

        nzt = nz // rpt
        zrem = nz - nzt * rpt

        @pl.when(cid == 0)
        def _():
            @pl.when(sid < nzt)
            def _():
                pltpu.sync_copy(z_hbm.at[pl.ds(sid * rpt, rpt)],
                                acc_sh.at[pl.ds(sid * rpt, rpt)])

            @pl.when(sid == nzt)
            def _():
                if zrem:
                    pltpu.sync_copy(
                        z_hbm.at[pl.ds(nzt * rpt, zrem)],
                        acc_sh.at[pl.ds(nzt * rpt, zrem)])
                pltpu.sync_copy(
                    zero_v.at[pl.ds(0, rpt - zrem)],
                    acc_sh.at[pl.ds(nzt * rpt + zrem, rpt - zrem)])

            @pl.when(sid > nzt)
            def _():
                pltpu.sync_copy(zero_v, acc_sh.at[pl.ds(sid * rpt, rpt)])

        @pl.when(cid != 0)
        def _():
            pltpu.sync_copy(zero_v, acc_sh.at[pl.ds(sid * rpt, rpt)])

        plsc.subcore_barrier()

        pltpu.sync_copy(edge_hbm.at[0, pl.ds(wid * epw, epw)], rowv)
        pltpu.sync_copy(edge_hbm.at[1, pl.ds(wid * epw, epw)], colv)

        def start_g(j, b):
            pltpu.async_copy(z_hbm.at[rowv.at[pl.ds(j * CHUNK, CHUNK)]],
                             bufs[b], gsem[b])

        def wait_g(j, b):
            pltpu.make_async_copy(z_hbm.at[rowv.at[pl.ds(j * CHUNK, CHUNK)]],
                                  bufs[b], gsem[b]).wait()

        def start_s(j, b):
            pltpu.async_copy(bufs[b],
                             acc_sh.at[colv.at[pl.ds(j * CHUNK, CHUNK)]],
                             ssem[b], add=True)

        def wait_s(j, b):
            pltpu.make_async_copy(bufs[b],
                                  acc_sh.at[colv.at[pl.ds(j * CHUNK, CHUNK)]],
                                  ssem[b]).wait()

        if tail:
            toff = nfull * CHUNK
            pltpu.async_copy(z_hbm.at[rowv.at[pl.ds(toff, tail)]],
                             tbuf, tsem).wait()
            pltpu.sync_copy(tbuf, acc_sh.at[colv.at[pl.ds(toff, tail)]],
                            add=True)

        for b in range(NBUF):
            start_g(b, b)

        def body(ii, carry):
            j0 = ii * NBUF
            for b in range(NBUF):
                wait_g(j0 + b, b)
                start_s(j0 + b, b)
            for b in range(NBUF):
                wait_s(j0 + b, b)
                start_g(j0 + NBUF + b, b)
            return carry
        lax.fori_loop(0, nfull // NBUF - 1, body, 0)

        j0 = nfull - NBUF
        for b in range(NBUF):
            wait_g(j0 + b, b)
            start_s(j0 + b, b)
        for b in range(NBUF):
            wait_s(j0 + b, b)

        plsc.subcore_barrier()
        pltpu.sync_copy(acc_sh.at[pl.ds(sid * rpt, rpt)],
                        out_hbm.at[pl.ds(cid * n_pad + sid * rpt, rpt)])

    return agg_kernel


def kernel(x, edge_index, W, b):
    n, f_in = x.shape
    f_out = W.shape[0]
    e = edge_index.shape[1]

    n_pad = ((n + 1 + NS * LANES - 1) // (NS * LANES)) * (NS * LANES)
    assert e % (NW * 8) == 0
    epw = e // NW

    def tc0_body(x_ref, w_ref, y_ref):
        y_ref[...] = lax.dot_general(x_ref[...], w_ref[...],
                                     (((1,), (1,)), ((), ())),
                                     preferred_element_type=jnp.float32)

    y = pl.pallas_call(
        tc0_body,
        out_shape=jax.ShapeDtypeStruct((n, f_out), jnp.float32),
    )(x, W)

    degp = _make_deg_kernel(n_pad, epw)(edge_index)

    def tc1_body(y_ref, degp_ref, z_ref):
        cnt = sum(degp_ref[pl.ds(c * n_pad, n)] for c in range(NC))
        dis = lax.rsqrt(cnt + 1.0)
        z_ref[...] = y_ref[...] * lax.broadcast_in_dim(dis, (n, f_out), (0,))

    z = pl.pallas_call(
        tc1_body,
        out_shape=jax.ShapeDtypeStruct((n, f_out), jnp.float32),
    )(y, degp)

    aggp = _make_agg_kernel(n_pad, epw, n)(edge_index, z)

    def tc2_body(aggp_ref, degp_ref, b_ref, o_ref):
        aggz = sum(aggp_ref[c * n_pad:c * n_pad + n, :] for c in range(NC))
        cnt = sum(degp_ref[pl.ds(c * n_pad, n)] for c in range(NC))
        dis = lax.broadcast_in_dim(lax.rsqrt(cnt + 1.0), (n, f_out), (0,))
        h = dis * aggz + b_ref[...]
        m = jnp.max(h, axis=1, keepdims=True)
        sh = h - m
        lse = jnp.log(jnp.sum(jnp.exp(sh), axis=1, keepdims=True))
        o_ref[...] = sh - lse

    return pl.pallas_call(
        tc2_body,
        out_shape=jax.ShapeDtypeStruct((n, f_out), jnp.float32),
    )(aggp, degp, b.reshape(1, f_out))

# --- scband reference (transcript-rebuilt; emitter-appended) ---
"""Pipeline reference for scband-sgc-18433999635061 (READ-ONLY COPY).

The authoritative reference and input builder live on the scoring server;
editing this copy changes nothing except your own understanding.
"""

import jax, jax.numpy as jnp
import numpy as np

N = 10000
E = 320000
F_IN = 128
F_OUT = 16


def setup_inputs(seed: int = 0) -> dict:
    key = jax.random.key(seed)
    k1, k2, k3 = jax.random.split(key, 3)
    x = jax.random.normal(k1, (N, F_IN), dtype=jnp.float32)
    edge_index = jax.random.randint(k2, (2, E), 0, N, dtype=jnp.int32)
    # SGConv linear layer parameters (lin: in_channels=128 -> out_channels=16, bias=True)
    W = jax.random.normal(k3, (F_OUT, F_IN), dtype=jnp.float32) * (1.0 / np.sqrt(F_IN))
    b = jnp.zeros((F_OUT,), dtype=jnp.float32)
    return {"x": x, "edge_index": edge_index, "W": W, "b": b}


def reference(x, edge_index, W, b):
    # SGConv with K=1: gcn_norm (add self loops, symmetric D^-1/2 A D^-1/2),
    # one propagation step, then linear, then log_softmax.
    row = edge_index[0]
    col = edge_index[1]
    loop = jnp.arange(N, dtype=row.dtype)
    row = jnp.concatenate([row, loop])
    col = jnp.concatenate([col, loop])
    edge_weight = jnp.ones(row.shape[0], dtype=x.dtype)
    deg = jax.ops.segment_sum(edge_weight, col, num_segments=N)
    deg_inv_sqrt = jnp.where(deg > 0, deg ** -0.5, 0.0)
    norm = deg_inv_sqrt[row] * edge_weight * deg_inv_sqrt[col]
    # message: x_j = x[row] scaled by norm; aggregate (sum) at col
    msgs = norm[:, None] * jnp.take(x, row, axis=0)
    out = jax.ops.segment_sum(msgs, col, num_segments=N)
    h = out @ W.T + b
    return jax.nn.log_softmax(h, axis=1)

if __name__ == "__main__":
    import jax
    _d = setup_inputs()
    print(jax.jit(kernel)(*tuple(_d.values())))

</pallas_src>

<mosaic_0001>
#map = affine_map<(d0, d1) -> (0, 0)>
module attributes {stable_mosaic.version = 14 : i64} {
  func.func @agg_kernel(%arg0: i32, %arg1: i32, %arg2: memref<2x320000xi32, #tpu.memory_space<hbm>>, %arg3: memref<10000x16xf32, #tpu.memory_space<hbm>>, %arg4: memref<20480x16xf32, #tpu.memory_space<hbm>>, %arg5: memref<10000xi32, #tpu.memory_space<vmem>>, %arg6: memref<10000xi32, #tpu.memory_space<vmem>>, %arg7: memref<128x16xf32, #tpu.memory_space<vmem>>, %arg8: memref<128x16xf32, #tpu.memory_space<vmem>>, %arg9: memref<128x16xf32, #tpu.memory_space<vmem>>, %arg10: memref<128x16xf32, #tpu.memory_space<vmem>>, %arg11: memref<128x16xf32, #tpu.memory_space<vmem>>, %arg12: memref<128x16xf32, #tpu.memory_space<vmem>>, %arg13: memref<128x16xf32, #tpu.memory_space<vmem>>, %arg14: memref<128x16xf32, #tpu.memory_space<vmem>>, %arg15: memref<128x16xf32, #tpu.memory_space<vmem>>, %arg16: memref<128x16xf32, #tpu.memory_space<vmem>>, %arg17: memref<128x16xf32, #tpu.memory_space<vmem>>, %arg18: memref<128x16xf32, #tpu.memory_space<vmem>>, %arg19: memref<128x16xf32, #tpu.memory_space<vmem>>, %arg20: memref<16x16xf32, #tpu.memory_space<vmem>>, %arg21: memref<640x16xf32, #tpu.memory_space<vmem>>, %arg22: memref<10240x16xf32, #tpu.memory_space<vmem_shared>>, %arg23: memref<!tpu.dma_semaphore, #tpu.memory_space<semaphore_mem>>, %arg24: memref<!tpu.dma_semaphore, #tpu.memory_space<semaphore_mem>>, %arg25: memref<!tpu.dma_semaphore, #tpu.memory_space<semaphore_mem>>, %arg26: memref<!tpu.dma_semaphore, #tpu.memory_space<semaphore_mem>>, %arg27: memref<!tpu.dma_semaphore, #tpu.memory_space<semaphore_mem>>, %arg28: memref<!tpu.dma_semaphore, #tpu.memory_space<semaphore_mem>>, %arg29: memref<!tpu.dma_semaphore, #tpu.memory_space<semaphore_mem>>, %arg30: memref<!tpu.dma_semaphore, #tpu.memory_space<semaphore_mem>>, %arg31: memref<!tpu.dma_semaphore, #tpu.memory_space<semaphore_mem>>, %arg32: memref<!tpu.dma_semaphore, #tpu.memory_space<semaphore_mem>>, %arg33: memref<!tpu.dma_semaphore, #tpu.memory_space<semaphore_mem>>, %arg34: memref<!tpu.dma_semaphore, #tpu.memory_space<semaphore_mem>>, %arg35: memref<!tpu.dma_semaphore, #tpu.memory_space<semaphore_mem>>, %arg36: memref<!tpu.dma_semaphore, #tpu.memory_space<semaphore_mem>>, %arg37: memref<!tpu.dma_semaphore, #tpu.memory_space<semaphore_mem>>, %arg38: memref<!tpu.dma_semaphore, #tpu.memory_space<semaphore_mem>>, %arg39: memref<!tpu.dma_semaphore, #tpu.memory_space<semaphore_mem>>, %arg40: memref<!tpu.dma_semaphore, #tpu.memory_space<semaphore_mem>>, %arg41: memref<!tpu.dma_semaphore, #tpu.memory_space<semaphore_mem>>, %arg42: memref<!tpu.dma_semaphore, #tpu.memory_space<semaphore_mem>>, %arg43: memref<!tpu.dma_semaphore, #tpu.memory_space<semaphore_mem>>, %arg44: memref<!tpu.dma_semaphore, #tpu.memory_space<semaphore_mem>>, %arg45: memref<!tpu.dma_semaphore, #tpu.memory_space<semaphore_mem>>, %arg46: memref<!tpu.dma_semaphore, #tpu.memory_space<semaphore_mem>>, %arg47: memref<!tpu.dma_semaphore, #tpu.memory_space<semaphore_mem>>, %arg48: memref<!tpu.dma_semaphore, #tpu.memory_space<semaphore_mem>>, %arg49: memref<!tpu.dma_semaphore, #tpu.memory_space<semaphore_mem>>) attributes {dimension_semantics = [#tpu.dimension_semantics<core_parallel>, #tpu.dimension_semantics<subcore_parallel>], iteration_bounds = array<i64: 2, 16>, scalar_prefetch = 0 : i64, scratch_operands = 45 : i64, tpu.core_type = #tpu.core_type<sc_vector_subcore>, window_params = [{transform_indices = #map}, {transform_indices = #map}, {transform_indices = #map}]} {
    %mul3A = arith.constant 2 : i32
    %mul3A_0 = arith.muli %arg1, %mul3A : i32
    %add3A = arith.addi %mul3A_0, %arg0 : i32
    %scan3A = arith.constant 0 : i32
    %scan3A_1 = arith.constant 0 : i32
    %scan3A_2 = arith.constant 640 : i32
    %scan3A_3 = arith.addi %scan3A_1, %scan3A_2 : i32
    %scan3A_4 = arith.constant 1 : i32
    scf.for %scan3A_299 = %scan3A_1 to %scan3A_3 step %scan3A_4  : i32 {
      %broadcast_in_dim3A = arith.constant 0.000000e+00 : f32
      %broadcast_in_dim3A_300 = vector.broadcast %broadcast_in_dim3A : f32 to vector<16xf32>
      %swap3A = arith.index_cast %scan3A_299 : i32 to index
      %swap3A_301 = arith.constant 0 : index
      %swap3A_302 = tpu.vector_load %arg21[%swap3A, %swap3A_301] {strides = array<i32>} : memref<640x16xf32, #tpu.memory_space<vmem>>, vector<1x16xf32>,
      %swap3A_303 = vector.shape_cast %swap3A_302 : vector<1x16xf32> to vector<16xf32>
      %swap3A_304 = vector.shape_cast %broadcast_in_dim3A_300 : vector<16xf32> to vector<1x16xf32>
      tpu.vector_store %arg21[%swap3A, %swap3A_301], %swap3A_304 {strides = array<i32>} : memref<640x16xf32, #tpu.memory_space<vmem>>, vector<1x16xf32>,
    }
    %scan3A_5 = arith.constant 640 : i32
    %eq3A = arith.constant 0 : i32
    %eq3A_6 = arith.cmpi eq, %arg0, %eq3A : i32
    %convert_element_type3A = arith.extui %eq3A_6 : i1 to i32
    %cond3A = arith.constant 0 : i32
    %cond3A_7 = arith.cmpi ne, %convert_element_type3A, %cond3A : i32
    scf.if %cond3A_7 {
      %lt3A = arith.constant 15 : i32
      %lt3A_299 = arith.cmpi slt, %arg1, %lt3A : i32
      %convert_element_type3A_300 = arith.extui %lt3A_299 : i1 to i32
      %cond3A_301 = arith.constant 0 : i32
      %cond3A_302 = arith.cmpi ne, %convert_element_type3A_300, %cond3A_301 : i32
      scf.if %cond3A_302 {
        %mul3A_312 = arith.constant 640 : i32
        %mul3A_313 = arith.muli %arg1, %mul3A_312 : i32
        %mul3A_314 = arith.constant 640 : i32
        %mul3A_315 = arith.muli %arg1, %mul3A_314 : i32
        "tpu.region"() ({
          %run_scoped3A_316 = tpu.sem_alloc : memref<!tpu.dma_semaphore, #tpu.memory_space<semaphore_mem>>
          %dma_start3A_317 = arith.constant 0 : i32
          %dma_start3A_318 = tpu.memref_slice %arg22[%mul3A_315, %dma_start3A_317] : memref<10240x16xf32, #tpu.memory_space<vmem_shared>> -> memref<640x16xf32, #tpu.memory_space<vmem_shared>>
          %dma_start3A_319 = arith.constant 0 : i32
          %dma_start3A_320 = tpu.memref_slice %arg3[%mul3A_313, %dma_start3A_319] : memref<10000x16xf32, #tpu.memory_space<hbm>> -> memref<640x16xf32, #tpu.memory_space<hbm>>
          tpu.enqueue_dma source(%dma_start3A_320 : memref<640x16xf32, #tpu.memory_space<hbm>>) target(%dma_start3A_318 : memref<640x16xf32, #tpu.memory_space<vmem_shared>>) target_semaphore(%run_scoped3A_316 : memref<!tpu.dma_semaphore, #tpu.memory_space<semaphore_mem>>)
          %dma_wait3A_321 = arith.constant 0 : i32
          %dma_wait3A_322 = tpu.memref_slice %arg22[%mul3A_315, %dma_wait3A_321] : memref<10240x16xf32, #tpu.memory_space<vmem_shared>> -> memref<640x16xf32, #tpu.memory_space<vmem_shared>>
          %dma_wait3A_323 = arith.constant 0 : i32
          %dma_wait3A_324 = tpu.memref_slice %arg3[%mul3A_313, %dma_wait3A_323] : memref<10000x16xf32, #tpu.memory_space<hbm>> -> memref<640x16xf32, #tpu.memory_space<hbm>>
          tpu.wait_dma2 semaphore(%run_scoped3A_316 : memref<!tpu.dma_semaphore, #tpu.memory_space<semaphore_mem>>) src(%dma_wait3A_324 : memref<640x16xf32, #tpu.memory_space<hbm>>) dst(%dma_wait3A_322 : memref<640x16xf32, #tpu.memory_space<vmem_shared>>)
          tpu.yield
        }) : () -> ()
      } else {
      }
      %eq3A_303 = arith.constant 15 : i32
      %eq3A_304 = arith.cmpi eq, %arg1, %eq3A_303 : i32
      %convert_element_type3A_305 = arith.extui %eq3A_304 : i1 to i32
      %cond3A_306 = arith.constant 0 : i32
      %cond3A_307 = arith.cmpi ne, %convert_element_type3A_305, %cond3A_306 : i32
      scf.if %cond3A_307 {
        "tpu.region"() ({
          %run_scoped3A_312 = tpu.sem_alloc : memref<!tpu.dma_semaphore, #tpu.memory_space<semaphore_mem>>
          %dma_start3A_313 = arith.constant 9600 : i32
          %dma_start3A_314 = arith.constant 0 : i32
          %dma_start3A_315 = tpu.memref_slice %arg22[%dma_start3A_313, %dma_start3A_314] : memref<10240x16xf32, #tpu.memory_space<vmem_shared>> -> memref<400x16xf32, #tpu.memory_space<vmem_shared>>
          %dma_start3A_316 = arith.constant 9600 : i32
          %dma_start3A_317 = arith.constant 0 : i32
          %dma_start3A_318 = tpu.memref_slice %arg3[%dma_start3A_316, %dma_start3A_317] : memref<10000x16xf32, #tpu.memory_space<hbm>> -> memref<400x16xf32, #tpu.memory_space<hbm>>
          tpu.enqueue_dma source(%dma_start3A_318 : memref<400x16xf32, #tpu.memory_space<hbm>>) target(%dma_start3A_315 : memref<400x16xf32, #tpu.memory_space<vmem_shared>>) target_semaphore(%run_scoped3A_312 : memref<!tpu.dma_semaphore, #tpu.memory_space<semaphore_mem>>)
          %dma_wait3A_319 = arith.constant 9600 : i32
          %dma_wait3A_320 = arith.constant 0 : i32
          %dma_wait3A_321 = tpu.memref_slice %arg22[%dma_wait3A_319, %dma_wait3A_320] : memref<10240x16xf32, #tpu.memory_space<vmem_shared>> -> memref<400x16xf32, #tpu.memory_space<vmem_shared>>
          %dma_wait3A_322 = arith.constant 9600 : i32
          %dma_wait3A_323 = arith.constant 0 : i32
          %dma_wait3A_324 = tpu.memref_slice %arg3[%dma_wait3A_322, %dma_wait3A_323] : memref<10000x16xf32, #tpu.memory_space<hbm>> -> memref<400x16xf32, #tpu.memory_space<hbm>>
          tpu.wait_dma2 semaphore(%run_scoped3A_312 : memref<!tpu.dma_semaphore, #tpu.memory_space<semaphore_mem>>) src(%dma_wait3A_324 : memref<400x16xf32, #tpu.memory_space<hbm>>) dst(%dma_wait3A_321 : memref<400x16xf32, #tpu.memory_space<vmem_shared>>)
          tpu.yield
        }) : () -> ()
        "tpu.region"() ({
          %run_scoped3A_312 = tpu.sem_alloc : memref<!tpu.dma_semaphore, #tpu.memory_space<semaphore_mem>>
          %dma_start3A_313 = arith.constant 0 : i32
          %dma_start3A_314 = arith.constant 0 : i32
          %dma_start3A_315 = tpu.memref_slice %arg21[%dma_start3A_313, %dma_start3A_314] : memref<640x16xf32, #tpu.memory_space<vmem>> -> memref<240x16xf32, #tpu.memory_space<vmem>>
          %dma_start3A_316 = arith.constant 10000 : i32
          %dma_start3A_317 = arith.constant 0 : i32
          %dma_start3A_318 = tpu.memref_slice %arg22[%dma_start3A_316, %dma_start3A_317] : memref<10240x16xf32, #tpu.memory_space<vmem_shared>> -> memref<240x16xf32, #tpu.memory_space<vmem_shared>>
          %dma_start3A_319 = arith.constant 10000 : i32
          %dma_start3A_320 = arith.constant 0 : i32
          %dma_start3A_321 = tpu.memref_slice %arg22[%dma_start3A_319, %dma_start3A_320] : memref<10240x16xf32, #tpu.memory_space<vmem_shared>> -> memref<240x16xf32, #tpu.memory_space<vmem_shared>>
          %dma_start3A_322 = arith.constant 0 : i32
          %dma_start3A_323 = arith.constant 0 : i32
          %dma_start3A_324 = tpu.memref_slice %arg21[%dma_start3A_322, %dma_start3A_323] : memref<640x16xf32, #tpu.memory_space<vmem>> -> memref<240x16xf32, #tpu.memory_space<vmem>>
          tpu.enqueue_dma source(%dma_start3A_324 : memref<240x16xf32, #tpu.memory_space<vmem>>) target(%dma_start3A_321 : memref<240x16xf32, #tpu.memory_space<vmem_shared>>) target_semaphore(%run_scoped3A_312 : memref<!tpu.dma_semaphore, #tpu.memory_space<semaphore_mem>>)
          %dma_wait3A_325 = arith.constant 0 : i32
          %dma_wait3A_326 = arith.constant 0 : i32
          %dma_wait3A_327 = tpu.memref_slice %arg21[%dma_wait3A_325, %dma_wait3A_326] : memref<640x16xf32, #tpu.memory_space<vmem>> -> memref<240x16xf32, #tpu.memory_space<vmem>>
          %dma_wait3A_328 = arith.constant 10000 : i32
          %dma_wait3A_329 = arith.constant 0 : i32
          %dma_wait3A_330 = tpu.memref_slice %arg22[%dma_wait3A_328, %dma_wait3A_329] : memref<10240x16xf32, #tpu.memory_space<vmem_shared>> -> memref<240x16xf32, #tpu.memory_space<vmem_shared>>
          %dma_wait3A_331 = arith.constant 10000 : i32
          %dma_wait3A_332 = arith.constant 0 : i32
          %dma_wait3A_333 = tpu.memref_slice %arg22[%dma_wait3A_331, %dma_wait3A_332] : memref<10240x16xf32, #tpu.memory_space<vmem_shared>> -> memref<240x16xf32, #tpu.memory_space<vmem_shared>>
          %dma_wait3A_334 = arith.constant 0 : i32
          %dma_wait3A_335 = arith.constant 0 : i32
          %dma_wait3A_336 = tpu.memref_slice %arg21[%dma_wait3A_334, %dma_wait3A_335] : memref<640x16xf32, #tpu.memory_space<vmem>> -> memref<240x16xf32, #tpu.memory_space<vmem>>
          tpu.wait_dma2 semaphore(%run_scoped3A_312 : memref<!tpu.dma_semaphore, #tpu.memory_space<semaphore_mem>>) src(%dma_wait3A_336 : memref<240x16xf32, #tpu.memory_space<vmem>>) dst(%dma_wait3A_333 : memref<240x16xf32, #tpu.memory_space<vmem_shared>>)
          tpu.yield
        }) : () -> ()
      } else {
      }
      %gt3A = arith.constant 15 : i32
      %gt3A_308 = arith.cmpi sgt, %arg1, %gt3A : i32
      %convert_element_type3A_309 = arith.extui %gt3A_308 : i1 to i32
      %cond3A_310 = arith.constant 0 : i32
      %cond3A_311 = arith.cmpi ne, %convert_element_type3A_309, %cond3A_310 : i32
      scf.if %cond3A_311 {
        %mul3A_312 = arith.constant 640 : i32
        %mul3A_313 = arith.muli %arg1, %mul3A_312 : i32
        "tpu.region"() ({
          %run_scoped3A_314 = tpu.sem_alloc : memref<!tpu.dma_semaphore, #tpu.memory_space<semaphore_mem>>
          %dma_start3A_315 = arith.constant 0 : i32
          %dma_start3A_316 = tpu.memref_slice %arg22[%mul3A_313, %dma_start3A_315] : memref<10240x16xf32, #tpu.memory_space<vmem_shared>> -> memref<640x16xf32, #tpu.memory_space<vmem_shared>>
          %dma_start3A_317 = arith.constant 0 : i32
          %dma_start3A_318 = tpu.memref_slice %arg22[%mul3A_313, %dma_start3A_317] : memref<10240x16xf32, #tpu.memory_space<vmem_shared>> -> memref<640x16xf32, #tpu.memory_space<vmem_shared>>
          tpu.enqueue_dma source(%arg21 : memref<640x16xf32, #tpu.memory_space<vmem>>) target(%dma_start3A_318 : memref<640x16xf32, #tpu.memory_space<vmem_shared>>) target_semaphore(%run_scoped3A_314 : memref<!tpu.dma_semaphore, #tpu.memory_space<semaphore_mem>>)
          %dma_wait3A_319 = arith.constant 0 : i32
          %dma_wait3A_320 = tpu.memref_slice %arg22[%mul3A_313, %dma_wait3A_319] : memref<10240x16xf32, #tpu.memory_space<vmem_shared>> -> memref<640x16xf32, #tpu.memory_space<vmem_shared>>
          %dma_wait3A_321 = arith.constant 0 : i32
          %dma_wait3A_322 = tpu.memref_slice %arg22[%mul3A_313, %dma_wait3A_321] : memref<10240x16xf32, #tpu.memory_space<vmem_shared>> -> memref<640x16xf32, #tpu.memory_space<vmem_shared>>
          tpu.wait_dma2 semaphore(%run_scoped3A_314 : memref<!tpu.dma_semaphore, #tpu.memory_space<semaphore_mem>>) src(%arg21 : memref<640x16xf32, #tpu.memory_space<vmem>>) dst(%dma_wait3A_322 : memref<640x16xf32, #tpu.memory_space<vmem_shared>>)
          tpu.yield
        }) : () -> ()
      } else {
      }
    } else {
    }
    %ne3A = arith.constant 0 : i32
    %ne3A_8 = arith.cmpi ne, %arg0, %ne3A : i32
    %convert_element_type3A_9 = arith.extui %ne3A_8 : i1 to i32
    %cond3A_10 = arith.constant 0 : i32
    %cond3A_11 = arith.cmpi ne, %convert_element_type3A_9, %cond3A_10 : i32
    scf.if %cond3A_11 {
      %mul3A_299 = arith.constant 640 : i32
      %mul3A_300 = arith.muli %arg1, %mul3A_299 : i32
      "tpu.region"() ({
        %run_scoped3A_301 = tpu.sem_alloc : memref<!tpu.dma_semaphore, #tpu.memory_space<semaphore_mem>>
        %dma_start3A_302 = arith.constant 0 : i32
        %dma_start3A_303 = tpu.memref_slice %arg22[%mul3A_300, %dma_start3A_302] : memref<10240x16xf32, #tpu.memory_space<vmem_shared>> -> memref<640x16xf32, #tpu.memory_space<vmem_shared>>
        %dma_start3A_304 = arith.constant 0 : i32
        %dma_start3A_305 = tpu.memref_slice %arg22[%mul3A_300, %dma_start3A_304] : memref<10240x16xf32, #tpu.memory_space<vmem_shared>> -> memref<640x16xf32, #tpu.memory_space<vmem_shared>>
        tpu.enqueue_dma source(%arg21 : memref<640x16xf32, #tpu.memory_space<vmem>>) target(%dma_start3A_305 : memref<640x16xf32, #tpu.memory_space<vmem_shared>>) target_semaphore(%run_scoped3A_301 : memref<!tpu.dma_semaphore, #tpu.memory_space<semaphore_mem>>)
        %dma_wait3A_306 = arith.constant 0 : i32
        %dma_wait3A_307 = tpu.memref_slice %arg22[%mul3A_300, %dma_wait3A_306] : memref<10240x16xf32, #tpu.memory_space<vmem_shared>> -> memref<640x16xf32, #tpu.memory_space<vmem_shared>>
        %dma_wait3A_308 = arith.constant 0 : i32
        %dma_wait3A_309 = tpu.memref_slice %arg22[%mul3A_300, %dma_wait3A_308] : memref<10240x16xf32, #tpu.memory_space<vmem_shared>> -> memref<640x16xf32, #tpu.memory_space<vmem_shared>>
        tpu.wait_dma2 semaphore(%run_scoped3A_301 : memref<!tpu.dma_semaphore, #tpu.memory_space<semaphore_mem>>) src(%arg21 : memref<640x16xf32, #tpu.memory_space<vmem>>) dst(%dma_wait3A_309 : memref<640x16xf32, #tpu.memory_space<vmem_shared>>)
        tpu.yield
      }) : () -> ()
    } else {
    }
    %barrier3A = arith.constant 0 : index
    tpu.barrier barrier_id(%barrier3A)
    %mul3A_12 = arith.constant 10000 : i32
    %mul3A_13 = arith.muli %add3A, %mul3A_12 : i32
    %run_scoped3A = arith.constant 0 : i32
    "tpu.region"() ({
      %run_scoped3A_299 = tpu.sem_alloc : memref<!tpu.dma_semaphore, #tpu.memory_space<semaphore_mem>>
      %dma_start3A_300 = tpu.memref_slice %arg2[%run_scoped3A, %mul3A_13] : memref<2x320000xi32, #tpu.memory_space<hbm>> -> memref<1x10000xi32, #tpu.memory_space<hbm>>
      %dma_start3A_301 = tpu.memref_squeeze %dma_start3A_300 : memref<1x10000xi32, #tpu.memory_space<hbm>> -> memref<10000xi32, #tpu.memory_space<hbm>>
      %dma_start3A_302 = tpu.memref_slice %arg2[%run_scoped3A, %mul3A_13] : memref<2x320000xi32, #tpu.memory_space<hbm>> -> memref<1x10000xi32, #tpu.memory_space<hbm>>
      %dma_start3A_303 = tpu.memref_squeeze %dma_start3A_302 : memref<1x10000xi32, #tpu.memory_space<hbm>> -> memref<10000xi32, #tpu.memory_space<hbm>>
      tpu.enqueue_dma source(%dma_start3A_303 : memref<10000xi32, #tpu.memory_space<hbm>>) target(%arg5 : memref<10000xi32, #tpu.memory_space<vmem>>) target_semaphore(%run_scoped3A_299 : memref<!tpu.dma_semaphore, #tpu.memory_space<semaphore_mem>>)
      %dma_wait3A_304 = tpu.memref_slice %arg2[%run_scoped3A, %mul3A_13] : memref<2x320000xi32, #tpu.memory_space<hbm>> -> memref<1x10000xi32, #tpu.memory_space<hbm>>
      %dma_wait3A_305 = tpu.memref_squeeze %dma_wait3A_304 : memref<1x10000xi32, #tpu.memory_space<hbm>> -> memref<10000xi32, #tpu.memory_space<hbm>>
      %dma_wait3A_306 = tpu.memref_slice %arg2[%run_scoped3A, %mul3A_13] : memref<2x320000xi32, #tpu.memory_space<hbm>> -> memref<1x10000xi32, #tpu.memory_space<hbm>>
      %dma_wait3A_307 = tpu.memref_squeeze %dma_wait3A_306 : memref<1x10000xi32, #tpu.memory_space<hbm>> -> memref<10000xi32, #tpu.memory_space<hbm>>
      tpu.wait_dma2 semaphore(%run_scoped3A_299 : memref<!tpu.dma_semaphore, #tpu.memory_space<semaphore_mem>>) src(%dma_wait3A_307 : memref<10000xi32, #tpu.memory_space<hbm>>) dst(%arg5 : memref<10000xi32, #tpu.memory_space<vmem>>)
      tpu.yield
    }) : () -> ()
    %mul3A_14 = arith.constant 10000 : i32
    %mul3A_15 = arith.muli %add3A, %mul3A_14 : i32
    %run_scoped3A_16 = arith.constant 1 : i32
    "tpu.region"() ({
      %run_scoped3A_299 = tpu.sem_alloc : memref<!tpu.dma_semaphore, #tpu.memory_space<semaphore_mem>>
      %dma_start3A_300 = tpu.memref_slice %arg2[%run_scoped3A_16, %mul3A_15] : memref<2x320000xi32, #tpu.memory_space<hbm>> -> memref<1x10000xi32, #tpu.memory_space<hbm>>
      %dma_start3A_301 = tpu.memref_squeeze %dma_start3A_300 : memref<1x10000xi32, #tpu.memory_space<hbm>> -> memref<10000xi32, #tpu.memory_space<hbm>>
      %dma_start3A_302 = tpu.memref_slice %arg2[%run_scoped3A_16, %mul3A_15] : memref<2x320000xi32, #tpu.memory_space<hbm>> -> memref<1x10000xi32, #tpu.memory_space<hbm>>
      %dma_start3A_303 = tpu.memref_squeeze %dma_start3A_302 : memref<1x10000xi32, #tpu.memory_space<hbm>> -> memref<10000xi32, #tpu.memory_space<hbm>>
      tpu.enqueue_dma source(%dma_start3A_303 : memref<10000xi32, #tpu.memory_space<hbm>>) target(%arg6 : memref<10000xi32, #tpu.memory_space<vmem>>) target_semaphore(%run_scoped3A_299 : memref<!tpu.dma_semaphore, #tpu.memory_space<semaphore_mem>>)
      %dma_wait3A_304 = tpu.memref_slice %arg2[%run_scoped3A_16, %mul3A_15] : memref<2x320000xi32, #tpu.memory_space<hbm>> -> memref<1x10000xi32, #tpu.memory_space<hbm>>
      %dma_wait3A_305 = tpu.memref_squeeze %dma_wait3A_304 : memref<1x10000xi32, #tpu.memory_space<hbm>> -> memref<10000xi32, #tpu.memory_space<hbm>>
      %dma_wait3A_306 = tpu.memref_slice %arg2[%run_scoped3A_16, %mul3A_15] : memref<2x320000xi32, #tpu.memory_space<hbm>> -> memref<1x10000xi32, #tpu.memory_space<hbm>>
      %dma_wait3A_307 = tpu.memref_squeeze %dma_wait3A_306 : memref<1x10000xi32, #tpu.memory_space<hbm>> -> memref<10000xi32, #tpu.memory_space<hbm>>
      tpu.wait_dma2 semaphore(%run_scoped3A_299 : memref<!tpu.dma_semaphore, #tpu.memory_space<semaphore_mem>>) src(%dma_wait3A_307 : memref<10000xi32, #tpu.memory_space<hbm>>) dst(%arg6 : memref<10000xi32, #tpu.memory_space<vmem>>)
      tpu.yield
    }) : () -> ()
    %dma_start3A = arith.constant 9984 : i32
    %dma_start3A_17 = tpu.memref_slice %arg5[%dma_start3A] : memref<10000xi32, #tpu.memory_space<vmem>> -> memref<16xi32, #tpu.memory_space<vmem>>
    %dma_start3A_18 = arith.constant 0 : i32
    %dma_start3A_19 = arith.constant 0 : i32
    %dma_start3A_20 = tpu.memref_slice %arg3[%dma_start3A_18, %dma_start3A_19] : memref<10000x16xf32, #tpu.memory_space<hbm>> -> memref<10000x16xf32, #tpu.memory_space<hbm>>
    tpu.enqueue_indirect_dma source(%dma_start3A_20 : memref<10000x16xf32, #tpu.memory_space<hbm>>) target(%arg20 : memref<16x16xf32, #tpu.memory_space<vmem>>) offsets(%dma_start3A_17 : memref<16xi32, #tpu.memory_space<vmem>>) semaphore(%arg49 : memref<!tpu.dma_semaphore, #tpu.memory_space<semaphore_mem>>)
    %dma_wait3A = arith.constant 9984 : i32
    %dma_wait3A_21 = tpu.memref_slice %arg5[%dma_wait3A] : memref<10000xi32, #tpu.memory_space<vmem>> -> memref<16xi32, #tpu.memory_space<vmem>>
    %dma_wait3A_22 = arith.constant 0 : i32
    %dma_wait3A_23 = arith.constant 0 : i32
    %dma_wait3A_24 = tpu.memref_slice %arg3[%dma_wait3A_22, %dma_wait3A_23] : memref<10000x16xf32, #tpu.memory_space<hbm>> -> memref<10000x16xf32, #tpu.memory_space<hbm>>
    tpu.wait_indirect_dma semaphore(%arg49 : memref<!tpu.dma_semaphore, #tpu.memory_space<semaphore_mem>>) src(%dma_wait3A_24 : memref<10000x16xf32, #tpu.memory_space<hbm>>) dst(%arg20 : memref<16x16xf32, #tpu.memory_space<vmem>>)
    "tpu.region"() ({
      %run_scoped3A_299 = tpu.sem_alloc : memref<!tpu.dma_semaphore, #tpu.memory_space<semaphore_mem>>
      %dma_start3A_300 = arith.constant 9984 : i32
      %dma_start3A_301 = tpu.memref_slice %arg6[%dma_start3A_300] : memref<10000xi32, #tpu.memory_space<vmem>> -> memref<16xi32, #tpu.memory_space<vmem>>
      %dma_start3A_302 = arith.constant 0 : i32
      %dma_start3A_303 = arith.constant 0 : i32
      %dma_start3A_304 = tpu.memref_slice %arg22[%dma_start3A_302, %dma_start3A_303] : memref<10240x16xf32, #tpu.memory_space<vmem_shared>> -> memref<10240x16xf32, #tpu.memory_space<vmem_shared>>
      tpu.enqueue_indirect_dma source(%arg20 : memref<16x16xf32, #tpu.memory_space<vmem>>) target(%dma_start3A_304 : memref<10240x16xf32, #tpu.memory_space<vmem_shared>>) offsets(%dma_start3A_301 : memref<16xi32, #tpu.memory_space<vmem>>) semaphore(%run_scoped3A_299 : memref<!tpu.dma_semaphore, #tpu.memory_space<semaphore_mem>>) {add = true}
      %dma_wait3A_305 = arith.constant 9984 : i32
      %dma_wait3A_306 = tpu.memref_slice %arg6[%dma_wait3A_305] : memref<10000xi32, #tpu.memory_space<vmem>> -> memref<16xi32, #tpu.memory_space<vmem>>
      %dma_wait3A_307 = arith.constant 0 : i32
      %dma_wait3A_308 = arith.constant 0 : i32
      %dma_wait3A_309 = tpu.memref_slice %arg22[%dma_wait3A_307, %dma_wait3A_308] : memref<10240x16xf32, #tpu.memory_space<vmem_shared>> -> memref<10240x16xf32, #tpu.memory_space<vmem_shared>>
      tpu.wait_indirect_dma semaphore(%run_scoped3A_299 : memref<!tpu.dma_semaphore, #tpu.memory_space<semaphore_mem>>) src(%arg20 : memref<16x16xf32, #tpu.memory_space<vmem>>) dst(%dma_wait3A_309 : memref<10240x16xf32, #tpu.memory_space<vmem_shared>>)
      tpu.yield
    }) : () -> ()
    %dma_start3A_25 = arith.constant 0 : i32
    %dma_start3A_26 = tpu.memref_slice %arg5[%dma_start3A_25] : memref<10000xi32, #tpu.memory_space<vmem>> -> memref<128xi32, #tpu.memory_space<vmem>>
    %dma_start3A_27 = arith.constant 0 : i32
    %dma_start3A_28 = arith.constant 0 : i32
    %dma_start3A_29 = tpu.memref_slice %arg3[%dma_start3A_27, %dma_start3A_28] : memref<10000x16xf32, #tpu.memory_space<hbm>> -> memref<10000x16xf32, #tpu.memory_space<hbm>>
    tpu.enqueue_indirect_dma source(%dma_start3A_29 : memref<10000x16xf32, #tpu.memory_space<hbm>>) target(%arg7 : memref<128x16xf32, #tpu.memory_space<vmem>>) offsets(%dma_start3A_26 : memref<128xi32, #tpu.memory_space<vmem>>) semaphore(%arg23 : memref<!tpu.dma_semaphore, #tpu.memory_space<semaphore_mem>>)
    %dma_start3A_30 = arith.constant 128 : i32
    %dma_start3A_31 = tpu.memref_slice %arg5[%dma_start3A_30] : memref<10000xi32, #tpu.memory_space<vmem>> -> memref<128xi32, #tpu.memory_space<vmem>>
    %dma_start3A_32 = arith.constant 0 : i32
    %dma_start3A_33 = arith.constant 0 : i32
    %dma_start3A_34 = tpu.memref_slice %arg3[%dma_start3A_32, %dma_start3A_33] : memref<10000x16xf32, #tpu.memory_space<hbm>> -> memref<10000x16xf32, #tpu.memory_space<hbm>>
    tpu.enqueue_indirect_dma source(%dma_start3A_34 : memref<10000x16xf32, #tpu.memory_space<hbm>>) target(%arg8 : memref<128x16xf32, #tpu.memory_space<vmem>>) offsets(%dma_start3A_31 : memref<128xi32, #tpu.memory_space<vmem>>) semaphore(%arg24 : memref<!tpu.dma_semaphore, #tpu.memory_space<semaphore_mem>>)
    %dma_start3A_35 = arith.constant 256 : i32
    %dma_start3A_36 = tpu.memref_slice %arg5[%dma_start3A_35] : memref<10000xi32, #tpu.memory_space<vmem>> -> memref<128xi32, #tpu.memory_space<vmem>>
    %dma_start3A_37 = arith.constant 0 : i32
    %dma_start3A_38 = arith.constant 0 : i32
    %dma_start3A_39 = tpu.memref_slice %arg3[%dma_start3A_37, %dma_start3A_38] : memref<10000x16xf32, #tpu.memory_space<hbm>> -> memref<10000x16xf32, #tpu.memory_space<hbm>>
    tpu.enqueue_indirect_dma source(%dma_start3A_39 : memref<10000x16xf32, #tpu.memory_space<hbm>>) target(%arg9 : memref<128x16xf32, #tpu.memory_space<vmem>>) offsets(%dma_start3A_36 : memref<128xi32, #tpu.memory_space<vmem>>) semaphore(%arg25 : memref<!tpu.dma_semaphore, #tpu.memory_space<semaphore_mem>>)
    %dma_start3A_40 = arith.constant 384 : i32
    %dma_start3A_41 = tpu.memref_slice %arg5[%dma_start3A_40] : memref<10000xi32, #tpu.memory_space<vmem>> -> memref<128xi32, #tpu.memory_space<vmem>>
    %dma_start3A_42 = arith.constant 0 : i32
    %dma_start3A_43 = arith.constant 0 : i32
    %dma_start3A_44 = tpu.memref_slice %arg3[%dma_start3A_42, %dma_start3A_43] : memref<10000x16xf32, #tpu.memory_space<hbm>> -> memref<10000x16xf32, #tpu.memory_space<hbm>>
    tpu.enqueue_indirect_dma source(%dma_start3A_44 : memref<10000x16xf32, #tpu.memory_space<hbm>>) target(%arg10 : memref<128x16xf32, #tpu.memory_space<vmem>>) offsets(%dma_start3A_41 : memref<128xi32, #tpu.memory_space<vmem>>) semaphore(%arg26 : memref<!tpu.dma_semaphore, #tpu.memory_space<semaphore_mem>>)
    %dma_start3A_45 = arith.constant 512 : i32
    %dma_start3A_46 = tpu.memref_slice %arg5[%dma_start3A_45] : memref<10000xi32, #tpu.memory_space<vmem>> -> memref<128xi32, #tpu.memory_space<vmem>>
    %dma_start3A_47 = arith.constant 0 : i32
    %dma_start3A_48 = arith.constant 0 : i32
    %dma_start3A_49 = tpu.memref_slice %arg3[%dma_start3A_47, %dma_start3A_48] : memref<10000x16xf32, #tpu.memory_space<hbm>> -> memref<10000x16xf32, #tpu.memory_space<hbm>>
    tpu.enqueue_indirect_dma source(%dma_start3A_49 : memref<10000x16xf32, #tpu.memory_space<hbm>>) target(%arg11 : memref<128x16xf32, #tpu.memory_space<vmem>>) offsets(%dma_start3A_46 : memref<128xi32, #tpu.memory_space<vmem>>) semaphore(%arg27 : memref<!tpu.dma_semaphore, #tpu.memory_space<semaphore_mem>>)
    %dma_start3A_50 = arith.constant 640 : i32
    %dma_start3A_51 = tpu.memref_slice %arg5[%dma_start3A_50] : memref<10000xi32, #tpu.memory_space<vmem>> -> memref<128xi32, #tpu.memory_space<vmem>>
    %dma_start3A_52 = arith.constant 0 : i32
    %dma_start3A_53 = arith.constant 0 : i32
    %dma_start3A_54 = tpu.memref_slice %arg3[%dma_start3A_52, %dma_start3A_53] : memref<10000x16xf32, #tpu.memory_space<hbm>> -> memref<10000x16xf32, #tpu.memory_space<hbm>>
    tpu.enqueue_indirect_dma source(%dma_start3A_54 : memref<10000x16xf32, #tpu.memory_space<hbm>>) target(%arg12 : memref<128x16xf32, #tpu.memory_space<vmem>>) offsets(%dma_start3A_51 : memref<128xi32, #tpu.memory_space<vmem>>) semaphore(%arg28 : memref<!tpu.dma_semaphore, #tpu.memory_space<semaphore_mem>>)
    %dma_start3A_55 = arith.constant 768 : i32
    %dma_start3A_56 = tpu.memref_slice %arg5[%dma_start3A_55] : memref<10000xi32, #tpu.memory_space<vmem>> -> memref<128xi32, #tpu.memory_space<vmem>>
    %dma_start3A_57 = arith.constant 0 : i32
    %dma_start3A_58 = arith.constant 0 : i32
    %dma_start3A_59 = tpu.memref_slice %arg3[%dma_start3A_57, %dma_start3A_58] : memref<10000x16xf32, #tpu.memory_space<hbm>> -> memref<10000x16xf32, #tpu.memory_space<hbm>>
    tpu.enqueue_indirect_dma source(%dma_start3A_59 : memref<10000x16xf32, #tpu.memory_space<hbm>>) target(%arg13 : memref<128x16xf32, #tpu.memory_space<vmem>>) offsets(%dma_start3A_56 : memref<128xi32, #tpu.memory_space<vmem>>) semaphore(%arg29 : memref<!tpu.dma_semaphore, #tpu.memory_space<semaphore_mem>>)
    %dma_start3A_60 = arith.constant 896 : i32
    %dma_start3A_61 = tpu.memref_slice %arg5[%dma_start3A_60] : memref<10000xi32, #tpu.memory_space<vmem>> -> memref<128xi32, #tpu.memory_space<vmem>>
    %dma_start3A_62 = arith.constant 0 : i32
    %dma_start3A_63 = arith.constant 0 : i32
    %dma_start3A_64 = tpu.memref_slice %arg3[%dma_start3A_62, %dma_start3A_63] : memref<10000x16xf32, #tpu.memory_space<hbm>> -> memref<10000x16xf32, #tpu.memory_space<hbm>>
    tpu.enqueue_indirect_dma source(%dma_start3A_64 : memref<10000x16xf32, #tpu.memory_space<hbm>>) target(%arg14 : memref<128x16xf32, #tpu.memory_space<vmem>>) offsets(%dma_start3A_61 : memref<128xi32, #tpu.memory_space<vmem>>) semaphore(%arg30 : memref<!tpu.dma_semaphore, #tpu.memory_space<semaphore_mem>>)
    %dma_start3A_65 = arith.constant 1024 : i32
    %dma_start3A_66 = tpu.memref_slice %arg5[%dma_start3A_65] : memref<10000xi32, #tpu.memory_space<vmem>> -> memref<128xi32, #tpu.memory_space<vmem>>
    %dma_start3A_67 = arith.constant 0 : i32
    %dma_start3A_68 = arith.constant 0 : i32
    %dma_start3A_69 = tpu.memref_slice %arg3[%dma_start3A_67, %dma_start3A_68] : memref<10000x16xf32, #tpu.memory_space<hbm>> -> memref<10000x16xf32, #tpu.memory_space<hbm>>
    tpu.enqueue_indirect_dma source(%dma_start3A_69 : memref<10000x16xf32, #tpu.memory_space<hbm>>) target(%arg15 : memref<128x16xf32, #tpu.memory_space<vmem>>) offsets(%dma_start3A_66 : memref<128xi32, #tpu.memory_space<vmem>>) semaphore(%arg31 : memref<!tpu.dma_semaphore, #tpu.memory_space<semaphore_mem>>)
    %dma_start3A_70 = arith.constant 1152 : i32
    %dma_start3A_71 = tpu.memref_slice %arg5[%dma_start3A_70] : memref<10000xi32, #tpu.memory_space<vmem>> -> memref<128xi32, #tpu.memory_space<vmem>>
    %dma_start3A_72 = arith.constant 0 : i32
    %dma_start3A_73 = arith.constant 0 : i32
    %dma_start3A_74 = tpu.memref_slice %arg3[%dma_start3A_72, %dma_start3A_73] : memref<10000x16xf32, #tpu.memory_space<hbm>> -> memref<10000x16xf32, #tpu.memory_space<hbm>>
    tpu.enqueue_indirect_dma source(%dma_start3A_74 : memref<10000x16xf32, #tpu.memory_space<hbm>>) target(%arg16 : memref<128x16xf32, #tpu.memory_space<vmem>>) offsets(%dma_start3A_71 : memref<128xi32, #tpu.memory_space<vmem>>) semaphore(%arg32 : memref<!tpu.dma_semaphore, #tpu.memory_space<semaphore_mem>>)
    %dma_start3A_75 = arith.constant 1280 : i32
    %dma_start3A_76 = tpu.memref_slice %arg5[%dma_start3A_75] : memref<10000xi32, #tpu.memory_space<vmem>> -> memref<128xi32, #tpu.memory_space<vmem>>
    %dma_start3A_77 = arith.constant 0 : i32
    %dma_start3A_78 = arith.constant 0 : i32
    %dma_start3A_79 = tpu.memref_slice %arg3[%dma_start3A_77, %dma_start3A_78] : memref<10000x16xf32, #tpu.memory_space<hbm>> -> memref<10000x16xf32, #tpu.memory_space<hbm>>
    tpu.enqueue_indirect_dma source(%dma_start3A_79 : memref<10000x16xf32, #tpu.memory_space<hbm>>) target(%arg17 : memref<128x16xf32, #tpu.memory_space<vmem>>) offsets(%dma_start3A_76 : memref<128xi32, #tpu.memory_space<vmem>>) semaphore(%arg33 : memref<!tpu.dma_semaphore, #tpu.memory_space<semaphore_mem>>)
    %dma_start3A_80 = arith.constant 1408 : i32
    %dma_start3A_81 = tpu.memref_slice %arg5[%dma_start3A_80] : memref<10000xi32, #tpu.memory_space<vmem>> -> memref<128xi32, #tpu.memory_space<vmem>>
    %dma_start3A_82 = arith.constant 0 : i32
    %dma_start3A_83 = arith.constant 0 : i32
    %dma_start3A_84 = tpu.memref_slice %arg3[%dma_start3A_82, %dma_start3A_83] : memref<10000x16xf32, #tpu.memory_space<hbm>> -> memref<10000x16xf32, #tpu.memory_space<hbm>>
    tpu.enqueue_indirect_dma source(%dma_start3A_84 : memref<10000x16xf32, #tpu.memory_space<hbm>>) target(%arg18 : memref<128x16xf32, #tpu.memory_space<vmem>>) offsets(%dma_start3A_81 : memref<128xi32, #tpu.memory_space<vmem>>) semaphore(%arg34 : memref<!tpu.dma_semaphore, #tpu.memory_space<semaphore_mem>>)
    %dma_start3A_85 = arith.constant 1536 : i32
    %dma_start3A_86 = tpu.memref_slice %arg5[%dma_start3A_85] : memref<10000xi32, #tpu.memory_space<vmem>> -> memref<128xi32, #tpu.memory_space<vmem>>
    %dma_start3A_87 = arith.constant 0 : i32
    %dma_start3A_88 = arith.constant 0 : i32
    %dma_start3A_89 = tpu.memref_slice %arg3[%dma_start3A_87, %dma_start3A_88] : memref<10000x16xf32, #tpu.memory_space<hbm>> -> memref<10000x16xf32, #tpu.memory_space<hbm>>
    tpu.enqueue_indirect_dma source(%dma_start3A_89 : memref<10000x16xf32, #tpu.memory_space<hbm>>) target(%arg19 : memref<128x16xf32, #tpu.memory_space<vmem>>) offsets(%dma_start3A_86 : memref<128xi32, #tpu.memory_space<vmem>>) semaphore(%arg35 : memref<!tpu.dma_semaphore, #tpu.memory_space<semaphore_mem>>)
    %scan3A_90 = arith.constant 0 : i32
    %scan3A_91 = arith.constant 0 : i32
    %scan3A_92 = arith.constant 5 : i32
    %scan3A_93 = arith.addi %scan3A_91, %scan3A_92 : i32
    %scan3A_94 = arith.constant 1 : i32
    scf.for %scan3A_299 = %scan3A_91 to %scan3A_93 step %scan3A_94  : i32 {
      %mul3A_300 = arith.constant 13 : i32
      %mul3A_301 = arith.muli %scan3A_299, %mul3A_300 : i32
      %add3A_302 = arith.constant 0 : i32
      %add3A_303 = arith.addi %mul3A_301, %add3A_302 : i32
      %mul3A_304 = arith.constant 128 : i32
      %mul3A_305 = arith.muli %add3A_303, %mul3A_304 : i32
      %dma_wait3A_306 = tpu.memref_slice %arg5[%mul3A_305] : memref<10000xi32, #tpu.memory_space<vmem>> -> memref<128xi32, #tpu.memory_space<vmem>>
      %dma_wait3A_307 = arith.constant 0 : i32
      %dma_wait3A_308 = arith.constant 0 : i32
      %dma_wait3A_309 = tpu.memref_slice %arg3[%dma_wait3A_307, %dma_wait3A_308] : memref<10000x16xf32, #tpu.memory_space<hbm>> -> memref<10000x16xf32, #tpu.memory_space<hbm>>
      tpu.wait_indirect_dma semaphore(%arg23 : memref<!tpu.dma_semaphore, #tpu.memory_space<semaphore_mem>>) src(%dma_wait3A_309 : memref<10000x16xf32, #tpu.memory_space<hbm>>) dst(%arg7 : memref<128x16xf32, #tpu.memory_space<vmem>>)
      %add3A_310 = arith.constant 0 : i32
      %add3A_311 = arith.addi %mul3A_301, %add3A_310 : i32
      %mul3A_312 = arith.constant 128 : i32
      %mul3A_313 = arith.muli %add3A_311, %mul3A_312 : i32
      %dma_start3A_314 = tpu.memref_slice %arg6[%mul3A_313] : memref<10000xi32, #tpu.memory_space<vmem>> -> memref<128xi32, #tpu.memory_space<vmem>>
      %dma_start3A_315 = arith.constant 0 : i32
      %dma_start3A_316 = arith.constant 0 : i32
      %dma_start3A_317 = tpu.memref_slice %arg22[%dma_start3A_315, %dma_start3A_316] : memref<10240x16xf32, #tpu.memory_space<vmem_shared>> -> memref<10240x16xf32, #tpu.memory_space<vmem_shared>>
      tpu.enqueue_indirect_dma source(%arg7 : memref<128x16xf32, #tpu.memory_space<vmem>>) target(%dma_start3A_317 : memref<10240x16xf32, #tpu.memory_space<vmem_shared>>) offsets(%dma_start3A_314 : memref<128xi32, #tpu.memory_space<vmem>>) semaphore(%arg36 : memref<!tpu.dma_semaphore, #tpu.memory_space<semaphore_mem>>) {add = true}
      %add3A_318 = arith.constant 1 : i32
      %add3A_319 = arith.addi %mul3A_301, %add3A_318 : i32
      %mul3A_320 = arith.constant 128 : i32
      %mul3A_321 = arith.muli %add3A_319, %mul3A_320 : i32
      %dma_wait3A_322 = tpu.memref_slice %arg5[%mul3A_321] : memref<10000xi32, #tpu.memory_space<vmem>> -> memref<128xi32, #tpu.memory_space<vmem>>
      %dma_wait3A_323 = arith.constant 0 : i32
      %dma_wait3A_324 = arith.constant 0 : i32
      %dma_wait3A_325 = tpu.memref_slice %arg3[%dma_wait3A_323, %dma_wait3A_324] : memref<10000x16xf32, #tpu.memory_space<hbm>> -> memref<10000x16xf32, #tpu.memory_space<hbm>>
      tpu.wait_indirect_dma semaphore(%arg24 : memref<!tpu.dma_semaphore, #tpu.memory_space<semaphore_mem>>) src(%dma_wait3A_325 : memref<10000x16xf32, #tpu.memory_space<hbm>>) dst(%arg8 : memref<128x16xf32, #tpu.memory_space<vmem>>)
      %add3A_326 = arith.constant 1 : i32
      %add3A_327 = arith.addi %mul3A_301, %add3A_326 : i32
      %mul3A_328 = arith.constant 128 : i32
      %mul3A_329 = arith.muli %add3A_327, %mul3A_328 : i32
      %dma_start3A_330 = tpu.memref_slice %arg6[%mul3A_329] : memref<10000xi32, #tpu.memory_space<vmem>> -> memref<128xi32, #tpu.memory_space<vmem>>
      %dma_start3A_331 = arith.constant 0 : i32
      %dma_start3A_332 = arith.constant 0 : i32
      %dma_start3A_333 = tpu.memref_slice %arg22[%dma_start3A_331, %dma_start3A_332] : memref<10240x16xf32, #tpu.memory_space<vmem_shared>> -> memref<10240x16xf32, #tpu.memory_space<vmem_shared>>
      tpu.enqueue_indirect_dma source(%arg8 : memref<128x16xf32, #tpu.memory_space<vmem>>) target(%dma_start3A_333 : memref<10240x16xf32, #tpu.memory_space<vmem_shared>>) offsets(%dma_start3A_330 : memref<128xi32, #tpu.memory_space<vmem>>) semaphore(%arg37 : memref<!tpu.dma_semaphore, #tpu.memory_space<semaphore_mem>>) {add = true}
      %add3A_334 = arith.constant 2 : i32
      %add3A_335 = arith.addi %mul3A_301, %add3A_334 : i32
      %mul3A_336 = arith.constant 128 : i32
      %mul3A_337 = arith.muli %add3A_335, %mul3A_336 : i32
      %dma_wait3A_338 = tpu.memref_slice %arg5[%mul3A_337] : memref<10000xi32, #tpu.memory_space<vmem>> -> memref<128xi32, #tpu.memory_space<vmem>>
      %dma_wait3A_339 = arith.constant 0 : i32
      %dma_wait3A_340 = arith.constant 0 : i32
      %dma_wait3A_341 = tpu.memref_slice %arg3[%dma_wait3A_339, %dma_wait3A_340] : memref<10000x16xf32, #tpu.memory_space<hbm>> -> memref<10000x16xf32, #tpu.memory_space<hbm>>
      tpu.wait_indirect_dma semaphore(%arg25 : memref<!tpu.dma_semaphore, #tpu.memory_space<semaphore_mem>>) src(%dma_wait3A_341 : memref<10000x16xf32, #tpu.memory_space<hbm>>) dst(%arg9 : memref<128x16xf32, #tpu.memory_space<vmem>>)
      %add3A_342 = arith.constant 2 : i32
      %add3A_343 = arith.addi %mul3A_301, %add3A_342 : i32
      %mul3A_344 = arith.constant 128 : i32
      %mul3A_345 = arith.muli %add3A_343, %mul3A_344 : i32
      %dma_start3A_346 = tpu.memref_slice %arg6[%mul3A_345] : memref<10000xi32, #tpu.memory_space<vmem>> -> memref<128xi32, #tpu.memory_space<vmem>>
      %dma_start3A_347 = arith.constant 0 : i32
      %dma_start3A_348 = arith.constant 0 : i32
      %dma_start3A_349 = tpu.memref_slice %arg22[%dma_start3A_347, %dma_start3A_348] : memref<10240x16xf32, #tpu.memory_space<vmem_shared>> -> memref<10240x16xf32, #tpu.memory_space<vmem_shared>>
      tpu.enqueue_indirect_dma source(%arg9 : memref<128x16xf32, #tpu.memory_space<vmem>>) target(%dma_start3A_349 : memref<10240x16xf32, #tpu.memory_space<vmem_shared>>) offsets(%dma_start3A_346 : memref<128xi32, #tpu.memory_space<vmem>>) semaphore(%arg38 : memref<!tpu.dma_semaphore, #tpu.memory_space<semaphore_mem>>) {add = true}
      %add3A_350 = arith.constant 3 : i32
      %add3A_351 = arith.addi %mul3A_301, %add3A_350 : i32
      %mul3A_352 = arith.constant 128 : i32
      %mul3A_353 = arith.muli %add3A_351, %mul3A_352 : i32
      %dma_wait3A_354 = tpu.memref_slice %arg5[%mul3A_353] : memref<10000xi32, #tpu.memory_space<vmem>> -> memref<128xi32, #tpu.memory_space<vmem>>
      %dma_wait3A_355 = arith.constant 0 : i32
      %dma_wait3A_356 = arith.constant 0 : i32
      %dma_wait3A_357 = tpu.memref_slice %arg3[%dma_wait3A_355, %dma_wait3A_356] : memref<10000x16xf32, #tpu.memory_space<hbm>> -> memref<10000x16xf32, #tpu.memory_space<hbm>>
      tpu.wait_indirect_dma semaphore(%arg26 : memref<!tpu.dma_semaphore, #tpu.memory_space<semaphore_mem>>) src(%dma_wait3A_357 : memref<10000x16xf32, #tpu.memory_space<hbm>>) dst(%arg10 : memref<128x16xf32, #tpu.memory_space<vmem>>)
      %add3A_358 = arith.constant 3 : i32
      %add3A_359 = arith.addi %mul3A_301, %add3A_358 : i32
      %mul3A_360 = arith.constant 128 : i32
      %mul3A_361 = arith.muli %add3A_359, %mul3A_360 : i32
      %dma_start3A_362 = tpu.memref_slice %arg6[%mul3A_361] : memref<10000xi32, #tpu.memory_space<vmem>> -> memref<128xi32, #tpu.memory_space<vmem>>
      %dma_start3A_363 = arith.constant 0 : i32
      %dma_start3A_364 = arith.constant 0 : i32
      %dma_start3A_365 = tpu.memref_slice %arg22[%dma_start3A_363, %dma_start3A_364] : memref<10240x16xf32, #tpu.memory_space<vmem_shared>> -> memref<10240x16xf32, #tpu.memory_space<vmem_shared>>
      tpu.enqueue_indirect_dma source(%arg10 : memref<128x16xf32, #tpu.memory_space<vmem>>) target(%dma_start3A_365 : memref<10240x16xf32, #tpu.memory_space<vmem_shared>>) offsets(%dma_start3A_362 : memref<128xi32, #tpu.memory_space<vmem>>) semaphore(%arg39 : memref<!tpu.dma_semaphore, #tpu.memory_space<semaphore_mem>>) {add = true}
      %add3A_366 = arith.constant 4 : i32
      %add3A_367 = arith.addi %mul3A_301, %add3A_366 : i32
      %mul3A_368 = arith.constant 128 : i32
      %mul3A_369 = arith.muli %add3A_367, %mul3A_368 : i32
      %dma_wait3A_370 = tpu.memref_slice %arg5[%mul3A_369] : memref<10000xi32, #tpu.memory_space<vmem>> -> memref<128xi32, #tpu.memory_space<vmem>>
      %dma_wait3A_371 = arith.constant 0 : i32
      %dma_wait3A_372 = arith.constant 0 : i32
      %dma_wait3A_373 = tpu.memref_slice %arg3[%dma_wait3A_371, %dma_wait3A_372] : memref<10000x16xf32, #tpu.memory_space<hbm>> -> memref<10000x16xf32, #tpu.memory_space<hbm>>
      tpu.wait_indirect_dma semaphore(%arg27 : memref<!tpu.dma_semaphore, #tpu.memory_space<semaphore_mem>>) src(%dma_wait3A_373 : memref<10000x16xf32, #tpu.memory_space<hbm>>) dst(%arg11 : memref<128x16xf32, #tpu.memory_space<vmem>>)
      %add3A_374 = arith.constant 4 : i32
      %add3A_375 = arith.addi %mul3A_301, %add3A_374 : i32
      %mul3A_376 = arith.constant 128 : i32
      %mul3A_377 = arith.muli %add3A_375, %mul3A_376 : i32
      %dma_start3A_378 = tpu.memref_slice %arg6[%mul3A_377] : memref<10000xi32, #tpu.memory_space<vmem>> -> memref<128xi32, #tpu.memory_space<vmem>>
      %dma_start3A_379 = arith.constant 0 : i32
      %dma_start3A_380 = arith.constant 0 : i32
      %dma_start3A_381 = tpu.memref_slice %arg22[%dma_start3A_379, %dma_start3A_380] : memref<10240x16xf32, #tpu.memory_space<vmem_shared>> -> memref<10240x16xf32, #tpu.memory_space<vmem_shared>>
      tpu.enqueue_indirect_dma source(%arg11 : memref<128x16xf32, #tpu.memory_space<vmem>>) target(%dma_start3A_381 : memref<10240x16xf32, #tpu.memory_space<vmem_shared>>) offsets(%dma_start3A_378 : memref<128xi32, #tpu.memory_space<vmem>>) semaphore(%arg40 : memref<!tpu.dma_semaphore, #tpu.memory_space<semaphore_mem>>) {add = true}
      %add3A_382 = arith.constant 5 : i32
      %add3A_383 = arith.addi %mul3A_301, %add3A_382 : i32
      %mul3A_384 = arith.constant 128 : i32
      %mul3A_385 = arith.muli %add3A_383, %mul3A_384 : i32
      %dma_wait3A_386 = tpu.memref_slice %arg5[%mul3A_385] : memref<10000xi32, #tpu.memory_space<vmem>> -> memref<128xi32, #tpu.memory_space<vmem>>
      %dma_wait3A_387 = arith.constant 0 : i32
      %dma_wait3A_388 = arith.constant 0 : i32
      %dma_wait3A_389 = tpu.memref_slice %arg3[%dma_wait3A_387, %dma_wait3A_388] : memref<10000x16xf32, #tpu.memory_space<hbm>> -> memref<10000x16xf32, #tpu.memory_space<hbm>>
      tpu.wait_indirect_dma semaphore(%arg28 : memref<!tpu.dma_semaphore, #tpu.memory_space<semaphore_mem>>) src(%dma_wait3A_389 : memref<10000x16xf32, #tpu.memory_space<hbm>>) dst(%arg12 : memref<128x16xf32, #tpu.memory_space<vmem>>)
      %add3A_390 = arith.constant 5 : i32
      %add3A_391 = arith.addi %mul3A_301, %add3A_390 : i32
      %mul3A_392 = arith.constant 128 : i32
      %mul3A_393 = arith.muli %add3A_391, %mul3A_392 : i32
      %dma_start3A_394 = tpu.memref_slice %arg6[%mul3A_393] : memref<10000xi32, #tpu.memory_space<vmem>> -> memref<128xi32, #tpu.memory_space<vmem>>
      %dma_start3A_395 = arith.constant 0 : i32
      %dma_start3A_396 = arith.constant 0 : i32
      %dma_start3A_397 = tpu.memref_slice %arg22[%dma_start3A_395, %dma_start3A_396] : memref<10240x16xf32, #tpu.memory_space<vmem_shared>> -> memref<10240x16xf32, #tpu.memory_space<vmem_shared>>
      tpu.enqueue_indirect_dma source(%arg12 : memref<128x16xf32, #tpu.memory_space<vmem>>) target(%dma_start3A_397 : memref<10240x16xf32, #tpu.memory_space<vmem_shared>>) offsets(%dma_start3A_394 : memref<128xi32, #tpu.memory_space<vmem>>) semaphore(%arg41 : memref<!tpu.dma_semaphore, #tpu.memory_space<semaphore_mem>>) {add = true}
      %add3A_398 = arith.constant 6 : i32
      %add3A_399 = arith.addi %mul3A_301, %add3A_398 : i32
      %mul3A_400 = arith.constant 128 : i32
      %mul3A_401 = arith.muli %add3A_399, %mul3A_400 : i32
      %dma_wait3A_402 = tpu.memref_slice %arg5[%mul3A_401] : memref<10000xi32, #tpu.memory_space<vmem>> -> memref<128xi32, #tpu.memory_space<vmem>>
      %dma_wait3A_403 = arith.constant 0 : i32
      %dma_wait3A_404 = arith.constant 0 : i32
      %dma_wait3A_405 = tpu.memref_slice %arg3[%dma_wait3A_403, %dma_wait3A_404] : memref<10000x16xf32, #tpu.memory_space<hbm>> -> memref<10000x16xf32, #tpu.memory_space<hbm>>
      tpu.wait_indirect_dma semaphore(%arg29 : memref<!tpu.dma_semaphore, #tpu.memory_space<semaphore_mem>>) src(%dma_wait3A_405 : memref<10000x16xf32, #tpu.memory_space<hbm>>) dst(%arg13 : memref<128x16xf32, #tpu.memory_space<vmem>>)
      %add3A_406 = arith.constant 6 : i32
      %add3A_407 = arith.addi %mul3A_301, %add3A_406 : i32
      %mul3A_408 = arith.constant 128 : i32
      %mul3A_409 = arith.muli %add3A_407, %mul3A_408 : i32
      %dma_start3A_410 = tpu.memref_slice %arg6[%mul3A_409] : memref<10000xi32, #tpu.memory_space<vmem>> -> memref<128xi32, #tpu.memory_space<vmem>>
      %dma_start3A_411 = arith.constant 0 : i32
      %dma_start3A_412 = arith.constant 0 : i32
      %dma_start3A_413 = tpu.memref_slice %arg22[%dma_start3A_411, %dma_start3A_412] : memref<10240x16xf32, #tpu.memory_space<vmem_shared>> -> memref<10240x16xf32, #tpu.memory_space<vmem_shared>>
      tpu.enqueue_indirect_dma source(%arg13 : memref<128x16xf32, #tpu.memory_space<vmem>>) target(%dma_start3A_413 : memref<10240x16xf32, #tpu.memory_space<vmem_shared>>) offsets(%dma_start3A_410 : memref<128xi32, #tpu.memory_space<vmem>>) semaphore(%arg42 : memref<!tpu.dma_semaphore, #tpu.memory_space<semaphore_mem>>) {add = true}
      %add3A_414 = arith.constant 7 : i32
      %add3A_415 = arith.addi %mul3A_301, %add3A_414 : i32
      %mul3A_416 = arith.constant 128 : i32
      %mul3A_417 = arith.muli %add3A_415, %mul3A_416 : i32
      %dma_wait3A_418 = tpu.memref_slice %arg5[%mul3A_417] : memref<10000xi32, #tpu.memory_space<vmem>> -> memref<128xi32, #tpu.memory_space<vmem>>
      %dma_wait3A_419 = arith.constant 0 : i32
      %dma_wait3A_420 = arith.constant 0 : i32
      %dma_wait3A_421 = tpu.memref_slice %arg3[%dma_wait3A_419, %dma_wait3A_420] : memref<10000x16xf32, #tpu.memory_space<hbm>> -> memref<10000x16xf32, #tpu.memory_space<hbm>>
      tpu.wait_indirect_dma semaphore(%arg30 : memref<!tpu.dma_semaphore, #tpu.memory_space<semaphore_mem>>) src(%dma_wait3A_421 : memref<10000x16xf32, #tpu.memory_space<hbm>>) dst(%arg14 : memref<128x16xf32, #tpu.memory_space<vmem>>)
      %add3A_422 = arith.constant 7 : i32
      %add3A_423 = arith.addi %mul3A_301, %add3A_422 : i32
      %mul3A_424 = arith.constant 128 : i32
      %mul3A_425 = arith.muli %add3A_423, %mul3A_424 : i32
      %dma_start3A_426 = tpu.memref_slice %arg6[%mul3A_425] : memref<10000xi32, #tpu.memory_space<vmem>> -> memref<128xi32, #tpu.memory_space<vmem>>
      %dma_start3A_427 = arith.constant 0 : i32
      %dma_start3A_428 = arith.constant 0 : i32
      %dma_start3A_429 = tpu.memref_slice %arg22[%dma_start3A_427, %dma_start3A_428] : memref<10240x16xf32, #tpu.memory_space<vmem_shared>> -> memref<10240x16xf32, #tpu.memory_space<vmem_shared>>
      tpu.enqueue_indirect_dma source(%arg14 : memref<128x16xf32, #tpu.memory_space<vmem>>) target(%dma_start3A_429 : memref<10240x16xf32, #tpu.memory_space<vmem_shared>>) offsets(%dma_start3A_426 : memref<128xi32, #tpu.memory_space<vmem>>) semaphore(%arg43 : memref<!tpu.dma_semaphore, #tpu.memory_space<semaphore_mem>>) {add = true}
      %add3A_430 = arith.constant 8 : i32
      %add3A_431 = arith.addi %mul3A_301, %add3A_430 : i32
      %mul3A_432 = arith.constant 128 : i32
      %mul3A_433 = arith.muli %add3A_431, %mul3A_432 : i32
      %dma_wait3A_434 = tpu.memref_slice %arg5[%mul3A_433] : memref<10000xi32, #tpu.memory_space<vmem>> -> memref<128xi32, #tpu.memory_space<vmem>>
      %dma_wait3A_435 = arith.constant 0 : i32
      %dma_wait3A_436 = arith.constant 0 : i32
      %dma_wait3A_437 = tpu.memref_slice %arg3[%dma_wait3A_435, %dma_wait3A_436] : memref<10000x16xf32, #tpu.memory_space<hbm>> -> memref<10000x16xf32, #tpu.memory_space<hbm>>
      tpu.wait_indirect_dma semaphore(%arg31 : memref<!tpu.dma_semaphore, #tpu.memory_space<semaphore_mem>>) src(%dma_wait3A_437 : memref<10000x16xf32, #tpu.memory_space<hbm>>) dst(%arg15 : memref<128x16xf32, #tpu.memory_space<vmem>>)
      %add3A_438 = arith.constant 8 : i32
      %add3A_439 = arith.addi %mul3A_301, %add3A_438 : i32
      %mul3A_440 = arith.constant 128 : i32
      %mul3A_441 = arith.muli %add3A_439, %mul3A_440 : i32
      %dma_start3A_442 = tpu.memref_slice %arg6[%mul3A_441] : memref<10000xi32, #tpu.memory_space<vmem>> -> memref<128xi32, #tpu.memory_space<vmem>>
      %dma_start3A_443 = arith.constant 0 : i32
      %dma_start3A_444 = arith.constant 0 : i32
      %dma_start3A_445 = tpu.memref_slice %arg22[%dma_start3A_443, %dma_start3A_444] : memref<10240x16xf32, #tpu.memory_space<vmem_shared>> -> memref<10240x16xf32, #tpu.memory_space<vmem_shared>>
      tpu.enqueue_indirect_dma source(%arg15 : memref<128x16xf32, #tpu.memory_space<vmem>>) target(%dma_start3A_445 : memref<10240x16xf32, #tpu.memory_space<vmem_shared>>) offsets(%dma_start3A_442 : memref<128xi32, #tpu.memory_space<vmem>>) semaphore(%arg44 : memref<!tpu.dma_semaphore, #tpu.memory_space<semaphore_mem>>) {add = true}
      %add3A_446 = arith.constant 9 : i32
      %add3A_447 = arith.addi %mul3A_301, %add3A_446 : i32
      %mul3A_448 = arith.constant 128 : i32
      %mul3A_449 = arith.muli %add3A_447, %mul3A_448 : i32
      %dma_wait3A_450 = tpu.memref_slice %arg5[%mul3A_449] : memref<10000xi32, #tpu.memory_space<vmem>> -> memref<128xi32, #tpu.memory_space<vmem>>
      %dma_wait3A_451 = arith.constant 0 : i32
      %dma_wait3A_452 = arith.constant 0 : i32
      %dma_wait3A_453 = tpu.memref_slice %arg3[%dma_wait3A_451, %dma_wait3A_452] : memref<10000x16xf32, #tpu.memory_space<hbm>> -> memref<10000x16xf32, #tpu.memory_space<hbm>>
      tpu.wait_indirect_dma semaphore(%arg32 : memref<!tpu.dma_semaphore, #tpu.memory_space<semaphore_mem>>) src(%dma_wait3A_453 : memref<10000x16xf32, #tpu.memory_space<hbm>>) dst(%arg16 : memref<128x16xf32, #tpu.memory_space<vmem>>)
      %add3A_454 = arith.constant 9 : i32
      %add3A_455 = arith.addi %mul3A_301, %add3A_454 : i32
      %mul3A_456 = arith.constant 128 : i32
      %mul3A_457 = arith.muli %add3A_455, %mul3A_456 : i32
      %dma_start3A_458 = tpu.memref_slice %arg6[%mul3A_457] : memref<10000xi32, #tpu.memory_space<vmem>> -> memref<128xi32, #tpu.memory_space<vmem>>
      %dma_start3A_459 = arith.constant 0 : i32
      %dma_start3A_460 = arith.constant 0 : i32
      %dma_start3A_461 = tpu.memref_slice %arg22[%dma_start3A_459, %dma_start3A_460] : memref<10240x16xf32, #tpu.memory_space<vmem_shared>> -> memref<10240x16xf32, #tpu.memory_space<vmem_shared>>
      tpu.enqueue_indirect_dma source(%arg16 : memref<128x16xf32, #tpu.memory_space<vmem>>) target(%dma_start3A_461 : memref<10240x16xf32, #tpu.memory_space<vmem_shared>>) offsets(%dma_start3A_458 : memref<128xi32, #tpu.memory_space<vmem>>) semaphore(%arg45 : memref<!tpu.dma_semaphore, #tpu.memory_space<semaphore_mem>>) {add = true}
      %add3A_462 = arith.constant 10 : i32
      %add3A_463 = arith.addi %mul3A_301, %add3A_462 : i32
      %mul3A_464 = arith.constant 128 : i32
      %mul3A_465 = arith.muli %add3A_463, %mul3A_464 : i32
      %dma_wait3A_466 = tpu.memref_slice %arg5[%mul3A_465] : memref<10000xi32, #tpu.memory_space<vmem>> -> memref<128xi32, #tpu.memory_space<vmem>>
      %dma_wait3A_467 = arith.constant 0 : i32
      %dma_wait3A_468 = arith.constant 0 : i32
      %dma_wait3A_469 = tpu.memref_slice %arg3[%dma_wait3A_467, %dma_wait3A_468] : memref<10000x16xf32, #tpu.memory_space<hbm>> -> memref<10000x16xf32, #tpu.memory_space<hbm>>
      tpu.wait_indirect_dma semaphore(%arg33 : memref<!tpu.dma_semaphore, #tpu.memory_space<semaphore_mem>>) src(%dma_wait3A_469 : memref<10000x16xf32, #tpu.memory_space<hbm>>) dst(%arg17 : memref<128x16xf32, #tpu.memory_space<vmem>>)
      %add3A_470 = arith.constant 10 : i32
      %add3A_471 = arith.addi %mul3A_301, %add3A_470 : i32
      %mul3A_472 = arith.constant 128 : i32
      %mul3A_473 = arith.muli %add3A_471, %mul3A_472 : i32
      %dma_start3A_474 = tpu.memref_slice %arg6[%mul3A_473] : memref<10000xi32, #tpu.memory_space<vmem>> -> memref<128xi32, #tpu.memory_space<vmem>>
      %dma_start3A_475 = arith.constant 0 : i32
      %dma_start3A_476 = arith.constant 0 : i32
      %dma_start3A_477 = tpu.memref_slice %arg22[%dma_start3A_475, %dma_start3A_476] : memref<10240x16xf32, #tpu.memory_space<vmem_shared>> -> memref<10240x16xf32, #tpu.memory_space<vmem_shared>>
      tpu.enqueue_indirect_dma source(%arg17 : memref<128x16xf32, #tpu.memory_space<vmem>>) target(%dma_start3A_477 : memref<10240x16xf32, #tpu.memory_space<vmem_shared>>) offsets(%dma_start3A_474 : memref<128xi32, #tpu.memory_space<vmem>>) semaphore(%arg46 : memref<!tpu.dma_semaphore, #tpu.memory_space<semaphore_mem>>) {add = true}
      %add3A_478 = arith.constant 11 : i32
      %add3A_479 = arith.addi %mul3A_301, %add3A_478 : i32
      %mul3A_480 = arith.constant 128 : i32
      %mul3A_481 = arith.muli %add3A_479, %mul3A_480 : i32
      %dma_wait3A_482 = tpu.memref_slice %arg5[%mul3A_481] : memref<10000xi32, #tpu.memory_space<vmem>> -> memref<128xi32, #tpu.memory_space<vmem>>
      %dma_wait3A_483 = arith.constant 0 : i32
      %dma_wait3A_484 = arith.constant 0 : i32
      %dma_wait3A_485 = tpu.memref_slice %arg3[%dma_wait3A_483, %dma_wait3A_484] : memref<10000x16xf32, #tpu.memory_space<hbm>> -> memref<10000x16xf32, #tpu.memory_space<hbm>>
      tpu.wait_indirect_dma semaphore(%arg34 : memref<!tpu.dma_semaphore, #tpu.memory_space<semaphore_mem>>) src(%dma_wait3A_485 : memref<10000x16xf32, #tpu.memory_space<hbm>>) dst(%arg18 : memref<128x16xf32, #tpu.memory_space<vmem>>)
      %add3A_486 = arith.constant 11 : i32
      %add3A_487 = arith.addi %mul3A_301, %add3A_486 : i32
      %mul3A_488 = arith.constant 128 : i32
      %mul3A_489 = arith.muli %add3A_487, %mul3A_488 : i32
      %dma_start3A_490 = tpu.memref_slice %arg6[%mul3A_489] : memref<10000xi32, #tpu.memory_space<vmem>> -> memref<128xi32, #tpu.memory_space<vmem>>
      %dma_start3A_491 = arith.constant 0 : i32
      %dma_start3A_492 = arith.constant 0 : i32
      %dma_start3A_493 = tpu.memref_slice %arg22[%dma_start3A_491, %dma_start3A_492] : memref<10240x16xf32, #tpu.memory_space<vmem_shared>> -> memref<10240x16xf32, #tpu.memory_space<vmem_shared>>
      tpu.enqueue_indirect_dma source(%arg18 : memref<128x16xf32, #tpu.memory_space<vmem>>) target(%dma_start3A_493 : memref<10240x16xf32, #tpu.memory_space<vmem_shared>>) offsets(%dma_start3A_490 : memref<128xi32, #tpu.memory_space<vmem>>) semaphore(%arg47 : memref<!tpu.dma_semaphore, #tpu.memory_space<semaphore_mem>>) {add = true}
      %add3A_494 = arith.constant 12 : i32
      %add3A_495 = arith.addi %mul3A_301, %add3A_494 : i32
      %mul3A_496 = arith.constant 128 : i32
      %mul3A_497 = arith.muli %add3A_495, %mul3A_496 : i32
      %dma_wait3A_498 = tpu.memref_slice %arg5[%mul3A_497] : memref<10000xi32, #tpu.memory_space<vmem>> -> memref<128xi32, #tpu.memory_space<vmem>>
      %dma_wait3A_499 = arith.constant 0 : i32
      %dma_wait3A_500 = arith.constant 0 : i32
      %dma_wait3A_501 = tpu.memref_slice %arg3[%dma_wait3A_499, %dma_wait3A_500] : memref<10000x16xf32, #tpu.memory_space<hbm>> -> memref<10000x16xf32, #tpu.memory_space<hbm>>
      tpu.wait_indirect_dma semaphore(%arg35 : memref<!tpu.dma_semaphore, #tpu.memory_space<semaphore_mem>>) src(%dma_wait3A_501 : memref<10000x16xf32, #tpu.memory_space<hbm>>) dst(%arg19 : memref<128x16xf32, #tpu.memory_space<vmem>>)
      %add3A_502 = arith.constant 12 : i32
      %add3A_503 = arith.addi %mul3A_301, %add3A_502 : i32
      %mul3A_504 = arith.constant 128 : i32
      %mul3A_505 = arith.muli %add3A_503, %mul3A_504 : i32
      %dma_start3A_506 = tpu.memref_slice %arg6[%mul3A_505] : memref<10000xi32, #tpu.memory_space<vmem>> -> memref<128xi32, #tpu.memory_space<vmem>>
      %dma_start3A_507 = arith.constant 0 : i32
      %dma_start3A_508 = arith.constant 0 : i32
      %dma_start3A_509 = tpu.memref_slice %arg22[%dma_start3A_507, %dma_start3A_508] : memref<10240x16xf32, #tpu.memory_space<vmem_shared>> -> memref<10240x16xf32, #tpu.memory_space<vmem_shared>>
      tpu.enqueue_indirect_dma source(%arg19 : memref<128x16xf32, #tpu.memory_space<vmem>>) target(%dma_start3A_509 : memref<10240x16xf32, #tpu.memory_space<vmem_shared>>) offsets(%dma_start3A_506 : memref<128xi32, #tpu.memory_space<vmem>>) semaphore(%arg48 : memref<!tpu.dma_semaphore, #tpu.memory_space<semaphore_mem>>) {add = true}
      %add3A_510 = arith.constant 0 : i32
      %add3A_511 = arith.addi %mul3A_301, %add3A_510 : i32
      %mul3A_512 = arith.constant 128 : i32
      %mul3A_513 = arith.muli %add3A_511, %mul3A_512 : i32
      %dma_wait3A_514 = tpu.memref_slice %arg6[%mul3A_513] : memref<10000xi32, #tpu.memory_space<vmem>> -> memref<128xi32, #tpu.memory_space<vmem>>
      %dma_wait3A_515 = arith.constant 0 : i32
      %dma_wait3A_516 = arith.constant 0 : i32
      %dma_wait3A_517 = tpu.memref_slice %arg22[%dma_wait3A_515, %dma_wait3A_516] : memref<10240x16xf32, #tpu.memory_space<vmem_shared>> -> memref<10240x16xf32, #tpu.memory_space<vmem_shared>>
      tpu.wait_indirect_dma semaphore(%arg36 : memref<!tpu.dma_semaphore, #tpu.memory_space<semaphore_mem>>) src(%arg7 : memref<128x16xf32, #tpu.memory_space<vmem>>) dst(%dma_wait3A_517 : memref<10240x16xf32, #tpu.memory_space<vmem_shared>>)
      %add3A_518 = arith.constant 13 : i32
      %add3A_519 = arith.addi %mul3A_301, %add3A_518 : i32
      %add3A_520 = arith.constant 0 : i32
      %add3A_521 = arith.addi %add3A_519, %add3A_520 : i32
      %mul3A_522 = arith.constant 128 : i32
      %mul3A_523 = arith.muli %add3A_521, %mul3A_522 : i32
      %dma_start3A_524 = tpu.memref_slice %arg5[%mul3A_523] : memref<10000xi32, #tpu.memory_space<vmem>> -> memref<128xi32, #tpu.memory_space<vmem>>
      %dma_start3A_525 = arith.constant 0 : i32
      %dma_start3A_526 = arith.constant 0 : i32
      %dma_start3A_527 = tpu.memref_slice %arg3[%dma_start3A_525, %dma_start3A_526] : memref<10000x16xf32, #tpu.memory_space<hbm>> -> memref<10000x16xf32, #tpu.memory_space<hbm>>
      tpu.enqueue_indirect_dma source(%dma_start3A_527 : memref<10000x16xf32, #tpu.memory_space<hbm>>) target(%arg7 : memref<128x16xf32, #tpu.memory_space<vmem>>) offsets(%dma_start3A_524 : memref<128xi32, #tpu.memory_space<vmem>>) semaphore(%arg23 : memref<!tpu.dma_semaphore, #tpu.memory_space<semaphore_mem>>)
      %add3A_528 = arith.constant 1 : i32
      %add3A_529 = arith.addi %mul3A_301, %add3A_528 : i32
      %mul3A_530 = arith.constant 128 : i32
      %mul3A_531 = arith.muli %add3A_529, %mul3A_530 : i32
      %dma_wait3A_532 = tpu.memref_slice %arg6[%mul3A_531] : memref<10000xi32, #tpu.memory_space<vmem>> -> memref<128xi32, #tpu.memory_space<vmem>>
      %dma_wait3A_533 = arith.constant 0 : i32
      %dma_wait3A_534 = arith.constant 0 : i32
      %dma_wait3A_535 = tpu.memref_slice %arg22[%dma_wait3A_533, %dma_wait3A_534] : memref<10240x16xf32, #tpu.memory_space<vmem_shared>> -> memref<10240x16xf32, #tpu.memory_space<vmem_shared>>
      tpu.wait_indirect_dma semaphore(%arg37 : memref<!tpu.dma_semaphore, #tpu.memory_space<semaphore_mem>>) src(%arg8 : memref<128x16xf32, #tpu.memory_space<vmem>>) dst(%dma_wait3A_535 : memref<10240x16xf32, #tpu.memory_space<vmem_shared>>)
      %add3A_536 = arith.constant 13 : i32
      %add3A_537 = arith.addi %mul3A_301, %add3A_536 : i32
      %add3A_538 = arith.constant 1 : i32
      %add3A_539 = arith.addi %add3A_537, %add3A_538 : i32
      %mul3A_540 = arith.constant 128 : i32
      %mul3A_541 = arith.muli %add3A_539, %mul3A_540 : i32
      %dma_start3A_542 = tpu.memref_slice %arg5[%mul3A_541] : memref<10000xi32, #tpu.memory_space<vmem>> -> memref<128xi32, #tpu.memory_space<vmem>>
      %dma_start3A_543 = arith.constant 0 : i32
      %dma_start3A_544 = arith.constant 0 : i32
      %dma_start3A_545 = tpu.memref_slice %arg3[%dma_start3A_543, %dma_start3A_544] : memref<10000x16xf32, #tpu.memory_space<hbm>> -> memref<10000x16xf32, #tpu.memory_space<hbm>>
      tpu.enqueue_indirect_dma source(%dma_start3A_545 : memref<10000x16xf32, #tpu.memory_space<hbm>>) target(%arg8 : memref<128x16xf32, #tpu.memory_space<vmem>>) offsets(%dma_start3A_542 : memref<128xi32, #tpu.memory_space<vmem>>) semaphore(%arg24 : memref<!tpu.dma_semaphore, #tpu.memory_space<semaphore_mem>>)
      %add3A_546 = arith.constant 2 : i32
      %add3A_547 = arith.addi %mul3A_301, %add3A_546 : i32
      %mul3A_548 = arith.constant 128 : i32
      %mul3A_549 = arith.muli %add3A_547, %mul3A_548 : i32
      %dma_wait3A_550 = tpu.memref_slice %arg6[%mul3A_549] : memref<10000xi32, #tpu.memory_space<vmem>> -> memref<128xi32, #tpu.memory_space<vmem>>
      %dma_wait3A_551 = arith.constant 0 : i32
      %dma_wait3A_552 = arith.constant 0 : i32
      %dma_wait3A_553 = tpu.memref_slice %arg22[%dma_wait3A_551, %dma_wait3A_552] : memref<10240x16xf32, #tpu.memory_space<vmem_shared>> -> memref<10240x16xf32, #tpu.memory_space<vmem_shared>>
      tpu.wait_indirect_dma semaphore(%arg38 : memref<!tpu.dma_semaphore, #tpu.memory_space<semaphore_mem>>) src(%arg9 : memref<128x16xf32, #tpu.memory_space<vmem>>) dst(%dma_wait3A_553 : memref<10240x16xf32, #tpu.memory_space<vmem_shared>>)
      %add3A_554 = arith.constant 13 : i32
      %add3A_555 = arith.addi %mul3A_301, %add3A_554 : i32
      %add3A_556 = arith.constant 2 : i32
      %add3A_557 = arith.addi %add3A_555, %add3A_556 : i32
      %mul3A_558 = arith.constant 128 : i32
      %mul3A_559 = arith.muli %add3A_557, %mul3A_558 : i32
      %dma_start3A_560 = tpu.memref_slice %arg5[%mul3A_559] : memref<10000xi32, #tpu.memory_space<vmem>> -> memref<128xi32, #tpu.memory_space<vmem>>
      %dma_start3A_561 = arith.constant 0 : i32
      %dma_start3A_562 = arith.constant 0 : i32
      %dma_start3A_563 = tpu.memref_slice %arg3[%dma_start3A_561, %dma_start3A_562] : memref<10000x16xf32, #tpu.memory_space<hbm>> -> memref<10000x16xf32, #tpu.memory_space<hbm>>
      tpu.enqueue_indirect_dma source(%dma_start3A_563 : memref<10000x16xf32, #tpu.memory_space<hbm>>) target(%arg9 : memref<128x16xf32, #tpu.memory_space<vmem>>) offsets(%dma_start3A_560 : memref<128xi32, #tpu.memory_space<vmem>>) semaphore(%arg25 : memref<!tpu.dma_semaphore, #tpu.memory_space<semaphore_mem>>)
      %add3A_564 = arith.constant 3 : i32
      %add3A_565 = arith.addi %mul3A_301, %add3A_564 : i32
      %mul3A_566 = arith.constant 128 : i32
      %mul3A_567 = arith.muli %add3A_565, %mul3A_566 : i32
      %dma_wait3A_568 = tpu.memref_slice %arg6[%mul3A_567] : memref<10000xi32, #tpu.memory_space<vmem>> -> memref<128xi32, #tpu.memory_space<vmem>>
      %dma_wait3A_569 = arith.constant 0 : i32
      %dma_wait3A_570 = arith.constant 0 : i32
      %dma_wait3A_571 = tpu.memref_slice %arg22[%dma_wait3A_569, %dma_wait3A_570] : memref<10240x16xf32, #tpu.memory_space<vmem_shared>> -> memref<10240x16xf32, #tpu.memory_space<vmem_shared>>
      tpu.wait_indirect_dma semaphore(%arg39 : memref<!tpu.dma_semaphore, #tpu.memory_space<semaphore_mem>>) src(%arg10 : memref<128x16xf32, #tpu.memory_space<vmem>>) dst(%dma_wait3A_571 : memref<10240x16xf32, #tpu.memory_space<vmem_shared>>)
      %add3A_572 = arith.constant 13 : i32
      %add3A_573 = arith.addi %mul3A_301, %add3A_572 : i32
      %add3A_574 = arith.constant 3 : i32
      %add3A_575 = arith.addi %add3A_573, %add3A_574 : i32
      %mul3A_576 = arith.constant 128 : i32
      %mul3A_577 = arith.muli %add3A_575, %mul3A_576 : i32
      %dma_start3A_578 = tpu.memref_slice %arg5[%mul3A_577] : memref<10000xi32, #tpu.memory_space<vmem>> -> memref<128xi32, #tpu.memory_space<vmem>>
      %dma_start3A_579 = arith.constant 0 : i32
      %dma_start3A_580 = arith.constant 0 : i32
      %dma_start3A_581 = tpu.memref_slice %arg3[%dma_start3A_579, %dma_start3A_580] : memref<10000x16xf32, #tpu.memory_space<hbm>> -> memref<10000x16xf32, #tpu.memory_space<hbm>>
      tpu.enqueue_indirect_dma source(%dma_start3A_581 : memref<10000x16xf32, #tpu.memory_space<hbm>>) target(%arg10 : memref<128x16xf32, #tpu.memory_space<vmem>>) offsets(%dma_start3A_578 : memref<128xi32, #tpu.memory_space<vmem>>) semaphore(%arg26 : memref<!tpu.dma_semaphore, #tpu.memory_space<semaphore_mem>>)
      %add3A_582 = arith.constant 4 : i32
      %add3A_583 = arith.addi %mul3A_301, %add3A_582 : i32
      %mul3A_584 = arith.constant 128 : i32
      %mul3A_585 = arith.muli %add3A_583, %mul3A_584 : i32
      %dma_wait3A_586 = tpu.memref_slice %arg6[%mul3A_585] : memref<10000xi32, #tpu.memory_space<vmem>> -> memref<128xi32, #tpu.memory_space<vmem>>
      %dma_wait3A_587 = arith.constant 0 : i32
      %dma_wait3A_588 = arith.constant 0 : i32
      %dma_wait3A_589 = tpu.memref_slice %arg22[%dma_wait3A_587, %dma_wait3A_588] : memref<10240x16xf32, #tpu.memory_space<vmem_shared>> -> memref<10240x16xf32, #tpu.memory_space<vmem_shared>>
      tpu.wait_indirect_dma semaphore(%arg40 : memref<!tpu.dma_semaphore, #tpu.memory_space<semaphore_mem>>) src(%arg11 : memref<128x16xf32, #tpu.memory_space<vmem>>) dst(%dma_wait3A_589 : memref<10240x16xf32, #tpu.memory_space<vmem_shared>>)
      %add3A_590 = arith.constant 13 : i32
      %add3A_591 = arith.addi %mul3A_301, %add3A_590 : i32
      %add3A_592 = arith.constant 4 : i32
      %add3A_593 = arith.addi %add3A_591, %add3A_592 : i32
      %mul3A_594 = arith.constant 128 : i32
      %mul3A_595 = arith.muli %add3A_593, %mul3A_594 : i32
      %dma_start3A_596 = tpu.memref_slice %arg5[%mul3A_595] : memref<10000xi32, #tpu.memory_space<vmem>> -> memref<128xi32, #tpu.memory_space<vmem>>
      %dma_start3A_597 = arith.constant 0 : i32
      %dma_start3A_598 = arith.constant 0 : i32
      %dma_start3A_599 = tpu.memref_slice %arg3[%dma_start3A_597, %dma_start3A_598] : memref<10000x16xf32, #tpu.memory_space<hbm>> -> memref<10000x16xf32, #tpu.memory_space<hbm>>
      tpu.enqueue_indirect_dma source(%dma_start3A_599 : memref<10000x16xf32, #tpu.memory_space<hbm>>) target(%arg11 : memref<128x16xf32, #tpu.memory_space<vmem>>) offsets(%dma_start3A_596 : memref<128xi32, #tpu.memory_space<vmem>>) semaphore(%arg27 : memref<!tpu.dma_semaphore, #tpu.memory_space<semaphore_mem>>)
      %add3A_600 = arith.constant 5 : i32
      %add3A_601 = arith.addi %mul3A_301, %add3A_600 : i32
      %mul3A_602 = arith.constant 128 : i32
      %mul3A_603 = arith.muli %add3A_601, %mul3A_602 : i32
      %dma_wait3A_604 = tpu.memref_slice %arg6[%mul3A_603] : memref<10000xi32, #tpu.memory_space<vmem>> -> memref<128xi32, #tpu.memory_space<vmem>>
      %dma_wait3A_605 = arith.constant 0 : i32
      %dma_wait3A_606 = arith.constant 0 : i32
      %dma_wait3A_607 = tpu.memref_slice %arg22[%dma_wait3A_605, %dma_wait3A_606] : memref<10240x16xf32, #tpu.memory_space<vmem_shared>> -> memref<10240x16xf32, #tpu.memory_space<vmem_shared>>
      tpu.wait_indirect_dma semaphore(%arg41 : memref<!tpu.dma_semaphore, #tpu.memory_space<semaphore_mem>>) src(%arg12 : memref<128x16xf32, #tpu.memory_space<vmem>>) dst(%dma_wait3A_607 : memref<10240x16xf32, #tpu.memory_space<vmem_shared>>)
      %add3A_608 = arith.constant 13 : i32
      %add3A_609 = arith.addi %mul3A_301, %add3A_608 : i32
      %add3A_610 = arith.constant 5 : i32
      %add3A_611 = arith.addi %add3A_609, %add3A_610 : i32
      %mul3A_612 = arith.constant 128 : i32
      %mul3A_613 = arith.muli %add3A_611, %mul3A_612 : i32
      %dma_start3A_614 = tpu.memref_slice %arg5[%mul3A_613] : memref<10000xi32, #tpu.memory_space<vmem>> -> memref<128xi32, #tpu.memory_space<vmem>>
      %dma_start3A_615 = arith.constant 0 : i32
      %dma_start3A_616 = arith.constant 0 : i32
      %dma_start3A_617 = tpu.memref_slice %arg3[%dma_start3A_615, %dma_start3A_616] : memref<10000x16xf32, #tpu.memory_space<hbm>> -> memref<10000x16xf32, #tpu.memory_space<hbm>>
      tpu.enqueue_indirect_dma source(%dma_start3A_617 : memref<10000x16xf32, #tpu.memory_space<hbm>>) target(%arg12 : memref<128x16xf32, #tpu.memory_space<vmem>>) offsets(%dma_start3A_614 : memref<128xi32, #tpu.memory_space<vmem>>) semaphore(%arg28 : memref<!tpu.dma_semaphore, #tpu.memory_space<semaphore_mem>>)
      %add3A_618 = arith.constant 6 : i32
      %add3A_619 = arith.addi %mul3A_301, %add3A_618 : i32
      %mul3A_620 = arith.constant 128 : i32
      %mul3A_621 = arith.muli %add3A_619, %mul3A_620 : i32
      %dma_wait3A_622 = tpu.memref_slice %arg6[%mul3A_621] : memref<10000xi32, #tpu.memory_space<vmem>> -> memref<128xi32, #tpu.memory_space<vmem>>
      %dma_wait3A_623 = arith.constant 0 : i32
      %dma_wait3A_624 = arith.constant 0 : i32
      %dma_wait3A_625 = tpu.memref_slice %arg22[%dma_wait3A_623, %dma_wait3A_624] : memref<10240x16xf32, #tpu.memory_space<vmem_shared>> -> memref<10240x16xf32, #tpu.memory_space<vmem_shared>>
      tpu.wait_indirect_dma semaphore(%arg42 : memref<!tpu.dma_semaphore, #tpu.memory_space<semaphore_mem>>) src(%arg13 : memref<128x16xf32, #tpu.memory_space<vmem>>) dst(%dma_wait3A_625 : memref<10240x16xf32, #tpu.memory_space<vmem_shared>>)
      %add3A_626 = arith.constant 13 : i32
      %add3A_627 = arith.addi %mul3A_301, %add3A_626 : i32
      %add3A_628 = arith.constant 6 : i32
      %add3A_629 = arith.addi %add3A_627, %add3A_628 : i32
      %mul3A_630 = arith.constant 128 : i32
      %mul3A_631 = arith.muli %add3A_629, %mul3A_630 : i32
      %dma_start3A_632 = tpu.memref_slice %arg5[%mul3A_631] : memref<10000xi32, #tpu.memory_space<vmem>> -> memref<128xi32, #tpu.memory_space<vmem>>
      %dma_start3A_633 = arith.constant 0 : i32
      %dma_start3A_634 = arith.constant 0 : i32
      %dma_start3A_635 = tpu.memref_slice %arg3[%dma_start3A_633, %dma_start3A_634] : memref<10000x16xf32, #tpu.memory_space<hbm>> -> memref<10000x16xf32, #tpu.memory_space<hbm>>
      tpu.enqueue_indirect_dma source(%dma_start3A_635 : memref<10000x16xf32, #tpu.memory_space<hbm>>) target(%arg13 : memref<128x16xf32, #tpu.memory_space<vmem>>) offsets(%dma_start3A_632 : memref<128xi32, #tpu.memory_space<vmem>>) semaphore(%arg29 : memref<!tpu.dma_semaphore, #tpu.memory_space<semaphore_mem>>)
      %add3A_636 = arith.constant 7 : i32
      %add3A_637 = arith.addi %mul3A_301, %add3A_636 : i32
      %mul3A_638 = arith.constant 128 : i32
      %mul3A_639 = arith.muli %add3A_637, %mul3A_638 : i32
      %dma_wait3A_640 = tpu.memref_slice %arg6[%mul3A_639] : memref<10000xi32, #tpu.memory_space<vmem>> -> memref<128xi32, #tpu.memory_space<vmem>>
      %dma_wait3A_641 = arith.constant 0 : i32
      %dma_wait3A_642 = arith.constant 0 : i32
      %dma_wait3A_643 = tpu.memref_slice %arg22[%dma_wait3A_641, %dma_wait3A_642] : memref<10240x16xf32, #tpu.memory_space<vmem_shared>> -> memref<10240x16xf32, #tpu.memory_space<vmem_shared>>
      tpu.wait_indirect_dma semaphore(%arg43 : memref<!tpu.dma_semaphore, #tpu.memory_space<semaphore_mem>>) src(%arg14 : memref<128x16xf32, #tpu.memory_space<vmem>>) dst(%dma_wait3A_643 : memref<10240x16xf32, #tpu.memory_space<vmem_shared>>)
      %add3A_644 = arith.constant 13 : i32
      %add3A_645 = arith.addi %mul3A_301, %add3A_644 : i32
      %add3A_646 = arith.constant 7 : i32
      %add3A_647 = arith.addi %add3A_645, %add3A_646 : i32
      %mul3A_648 = arith.constant 128 : i32
      %mul3A_649 = arith.muli %add3A_647, %mul3A_648 : i32
      %dma_start3A_650 = tpu.memref_slice %arg5[%mul3A_649] : memref<10000xi32, #tpu.memory_space<vmem>> -> memref<128xi32, #tpu.memory_space<vmem>>
      %dma_start3A_651 = arith.constant 0 : i32
      %dma_start3A_652 = arith.constant 0 : i32
      %dma_start3A_653 = tpu.memref_slice %arg3[%dma_start3A_651, %dma_start3A_652] : memref<10000x16xf32, #tpu.memory_space<hbm>> -> memref<10000x16xf32, #tpu.memory_space<hbm>>
      tpu.enqueue_indirect_dma source(%dma_start3A_653 : memref<10000x16xf32, #tpu.memory_space<hbm>>) target(%arg14 : memref<128x16xf32, #tpu.memory_space<vmem>>) offsets(%dma_start3A_650 : memref<128xi32, #tpu.memory_space<vmem>>) semaphore(%arg30 : memref<!tpu.dma_semaphore, #tpu.memory_space<semaphore_mem>>)
      %add3A_654 = arith.constant 8 : i32
      %add3A_655 = arith.addi %mul3A_301, %add3A_654 : i32
      %mul3A_656 = arith.constant 128 : i32
      %mul3A_657 = arith.muli %add3A_655, %mul3A_656 : i32
      %dma_wait3A_658 = tpu.memref_slice %arg6[%mul3A_657] : memref<10000xi32, #tpu.memory_space<vmem>> -> memref<128xi32, #tpu.memory_space<vmem>>
      %dma_wait3A_659 = arith.constant 0 : i32
      %dma_wait3A_660 = arith.constant 0 : i32
      %dma_wait3A_661 = tpu.memref_slice %arg22[%dma_wait3A_659, %dma_wait3A_660] : memref<10240x16xf32, #tpu.memory_space<vmem_shared>> -> memref<10240x16xf32, #tpu.memory_space<vmem_shared>>
      tpu.wait_indirect_dma semaphore(%arg44 : memref<!tpu.dma_semaphore, #tpu.memory_space<semaphore_mem>>) src(%arg15 : memref<128x16xf32, #tpu.memory_space<vmem>>) dst(%dma_wait3A_661 : memref<10240x16xf32, #tpu.memory_space<vmem_shared>>)
      %add3A_662 = arith.constant 13 : i32
      %add3A_663 = arith.addi %mul3A_301, %add3A_662 : i32
      %add3A_664 = arith.constant 8 : i32
      %add3A_665 = arith.addi %add3A_663, %add3A_664 : i32
      %mul3A_666 = arith.constant 128 : i32
      %mul3A_667 = arith.muli %add3A_665, %mul3A_666 : i32
      %dma_start3A_668 = tpu.memref_slice %arg5[%mul3A_667] : memref<10000xi32, #tpu.memory_space<vmem>> -> memref<128xi32, #tpu.memory_space<vmem>>
      %dma_start3A_669 = arith.constant 0 : i32
      %dma_start3A_670 = arith.constant 0 : i32
      %dma_start3A_671 = tpu.memref_slice %arg3[%dma_start3A_669, %dma_start3A_670] : memref<10000x16xf32, #tpu.memory_space<hbm>> -> memref<10000x16xf32, #tpu.memory_space<hbm>>
      tpu.enqueue_indirect_dma source(%dma_start3A_671 : memref<10000x16xf32, #tpu.memory_space<hbm>>) target(%arg15 : memref<128x16xf32, #tpu.memory_space<vmem>>) offsets(%dma_start3A_668 : memref<128xi32, #tpu.memory_space<vmem>>) semaphore(%arg31 : memref<!tpu.dma_semaphore, #tpu.memory_space<semaphore_mem>>)
      %add3A_672 = arith.constant 9 : i32
      %add3A_673 = arith.addi %mul3A_301, %add3A_672 : i32
      %mul3A_674 = arith.constant 128 : i32
      %mul3A_675 = arith.muli %add3A_673, %mul3A_674 : i32
      %dma_wait3A_676 = tpu.memref_slice %arg6[%mul3A_675] : memref<10000xi32, #tpu.memory_space<vmem>> -> memref<128xi32, #tpu.memory_space<vmem>>
      %dma_wait3A_677 = arith.constant 0 : i32
      %dma_wait3A_678 = arith.constant 0 : i32
      %dma_wait3A_679 = tpu.memref_slice %arg22[%dma_wait3A_677, %dma_wait3A_678] : memref<10240x16xf32, #tpu.memory_space<vmem_shared>> -> memref<10240x16xf32, #tpu.memory_space<vmem_shared>>
      tpu.wait_indirect_dma semaphore(%arg45 : memref<!tpu.dma_semaphore, #tpu.memory_space<semaphore_mem>>) src(%arg16 : memref<128x16xf32, #tpu.memory_space<vmem>>) dst(%dma_wait3A_679 : memref<10240x16xf32, #tpu.memory_space<vmem_shared>>)
      %add3A_680 = arith.constant 13 : i32
      %add3A_681 = arith.addi %mul3A_301, %add3A_680 : i32
      %add3A_682 = arith.constant 9 : i32
      %add3A_683 = arith.addi %add3A_681, %add3A_682 : i32
      %mul3A_684 = arith.constant 128 : i32
      %mul3A_685 = arith.muli %add3A_683, %mul3A_684 : i32
      %dma_start3A_686 = tpu.memref_slice %arg5[%mul3A_685] : memref<10000xi32, #tpu.memory_space<vmem>> -> memref<128xi32, #tpu.memory_space<vmem>>
      %dma_start3A_687 = arith.constant 0 : i32
      %dma_start3A_688 = arith.constant 0 : i32
      %dma_start3A_689 = tpu.memref_slice %arg3[%dma_start3A_687, %dma_start3A_688] : memref<10000x16xf32, #tpu.memory_space<hbm>> -> memref<10000x16xf32, #tpu.memory_space<hbm>>
      tpu.enqueue_indirect_dma source(%dma_start3A_689 : memref<10000x16xf32, #tpu.memory_space<hbm>>) target(%arg16 : memref<128x16xf32, #tpu.memory_space<vmem>>) offsets(%dma_start3A_686 : memref<128xi32, #tpu.memory_space<vmem>>) semaphore(%arg32 : memref<!tpu.dma_semaphore, #tpu.memory_space<semaphore_mem>>)
      %add3A_690 = arith.constant 10 : i32
      %add3A_691 = arith.addi %mul3A_301, %add3A_690 : i32
      %mul3A_692 = arith.constant 128 : i32
      %mul3A_693 = arith.muli %add3A_691, %mul3A_692 : i32
      %dma_wait3A_694 = tpu.memref_slice %arg6[%mul3A_693] : memref<10000xi32, #tpu.memory_space<vmem>> -> memref<128xi32, #tpu.memory_space<vmem>>
      %dma_wait3A_695 = arith.constant 0 : i32
      %dma_wait3A_696 = arith.constant 0 : i32
      %dma_wait3A_697 = tpu.memref_slice %arg22[%dma_wait3A_695, %dma_wait3A_696] : memref<10240x16xf32, #tpu.memory_space<vmem_shared>> -> memref<10240x16xf32, #tpu.memory_space<vmem_shared>>
      tpu.wait_indirect_dma semaphore(%arg46 : memref<!tpu.dma_semaphore, #tpu.memory_space<semaphore_mem>>) src(%arg17 : memref<128x16xf32, #tpu.memory_space<vmem>>) dst(%dma_wait3A_697 : memref<10240x16xf32, #tpu.memory_space<vmem_shared>>)
      %add3A_698 = arith.constant 13 : i32
      %add3A_699 = arith.addi %mul3A_301, %add3A_698 : i32
      %add3A_700 = arith.constant 10 : i32
      %add3A_701 = arith.addi %add3A_699, %add3A_700 : i32
      %mul3A_702 = arith.constant 128 : i32
      %mul3A_703 = arith.muli %add3A_701, %mul3A_702 : i32
      %dma_start3A_704 = tpu.memref_slice %arg5[%mul3A_703] : memref<10000xi32, #tpu.memory_space<vmem>> -> memref<128xi32, #tpu.memory_space<vmem>>
      %dma_start3A_705 = arith.constant 0 : i32
      %dma_start3A_706 = arith.constant 0 : i32
      %dma_start3A_707 = tpu.memref_slice %arg3[%dma_start3A_705, %dma_start3A_706] : memref<10000x16xf32, #tpu.memory_space<hbm>> -> memref<10000x16xf32, #tpu.memory_space<hbm>>
      tpu.enqueue_indirect_dma source(%dma_start3A_707 : memref<10000x16xf32, #tpu.memory_space<hbm>>) target(%arg17 : memref<128x16xf32, #tpu.memory_space<vmem>>) offsets(%dma_start3A_704 : memref<128xi32, #tpu.memory_space<vmem>>) semaphore(%arg33 : memref<!tpu.dma_semaphore, #tpu.memory_space<semaphore_mem>>)
      %add3A_708 = arith.constant 11 : i32
      %add3A_709 = arith.addi %mul3A_301, %add3A_708 : i32
      %mul3A_710 = arith.constant 128 : i32
      %mul3A_711 = arith.muli %add3A_709, %mul3A_710 : i32
      %dma_wait3A_712 = tpu.memref_slice %arg6[%mul3A_711] : memref<10000xi32, #tpu.memory_space<vmem>> -> memref<128xi32, #tpu.memory_space<vmem>>
      %dma_wait3A_713 = arith.constant 0 : i32
      %dma_wait3A_714 = arith.constant 0 : i32
      %dma_wait3A_715 = tpu.memref_slice %arg22[%dma_wait3A_713, %dma_wait3A_714] : memref<10240x16xf32, #tpu.memory_space<vmem_shared>> -> memref<10240x16xf32, #tpu.memory_space<vmem_shared>>
      tpu.wait_indirect_dma semaphore(%arg47 : memref<!tpu.dma_semaphore, #tpu.memory_space<semaphore_mem>>) src(%arg18 : memref<128x16xf32, #tpu.memory_space<vmem>>) dst(%dma_wait3A_715 : memref<10240x16xf32, #tpu.memory_space<vmem_shared>>)
      %add3A_716 = arith.constant 13 : i32
      %add3A_717 = arith.addi %mul3A_301, %add3A_716 : i32
      %add3A_718 = arith.constant 11 : i32
      %add3A_719 = arith.addi %add3A_717, %add3A_718 : i32
      %mul3A_720 = arith.constant 128 : i32
      %mul3A_721 = arith.muli %add3A_719, %mul3A_720 : i32
      %dma_start3A_722 = tpu.memref_slice %arg5[%mul3A_721] : memref<10000xi32, #tpu.memory_space<vmem>> -> memref<128xi32, #tpu.memory_space<vmem>>
      %dma_start3A_723 = arith.constant 0 : i32
      %dma_start3A_724 = arith.constant 0 : i32
      %dma_start3A_725 = tpu.memref_slice %arg3[%dma_start3A_723, %dma_start3A_724] : memref<10000x16xf32, #tpu.memory_space<hbm>> -> memref<10000x16xf32, #tpu.memory_space<hbm>>
      tpu.enqueue_indirect_dma source(%dma_start3A_725 : memref<10000x16xf32, #tpu.memory_space<hbm>>) target(%arg18 : memref<128x16xf32, #tpu.memory_space<vmem>>) offsets(%dma_start3A_722 : memref<128xi32, #tpu.memory_space<vmem>>) semaphore(%arg34 : memref<!tpu.dma_semaphore, #tpu.memory_space<semaphore_mem>>)
      %add3A_726 = arith.constant 12 : i32
      %add3A_727 = arith.addi %mul3A_301, %add3A_726 : i32
      %mul3A_728 = arith.constant 128 : i32
      %mul3A_729 = arith.muli %add3A_727, %mul3A_728 : i32
      %dma_wait3A_730 = tpu.memref_slice %arg6[%mul3A_729] : memref<10000xi32, #tpu.memory_space<vmem>> -> memref<128xi32, #tpu.memory_space<vmem>>
      %dma_wait3A_731 = arith.constant 0 : i32
      %dma_wait3A_732 = arith.constant 0 : i32
      %dma_wait3A_733 = tpu.memref_slice %arg22[%dma_wait3A_731, %dma_wait3A_732] : memref<10240x16xf32, #tpu.memory_space<vmem_shared>> -> memref<10240x16xf32, #tpu.memory_space<vmem_shared>>
      tpu.wait_indirect_dma semaphore(%arg48 : memref<!tpu.dma_semaphore, #tpu.memory_space<semaphore_mem>>) src(%arg19 : memref<128x16xf32, #tpu.memory_space<vmem>>) dst(%dma_wait3A_733 : memref<10240x16xf32, #tpu.memory_space<vmem_shared>>)
      %add3A_734 = arith.constant 13 : i32
      %add3A_735 = arith.addi %mul3A_301, %add3A_734 : i32
      %add3A_736 = arith.constant 12 : i32
      %add3A_737 = arith.addi %add3A_735, %add3A_736 : i32
      %mul3A_738 = arith.constant 128 : i32
      %mul3A_739 = arith.muli %add3A_737, %mul3A_738 : i32
      %dma_start3A_740 = tpu.memref_slice %arg5[%mul3A_739] : memref<10000xi32, #tpu.memory_space<vmem>> -> memref<128xi32, #tpu.memory_space<vmem>>
      %dma_start3A_741 = arith.constant 0 : i32
      %dma_start3A_742 = arith.constant 0 : i32
      %dma_start3A_743 = tpu.memref_slice %arg3[%dma_start3A_741, %dma_start3A_742] : memref<10000x16xf32, #tpu.memory_space<hbm>> -> memref<10000x16xf32, #tpu.memory_space<hbm>>
      tpu.enqueue_indirect_dma source(%dma_start3A_743 : memref<10000x16xf32, #tpu.memory_space<hbm>>) target(%arg19 : memref<128x16xf32, #tpu.memory_space<vmem>>) offsets(%dma_start3A_740 : memref<128xi32, #tpu.memory_space<vmem>>) semaphore(%arg35 : memref<!tpu.dma_semaphore, #tpu.memory_space<semaphore_mem>>)
    }
    %scan3A_95 = arith.constant 5 : i32
    %dma_wait3A_96 = arith.constant 8320 : i32
    %dma_wait3A_97 = tpu.memref_slice %arg5[%dma_wait3A_96] : memref<10000xi32, #tpu.memory_space<vmem>> -> memref<128xi32, #tpu.memory_space<vmem>>
    %dma_wait3A_98 = arith.constant 0 : i32
    %dma_wait3A_99 = arith.constant 0 : i32
    %dma_wait3A_100 = tpu.memref_slice %arg3[%dma_wait3A_98, %dma_wait3A_99] : memref<10000x16xf32, #tpu.memory_space<hbm>> -> memref<10000x16xf32, #tpu.memory_space<hbm>>
    tpu.wait_indirect_dma semaphore(%arg23 : memref<!tpu.dma_semaphore, #tpu.memory_space<semaphore_mem>>) src(%dma_wait3A_100 : memref<10000x16xf32, #tpu.memory_space<hbm>>) dst(%arg7 : memref<128x16xf32, #tpu.memory_space<vmem>>)
    %dma_start3A_101 = arith.constant 8320 : i32
    %dma_start3A_102 = tpu.memref_slice %arg6[%dma_start3A_101] : memref<10000xi32, #tpu.memory_space<vmem>> -> memref<128xi32, #tpu.memory_space<vmem>>
    %dma_start3A_103 = arith.constant 0 : i32
    %dma_start3A_104 = arith.constant 0 : i32
    %dma_start3A_105 = tpu.memref_slice %arg22[%dma_start3A_103, %dma_start3A_104] : memref<10240x16xf32, #tpu.memory_space<vmem_shared>> -> memref<10240x16xf32, #tpu.memory_space<vmem_shared>>
    tpu.enqueue_indirect_dma source(%arg7 : memref<128x16xf32, #tpu.memory_space<vmem>>) target(%dma_start3A_105 : memref<10240x16xf32, #tpu.memory_space<vmem_shared>>) offsets(%dma_start3A_102 : memref<128xi32, #tpu.memory_space<vmem>>) semaphore(%arg36 : memref<!tpu.dma_semaphore, #tpu.memory_space<semaphore_mem>>) {add = true}
    %dma_wait3A_106 = arith.constant 8448 : i32
    %dma_wait3A_107 = tpu.memref_slice %arg5[%dma_wait3A_106] : memref<10000xi32, #tpu.memory_space<vmem>> -> memref<128xi32, #tpu.memory_space<vmem>>
    %dma_wait3A_108 = arith.constant 0 : i32
    %dma_wait3A_109 = arith.constant 0 : i32
    %dma_wait3A_110 = tpu.memref_slice %arg3[%dma_wait3A_108, %dma_wait3A_109] : memref<10000x16xf32, #tpu.memory_space<hbm>> -> memref<10000x16xf32, #tpu.memory_space<hbm>>
    tpu.wait_indirect_dma semaphore(%arg24 : memref<!tpu.dma_semaphore, #tpu.memory_space<semaphore_mem>>) src(%dma_wait3A_110 : memref<10000x16xf32, #tpu.memory_space<hbm>>) dst(%arg8 : memref<128x16xf32, #tpu.memory_space<vmem>>)
    %dma_start3A_111 = arith.constant 8448 : i32
    %dma_start3A_112 = tpu.memref_slice %arg6[%dma_start3A_111] : memref<10000xi32, #tpu.memory_space<vmem>> -> memref<128xi32, #tpu.memory_space<vmem>>
    %dma_start3A_113 = arith.constant 0 : i32
    %dma_start3A_114 = arith.constant 0 : i32
    %dma_start3A_115 = tpu.memref_slice %arg22[%dma_start3A_113, %dma_start3A_114] : memref<10240x16xf32, #tpu.memory_space<vmem_shared>> -> memref<10240x16xf32, #tpu.memory_space<vmem_shared>>
    tpu.enqueue_indirect_dma source(%arg8 : memref<128x16xf32, #tpu.memory_space<vmem>>) target(%dma_start3A_115 : memref<10240x16xf32, #tpu.memory_space<vmem_shared>>) offsets(%dma_start3A_112 : memref<128xi32, #tpu.memory_space<vmem>>) semaphore(%arg37 : memref<!tpu.dma_semaphore, #tpu.memory_space<semaphore_mem>>) {add = true}
    %dma_wait3A_116 = arith.constant 8576 : i32
    %dma_wait3A_117 = tpu.memref_slice %arg5[%dma_wait3A_116] : memref<10000xi32, #tpu.memory_space<vmem>> -> memref<128xi32, #tpu.memory_space<vmem>>
    %dma_wait3A_118 = arith.constant 0 : i32
    %dma_wait3A_119 = arith.constant 0 : i32
    %dma_wait3A_120 = tpu.memref_slice %arg3[%dma_wait3A_118, %dma_wait3A_119] : memref<10000x16xf32, #tpu.memory_space<hbm>> -> memref<10000x16xf32, #tpu.memory_space<hbm>>
    tpu.wait_indirect_dma semaphore(%arg25 : memref<!tpu.dma_semaphore, #tpu.memory_space<semaphore_mem>>) src(%dma_wait3A_120 : memref<10000x16xf32, #tpu.memory_space<hbm>>) dst(%arg9 : memref<128x16xf32, #tpu.memory_space<vmem>>)
    %dma_start3A_121 = arith.constant 8576 : i32
    %dma_start3A_122 = tpu.memref_slice %arg6[%dma_start3A_121] : memref<10000xi32, #tpu.memory_space<vmem>> -> memref<128xi32, #tpu.memory_space<vmem>>
    %dma_start3A_123 = arith.constant 0 : i32
    %dma_start3A_124 = arith.constant 0 : i32
    %dma_start3A_125 = tpu.memref_slice %arg22[%dma_start3A_123, %dma_start3A_124] : memref<10240x16xf32, #tpu.memory_space<vmem_shared>> -> memref<10240x16xf32, #tpu.memory_space<vmem_shared>>
    tpu.enqueue_indirect_dma source(%arg9 : memref<128x16xf32, #tpu.memory_space<vmem>>) target(%dma_start3A_125 : memref<10240x16xf32, #tpu.memory_space<vmem_shared>>) offsets(%dma_start3A_122 : memref<128xi32, #tpu.memory_space<vmem>>) semaphore(%arg38 : memref<!tpu.dma_semaphore, #tpu.memory_space<semaphore_mem>>) {add = true}
    %dma_wait3A_126 = arith.constant 8704 : i32
    %dma_wait3A_127 = tpu.memref_slice %arg5[%dma_wait3A_126] : memref<10000xi32, #tpu.memory_space<vmem>> -> memref<128xi32, #tpu.memory_space<vmem>>
    %dma_wait3A_128 = arith.constant 0 : i32
    %dma_wait3A_129 = arith.constant 0 : i32
    %dma_wait3A_130 = tpu.memref_slice %arg3[%dma_wait3A_128, %dma_wait3A_129] : memref<10000x16xf32, #tpu.memory_space<hbm>> -> memref<10000x16xf32, #tpu.memory_space<hbm>>
    tpu.wait_indirect_dma semaphore(%arg26 : memref<!tpu.dma_semaphore, #tpu.memory_space<semaphore_mem>>) src(%dma_wait3A_130 : memref<10000x16xf32, #tpu.memory_space<hbm>>) dst(%arg10 : memref<128x16xf32, #tpu.memory_space<vmem>>)
    %dma_start3A_131 = arith.constant 8704 : i32
    %dma_start3A_132 = tpu.memref_slice %arg6[%dma_start3A_131] : memref<10000xi32, #tpu.memory_space<vmem>> -> memref<128xi32, #tpu.memory_space<vmem>>
    %dma_start3A_133 = arith.constant 0 : i32
    %dma_start3A_134 = arith.constant 0 : i32
    %dma_start3A_135 = tpu.memref_slice %arg22[%dma_start3A_133, %dma_start3A_134] : memref<10240x16xf32, #tpu.memory_space<vmem_shared>> -> memref<10240x16xf32, #tpu.memory_space<vmem_shared>>
    tpu.enqueue_indirect_dma source(%arg10 : memref<128x16xf32, #tpu.memory_space<vmem>>) target(%dma_start3A_135 : memref<10240x16xf32, #tpu.memory_space<vmem_shared>>) offsets(%dma_start3A_132 : memref<128xi32, #tpu.memory_space<vmem>>) semaphore(%arg39 : memref<!tpu.dma_semaphore, #tpu.memory_space<semaphore_mem>>) {add = true}
    %dma_wait3A_136 = arith.constant 8832 : i32
    %dma_wait3A_137 = tpu.memref_slice %arg5[%dma_wait3A_136] : memref<10000xi32, #tpu.memory_space<vmem>> -> memref<128xi32, #tpu.memory_space<vmem>>
    %dma_wait3A_138 = arith.constant 0 : i32
    %dma_wait3A_139 = arith.constant 0 : i32
    %dma_wait3A_140 = tpu.memref_slice %arg3[%dma_wait3A_138, %dma_wait3A_139] : memref<10000x16xf32, #tpu.memory_space<hbm>> -> memref<10000x16xf32, #tpu.memory_space<hbm>>
    tpu.wait_indirect_dma semaphore(%arg27 : memref<!tpu.dma_semaphore, #tpu.memory_space<semaphore_mem>>) src(%dma_wait3A_140 : memref<10000x16xf32, #tpu.memory_space<hbm>>) dst(%arg11 : memref<128x16xf32, #tpu.memory_space<vmem>>)
    %dma_start3A_141 = arith.constant 8832 : i32
    %dma_start3A_142 = tpu.memref_slice %arg6[%dma_start3A_141] : memref<10000xi32, #tpu.memory_space<vmem>> -> memref<128xi32, #tpu.memory_space<vmem>>
    %dma_start3A_143 = arith.constant 0 : i32
    %dma_start3A_144 = arith.constant 0 : i32
    %dma_start3A_145 = tpu.memref_slice %arg22[%dma_start3A_143, %dma_start3A_144] : memref<10240x16xf32, #tpu.memory_space<vmem_shared>> -> memref<10240x16xf32, #tpu.memory_space<vmem_shared>>
    tpu.enqueue_indirect_dma source(%arg11 : memref<128x16xf32, #tpu.memory_space<vmem>>) target(%dma_start3A_145 : memref<10240x16xf32, #tpu.memory_space<vmem_shared>>) offsets(%dma_start3A_142 : memref<128xi32, #tpu.memory_space<vmem>>) semaphore(%arg40 : memref<!tpu.dma_semaphore, #tpu.memory_space<semaphore_mem>>) {add = true}
    %dma_wait3A_146 = arith.constant 8960 : i32
    %dma_wait3A_147 = tpu.memref_slice %arg5[%dma_wait3A_146] : memref<10000xi32, #tpu.memory_space<vmem>> -> memref<128xi32, #tpu.memory_space<vmem>>
    %dma_wait3A_148 = arith.constant 0 : i32
    %dma_wait3A_149 = arith.constant 0 : i32
    %dma_wait3A_150 = tpu.memref_slice %arg3[%dma_wait3A_148, %dma_wait3A_149] : memref<10000x16xf32, #tpu.memory_space<hbm>> -> memref<10000x16xf32, #tpu.memory_space<hbm>>
    tpu.wait_indirect_dma semaphore(%arg28 : memref<!tpu.dma_semaphore, #tpu.memory_space<semaphore_mem>>) src(%dma_wait3A_150 : memref<10000x16xf32, #tpu.memory_space<hbm>>) dst(%arg12 : memref<128x16xf32, #tpu.memory_space<vmem>>)
    %dma_start3A_151 = arith.constant 8960 : i32
    %dma_start3A_152 = tpu.memref_slice %arg6[%dma_start3A_151] : memref<10000xi32, #tpu.memory_space<vmem>> -> memref<128xi32, #tpu.memory_space<vmem>>
    %dma_start3A_153 = arith.constant 0 : i32
    %dma_start3A_154 = arith.constant 0 : i32
    %dma_start3A_155 = tpu.memref_slice %arg22[%dma_start3A_153, %dma_start3A_154] : memref<10240x16xf32, #tpu.memory_space<vmem_shared>> -> memref<10240x16xf32, #tpu.memory_space<vmem_shared>>
    tpu.enqueue_indirect_dma source(%arg12 : memref<128x16xf32, #tpu.memory_space<vmem>>) target(%dma_start3A_155 : memref<10240x16xf32, #tpu.memory_space<vmem_shared>>) offsets(%dma_start3A_152 : memref<128xi32, #tpu.memory_space<vmem>>) semaphore(%arg41 : memref<!tpu.dma_semaphore, #tpu.memory_space<semaphore_mem>>) {add = true}
    %dma_wait3A_156 = arith.constant 9088 : i32
    %dma_wait3A_157 = tpu.memref_slice %arg5[%dma_wait3A_156] : memref<10000xi32, #tpu.memory_space<vmem>> -> memref<128xi32, #tpu.memory_space<vmem>>
    %dma_wait3A_158 = arith.constant 0 : i32
    %dma_wait3A_159 = arith.constant 0 : i32
    %dma_wait3A_160 = tpu.memref_slice %arg3[%dma_wait3A_158, %dma_wait3A_159] : memref<10000x16xf32, #tpu.memory_space<hbm>> -> memref<10000x16xf32, #tpu.memory_space<hbm>>
    tpu.wait_indirect_dma semaphore(%arg29 : memref<!tpu.dma_semaphore, #tpu.memory_space<semaphore_mem>>) src(%dma_wait3A_160 : memref<10000x16xf32, #tpu.memory_space<hbm>>) dst(%arg13 : memref<128x16xf32, #tpu.memory_space<vmem>>)
    %dma_start3A_161 = arith.constant 9088 : i32
    %dma_start3A_162 = tpu.memref_slice %arg6[%dma_start3A_161] : memref<10000xi32, #tpu.memory_space<vmem>> -> memref<128xi32, #tpu.memory_space<vmem>>
    %dma_start3A_163 = arith.constant 0 : i32
    %dma_start3A_164 = arith.constant 0 : i32
    %dma_start3A_165 = tpu.memref_slice %arg22[%dma_start3A_163, %dma_start3A_164] : memref<10240x16xf32, #tpu.memory_space<vmem_shared>> -> memref<10240x16xf32, #tpu.memory_space<vmem_shared>>
    tpu.enqueue_indirect_dma source(%arg13 : memref<128x16xf32, #tpu.memory_space<vmem>>) target(%dma_start3A_165 : memref<10240x16xf32, #tpu.memory_space<vmem_shared>>) offsets(%dma_start3A_162 : memref<128xi32, #tpu.memory_space<vmem>>) semaphore(%arg42 : memref<!tpu.dma_semaphore, #tpu.memory_space<semaphore_mem>>) {add = true}
    %dma_wait3A_166 = arith.constant 9216 : i32
    %dma_wait3A_167 = tpu.memref_slice %arg5[%dma_wait3A_166] : memref<10000xi32, #tpu.memory_space<vmem>> -> memref<128xi32, #tpu.memory_space<vmem>>
    %dma_wait3A_168 = arith.constant 0 : i32
    %dma_wait3A_169 = arith.constant 0 : i32
    %dma_wait3A_170 = tpu.memref_slice %arg3[%dma_wait3A_168, %dma_wait3A_169] : memref<10000x16xf32, #tpu.memory_space<hbm>> -> memref<10000x16xf32, #tpu.memory_space<hbm>>
    tpu.wait_indirect_dma semaphore(%arg30 : memref<!tpu.dma_semaphore, #tpu.memory_space<semaphore_mem>>) src(%dma_wait3A_170 : memref<10000x16xf32, #tpu.memory_space<hbm>>) dst(%arg14 : memref<128x16xf32, #tpu.memory_space<vmem>>)
    %dma_start3A_171 = arith.constant 9216 : i32
    %dma_start3A_172 = tpu.memref_slice %arg6[%dma_start3A_171] : memref<10000xi32, #tpu.memory_space<vmem>> -> memref<128xi32, #tpu.memory_space<vmem>>
    %dma_start3A_173 = arith.constant 0 : i32
    %dma_start3A_174 = arith.constant 0 : i32
    %dma_start3A_175 = tpu.memref_slice %arg22[%dma_start3A_173, %dma_start3A_174] : memref<10240x16xf32, #tpu.memory_space<vmem_shared>> -> memref<10240x16xf32, #tpu.memory_space<vmem_shared>>
    tpu.enqueue_indirect_dma source(%arg14 : memref<128x16xf32, #tpu.memory_space<vmem>>) target(%dma_start3A_175 : memref<10240x16xf32, #tpu.memory_space<vmem_shared>>) offsets(%dma_start3A_172 : memref<128xi32, #tpu.memory_space<vmem>>) semaphore(%arg43 : memref<!tpu.dma_semaphore, #tpu.memory_space<semaphore_mem>>) {add = true}
    %dma_wait3A_176 = arith.constant 9344 : i32
    %dma_wait3A_177 = tpu.memref_slice %arg5[%dma_wait3A_176] : memref<10000xi32, #tpu.memory_space<vmem>> -> memref<128xi32, #tpu.memory_space<vmem>>
    %dma_wait3A_178 = arith.constant 0 : i32
    %dma_wait3A_179 = arith.constant 0 : i32
    %dma_wait3A_180 = tpu.memref_slice %arg3[%dma_wait3A_178, %dma_wait3A_179] : memref<10000x16xf32, #tpu.memory_space<hbm>> -> memref<10000x16xf32, #tpu.memory_space<hbm>>
    tpu.wait_indirect_dma semaphore(%arg31 : memref<!tpu.dma_semaphore, #tpu.memory_space<semaphore_mem>>) src(%dma_wait3A_180 : memref<10000x16xf32, #tpu.memory_space<hbm>>) dst(%arg15 : memref<128x16xf32, #tpu.memory_space<vmem>>)
    %dma_start3A_181 = arith.constant 9344 : i32
    %dma_start3A_182 = tpu.memref_slice %arg6[%dma_start3A_181] : memref<10000xi32, #tpu.memory_space<vmem>> -> memref<128xi32, #tpu.memory_space<vmem>>
    %dma_start3A_183 = arith.constant 0 : i32
    %dma_start3A_184 = arith.constant 0 : i32
    %dma_start3A_185 = tpu.memref_slice %arg22[%dma_start3A_183, %dma_start3A_184] : memref<10240x16xf32, #tpu.memory_space<vmem_shared>> -> memref<10240x16xf32, #tpu.memory_space<vmem_shared>>
    tpu.enqueue_indirect_dma source(%arg15 : memref<128x16xf32, #tpu.memory_space<vmem>>) target(%dma_start3A_185 : memref<10240x16xf32, #tpu.memory_space<vmem_shared>>) offsets(%dma_start3A_182 : memref<128xi32, #tpu.memory_space<vmem>>) semaphore(%arg44 : memref<!tpu.dma_semaphore, #tpu.memory_space<semaphore_mem>>) {add = true}
    %dma_wait3A_186 = arith.constant 9472 : i32
    %dma_wait3A_187 = tpu.memref_slice %arg5[%dma_wait3A_186] : memref<10000xi32, #tpu.memory_space<vmem>> -> memref<128xi32, #tpu.memory_space<vmem>>
    %dma_wait3A_188 = arith.constant 0 : i32
    %dma_wait3A_189 = arith.constant 0 : i32
    %dma_wait3A_190 = tpu.memref_slice %arg3[%dma_wait3A_188, %dma_wait3A_189] : memref<10000x16xf32, #tpu.memory_space<hbm>> -> memref<10000x16xf32, #tpu.memory_space<hbm>>
    tpu.wait_indirect_dma semaphore(%arg32 : memref<!tpu.dma_semaphore, #tpu.memory_space<semaphore_mem>>) src(%dma_wait3A_190 : memref<10000x16xf32, #tpu.memory_space<hbm>>) dst(%arg16 : memref<128x16xf32, #tpu.memory_space<vmem>>)
    %dma_start3A_191 = arith.constant 9472 : i32
    %dma_start3A_192 = tpu.memref_slice %arg6[%dma_start3A_191] : memref<10000xi32, #tpu.memory_space<vmem>> -> memref<128xi32, #tpu.memory_space<vmem>>
    %dma_start3A_193 = arith.constant 0 : i32
    %dma_start3A_194 = arith.constant 0 : i32
    %dma_start3A_195 = tpu.memref_slice %arg22[%dma_start3A_193, %dma_start3A_194] : memref<10240x16xf32, #tpu.memory_space<vmem_shared>> -> memref<10240x16xf32, #tpu.memory_space<vmem_shared>>
    tpu.enqueue_indirect_dma source(%arg16 : memref<128x16xf32, #tpu.memory_space<vmem>>) target(%dma_start3A_195 : memref<10240x16xf32, #tpu.memory_space<vmem_shared>>) offsets(%dma_start3A_192 : memref<128xi32, #tpu.memory_space<vmem>>) semaphore(%arg45 : memref<!tpu.dma_semaphore, #tpu.memory_space<semaphore_mem>>) {add = true}
    %dma_wait3A_196 = arith.constant 9600 : i32
    %dma_wait3A_197 = tpu.memref_slice %arg5[%dma_wait3A_196] : memref<10000xi32, #tpu.memory_space<vmem>> -> memref<128xi32, #tpu.memory_space<vmem>>
    %dma_wait3A_198 = arith.constant 0 : i32
    %dma_wait3A_199 = arith.constant 0 : i32
    %dma_wait3A_200 = tpu.memref_slice %arg3[%dma_wait3A_198, %dma_wait3A_199] : memref<10000x16xf32, #tpu.memory_space<hbm>> -> memref<10000x16xf32, #tpu.memory_space<hbm>>
    tpu.wait_indirect_dma semaphore(%arg33 : memref<!tpu.dma_semaphore, #tpu.memory_space<semaphore_mem>>) src(%dma_wait3A_200 : memref<10000x16xf32, #tpu.memory_space<hbm>>) dst(%arg17 : memref<128x16xf32, #tpu.memory_space<vmem>>)
    %dma_start3A_201 = arith.constant 9600 : i32
    %dma_start3A_202 = tpu.memref_slice %arg6[%dma_start3A_201] : memref<10000xi32, #tpu.memory_space<vmem>> -> memref<128xi32, #tpu.memory_space<vmem>>
    %dma_start3A_203 = arith.constant 0 : i32
    %dma_start3A_204 = arith.constant 0 : i32
    %dma_start3A_205 = tpu.memref_slice %arg22[%dma_start3A_203, %dma_start3A_204] : memref<10240x16xf32, #tpu.memory_space<vmem_shared>> -> memref<10240x16xf32, #tpu.memory_space<vmem_shared>>
    tpu.enqueue_indirect_dma source(%arg17 : memref<128x16xf32, #tpu.memory_space<vmem>>) target(%dma_start3A_205 : memref<10240x16xf32, #tpu.memory_space<vmem_shared>>) offsets(%dma_start3A_202 : memref<128xi32, #tpu.memory_space<vmem>>) semaphore(%arg46 : memref<!tpu.dma_semaphore, #tpu.memory_space<semaphore_mem>>) {add = true}
    %dma_wait3A_206 = arith.constant 9728 : i32
    %dma_wait3A_207 = tpu.memref_slice %arg5[%dma_wait3A_206] : memref<10000xi32, #tpu.memory_space<vmem>> -> memref<128xi32, #tpu.memory_space<vmem>>
    %dma_wait3A_208 = arith.constant 0 : i32
    %dma_wait3A_209 = arith.constant 0 : i32
    %dma_wait3A_210 = tpu.memref_slice %arg3[%dma_wait3A_208, %dma_wait3A_209] : memref<10000x16xf32, #tpu.memory_space<hbm>> -> memref<10000x16xf32, #tpu.memory_space<hbm>>
    tpu.wait_indirect_dma semaphore(%arg34 : memref<!tpu.dma_semaphore, #tpu.memory_space<semaphore_mem>>) src(%dma_wait3A_210 : memref<10000x16xf32, #tpu.memory_space<hbm>>) dst(%arg18 : memref<128x16xf32, #tpu.memory_space<vmem>>)
    %dma_start3A_211 = arith.constant 9728 : i32
    %dma_start3A_212 = tpu.memref_slice %arg6[%dma_start3A_211] : memref<10000xi32, #tpu.memory_space<vmem>> -> memref<128xi32, #tpu.memory_space<vmem>>
    %dma_start3A_213 = arith.constant 0 : i32
    %dma_start3A_214 = arith.constant 0 : i32
    %dma_start3A_215 = tpu.memref_slice %arg22[%dma_start3A_213, %dma_start3A_214] : memref<10240x16xf32, #tpu.memory_space<vmem_shared>> -> memref<10240x16xf32, #tpu.memory_space<vmem_shared>>
    tpu.enqueue_indirect_dma source(%arg18 : memref<128x16xf32, #tpu.memory_space<vmem>>) target(%dma_start3A_215 : memref<10240x16xf32, #tpu.memory_space<vmem_shared>>) offsets(%dma_start3A_212 : memref<128xi32, #tpu.memory_space<vmem>>) semaphore(%arg47 : memref<!tpu.dma_semaphore, #tpu.memory_space<semaphore_mem>>) {add = true}
    %dma_wait3A_216 = arith.constant 9856 : i32
    %dma_wait3A_217 = tpu.memref_slice %arg5[%dma_wait3A_216] : memref<10000xi32, #tpu.memory_space<vmem>> -> memref<128xi32, #tpu.memory_space<vmem>>
    %dma_wait3A_218 = arith.constant 0 : i32
    %dma_wait3A_219 = arith.constant 0 : i32
    %dma_wait3A_220 = tpu.memref_slice %arg3[%dma_wait3A_218, %dma_wait3A_219] : memref<10000x16xf32, #tpu.memory_space<hbm>> -> memref<10000x16xf32, #tpu.memory_space<hbm>>
    tpu.wait_indirect_dma semaphore(%arg35 : memref<!tpu.dma_semaphore, #tpu.memory_space<semaphore_mem>>) src(%dma_wait3A_220 : memref<10000x16xf32, #tpu.memory_space<hbm>>) dst(%arg19 : memref<128x16xf32, #tpu.memory_space<vmem>>)
    %dma_start3A_221 = arith.constant 9856 : i32
    %dma_start3A_222 = tpu.memref_slice %arg6[%dma_start3A_221] : memref<10000xi32, #tpu.memory_space<vmem>> -> memref<128xi32, #tpu.memory_space<vmem>>
    %dma_start3A_223 = arith.constant 0 : i32
    %dma_start3A_224 = arith.constant 0 : i32
    %dma_start3A_225 = tpu.memref_slice %arg22[%dma_start3A_223, %dma_start3A_224] : memref<10240x16xf32, #tpu.memory_space<vmem_shared>> -> memref<10240x16xf32, #tpu.memory_space<vmem_shared>>
    tpu.enqueue_indirect_dma source(%arg19 : memref<128x16xf32, #tpu.memory_space<vmem>>) target(%dma_start3A_225 : memref<10240x16xf32, #tpu.memory_space<vmem_shared>>) offsets(%dma_start3A_222 : memref<128xi32, #tpu.memory_space<vmem>>) semaphore(%arg48 : memref<!tpu.dma_semaphore, #tpu.memory_space<semaphore_mem>>) {add = true}
    %dma_wait3A_226 = arith.constant 8320 : i32
    %dma_wait3A_227 = tpu.memref_slice %arg6[%dma_wait3A_226] : memref<10000xi32, #tpu.memory_space<vmem>> -> memref<128xi32, #tpu.memory_space<vmem>>
    %dma_wait3A_228 = arith.constant 0 : i32
    %dma_wait3A_229 = arith.constant 0 : i32
    %dma_wait3A_230 = tpu.memref_slice %arg22[%dma_wait3A_228, %dma_wait3A_229] : memref<10240x16xf32, #tpu.memory_space<vmem_shared>> -> memref<10240x16xf32, #tpu.memory_space<vmem_shared>>
    tpu.wait_indirect_dma semaphore(%arg36 : memref<!tpu.dma_semaphore, #tpu.memory_space<semaphore_mem>>) src(%arg7 : memref<128x16xf32, #tpu.memory_space<vmem>>) dst(%dma_wait3A_230 : memref<10240x16xf32, #tpu.memory_space<vmem_shared>>)
    %dma_wait3A_231 = arith.constant 8448 : i32
    %dma_wait3A_232 = tpu.memref_slice %arg6[%dma_wait3A_231] : memref<10000xi32, #tpu.memory_space<vmem>> -> memref<128xi32, #tpu.memory_space<vmem>>
    %dma_wait3A_233 = arith.constant 0 : i32
    %dma_wait3A_234 = arith.constant 0 : i32
    %dma_wait3A_235 = tpu.memref_slice %arg22[%dma_wait3A_233, %dma_wait3A_234] : memref<10240x16xf32, #tpu.memory_space<vmem_shared>> -> memref<10240x16xf32, #tpu.memory_space<vmem_shared>>
    tpu.wait_indirect_dma semaphore(%arg37 : memref<!tpu.dma_semaphore, #tpu.memory_space<semaphore_mem>>) src(%arg8 : memref<128x16xf32, #tpu.memory_space<vmem>>) dst(%dma_wait3A_235 : memref<10240x16xf32, #tpu.memory_space<vmem_shared>>)
    %dma_wait3A_236 = arith.constant 8576 : i32
    %dma_wait3A_237 = tpu.memref_slice %arg6[%dma_wait3A_236] : memref<10000xi32, #tpu.memory_space<vmem>> -> memref<128xi32, #tpu.memory_space<vmem>>
    %dma_wait3A_238 = arith.constant 0 : i32
    %dma_wait3A_239 = arith.constant 0 : i32
    %dma_wait3A_240 = tpu.memref_slice %arg22[%dma_wait3A_238, %dma_wait3A_239] : memref<10240x16xf32, #tpu.memory_space<vmem_shared>> -> memref<10240x16xf32, #tpu.memory_space<vmem_shared>>
    tpu.wait_indirect_dma semaphore(%arg38 : memref<!tpu.dma_semaphore, #tpu.memory_space<semaphore_mem>>) src(%arg9 : memref<128x16xf32, #tpu.memory_space<vmem>>) dst(%dma_wait3A_240 : memref<10240x16xf32, #tpu.memory_space<vmem_shared>>)
    %dma_wait3A_241 = arith.constant 8704 : i32
    %dma_wait3A_242 = tpu.memref_slice %arg6[%dma_wait3A_241] : memref<10000xi32, #tpu.memory_space<vmem>> -> memref<128xi32, #tpu.memory_space<vmem>>
    %dma_wait3A_243 = arith.constant 0 : i32
    %dma_wait3A_244 = arith.constant 0 : i32
    %dma_wait3A_245 = tpu.memref_slice %arg22[%dma_wait3A_243, %dma_wait3A_244] : memref<10240x16xf32, #tpu.memory_space<vmem_shared>> -> memref<10240x16xf32, #tpu.memory_space<vmem_shared>>
    tpu.wait_indirect_dma semaphore(%arg39 : memref<!tpu.dma_semaphore, #tpu.memory_space<semaphore_mem>>) src(%arg10 : memref<128x16xf32, #tpu.memory_space<vmem>>) dst(%dma_wait3A_245 : memref<10240x16xf32, #tpu.memory_space<vmem_shared>>)
    %dma_wait3A_246 = arith.constant 8832 : i32
    %dma_wait3A_247 = tpu.memref_slice %arg6[%dma_wait3A_246] : memref<10000xi32, #tpu.memory_space<vmem>> -> memref<128xi32, #tpu.memory_space<vmem>>
    %dma_wait3A_248 = arith.constant 0 : i32
    %dma_wait3A_249 = arith.constant 0 : i32
    %dma_wait3A_250 = tpu.memref_slice %arg22[%dma_wait3A_248, %dma_wait3A_249] : memref<10240x16xf32, #tpu.memory_space<vmem_shared>> -> memref<10240x16xf32, #tpu.memory_space<vmem_shared>>
    tpu.wait_indirect_dma semaphore(%arg40 : memref<!tpu.dma_semaphore, #tpu.memory_space<semaphore_mem>>) src(%arg11 : memref<128x16xf32, #tpu.memory_space<vmem>>) dst(%dma_wait3A_250 : memref<10240x16xf32, #tpu.memory_space<vmem_shared>>)
    %dma_wait3A_251 = arith.constant 8960 : i32
    %dma_wait3A_252 = tpu.memref_slice %arg6[%dma_wait3A_251] : memref<10000xi32, #tpu.memory_space<vmem>> -> memref<128xi32, #tpu.memory_space<vmem>>
    %dma_wait3A_253 = arith.constant 0 : i32
    %dma_wait3A_254 = arith.constant 0 : i32
    %dma_wait3A_255 = tpu.memref_slice %arg22[%dma_wait3A_253, %dma_wait3A_254] : memref<10240x16xf32, #tpu.memory_space<vmem_shared>> -> memref<10240x16xf32, #tpu.memory_space<vmem_shared>>
    tpu.wait_indirect_dma semaphore(%arg41 : memref<!tpu.dma_semaphore, #tpu.memory_space<semaphore_mem>>) src(%arg12 : memref<128x16xf32, #tpu.memory_space<vmem>>) dst(%dma_wait3A_255 : memref<10240x16xf32, #tpu.memory_space<vmem_shared>>)
    %dma_wait3A_256 = arith.constant 9088 : i32
    %dma_wait3A_257 = tpu.memref_slice %arg6[%dma_wait3A_256] : memref<10000xi32, #tpu.memory_space<vmem>> -> memref<128xi32, #tpu.memory_space<vmem>>
    %dma_wait3A_258 = arith.constant 0 : i32
    %dma_wait3A_259 = arith.constant 0 : i32
    %dma_wait3A_260 = tpu.memref_slice %arg22[%dma_wait3A_258, %dma_wait3A_259] : memref<10240x16xf32, #tpu.memory_space<vmem_shared>> -> memref<10240x16xf32, #tpu.memory_space<vmem_shared>>
    tpu.wait_indirect_dma semaphore(%arg42 : memref<!tpu.dma_semaphore, #tpu.memory_space<semaphore_mem>>) src(%arg13 : memref<128x16xf32, #tpu.memory_space<vmem>>) dst(%dma_wait3A_260 : memref<10240x16xf32, #tpu.memory_space<vmem_shared>>)
    %dma_wait3A_261 = arith.constant 9216 : i32
    %dma_wait3A_262 = tpu.memref_slice %arg6[%dma_wait3A_261] : memref<10000xi32, #tpu.memory_space<vmem>> -> memref<128xi32, #tpu.memory_space<vmem>>
    %dma_wait3A_263 = arith.constant 0 : i32
    %dma_wait3A_264 = arith.constant 0 : i32
    %dma_wait3A_265 = tpu.memref_slice %arg22[%dma_wait3A_263, %dma_wait3A_264] : memref<10240x16xf32, #tpu.memory_space<vmem_shared>> -> memref<10240x16xf32, #tpu.memory_space<vmem_shared>>
    tpu.wait_indirect_dma semaphore(%arg43 : memref<!tpu.dma_semaphore, #tpu.memory_space<semaphore_mem>>) src(%arg14 : memref<128x16xf32, #tpu.memory_space<vmem>>) dst(%dma_wait3A_265 : memref<10240x16xf32, #tpu.memory_space<vmem_shared>>)
    %dma_wait3A_266 = arith.constant 9344 : i32
    %dma_wait3A_267 = tpu.memref_slice %arg6[%dma_wait3A_266] : memref<10000xi32, #tpu.memory_space<vmem>> -> memref<128xi32, #tpu.memory_space<vmem>>
    %dma_wait3A_268 = arith.constant 0 : i32
    %dma_wait3A_269 = arith.constant 0 : i32
    %dma_wait3A_270 = tpu.memref_slice %arg22[%dma_wait3A_268, %dma_wait3A_269] : memref<10240x16xf32, #tpu.memory_space<vmem_shared>> -> memref<10240x16xf32, #tpu.memory_space<vmem_shared>>
    tpu.wait_indirect_dma semaphore(%arg44 : memref<!tpu.dma_semaphore, #tpu.memory_space<semaphore_mem>>) src(%arg15 : memref<128x16xf32, #tpu.memory_space<vmem>>) dst(%dma_wait3A_270 : memref<10240x16xf32, #tpu.memory_space<vmem_shared>>)
    %dma_wait3A_271 = arith.constant 9472 : i32
    %dma_wait3A_272 = tpu.memref_slice %arg6[%dma_wait3A_271] : memref<10000xi32, #tpu.memory_space<vmem>> -> memref<128xi32, #tpu.memory_space<vmem>>
    %dma_wait3A_273 = arith.constant 0 : i32
    %dma_wait3A_274 = arith.constant 0 : i32
    %dma_wait3A_275 = tpu.memref_slice %arg22[%dma_wait3A_273, %dma_wait3A_274] : memref<10240x16xf32, #tpu.memory_space<vmem_shared>> -> memref<10240x16xf32, #tpu.memory_space<vmem_shared>>
    tpu.wait_indirect_dma semaphore(%arg45 : memref<!tpu.dma_semaphore, #tpu.memory_space<semaphore_mem>>) src(%arg16 : memref<128x16xf32, #tpu.memory_space<vmem>>) dst(%dma_wait3A_275 : memref<10240x16xf32, #tpu.memory_space<vmem_shared>>)
    %dma_wait3A_276 = arith.constant 9600 : i32
    %dma_wait3A_277 = tpu.memref_slice %arg6[%dma_wait3A_276] : memref<10000xi32, #tpu.memory_space<vmem>> -> memref<128xi32, #tpu.memory_space<vmem>>
    %dma_wait3A_278 = arith.constant 0 : i32
    %dma_wait3A_279 = arith.constant 0 : i32
    %dma_wait3A_280 = tpu.memref_slice %arg22[%dma_wait3A_278, %dma_wait3A_279] : memref<10240x16xf32, #tpu.memory_space<vmem_shared>> -> memref<10240x16xf32, #tpu.memory_space<vmem_shared>>
    tpu.wait_indirect_dma semaphore(%arg46 : memref<!tpu.dma_semaphore, #tpu.memory_space<semaphore_mem>>) src(%arg17 : memref<128x16xf32, #tpu.memory_space<vmem>>) dst(%dma_wait3A_280 : memref<10240x16xf32, #tpu.memory_space<vmem_shared>>)
    %dma_wait3A_281 = arith.constant 9728 : i32
    %dma_wait3A_282 = tpu.memref_slice %arg6[%dma_wait3A_281] : memref<10000xi32, #tpu.memory_space<vmem>> -> memref<128xi32, #tpu.memory_space<vmem>>
    %dma_wait3A_283 = arith.constant 0 : i32
    %dma_wait3A_284 = arith.constant 0 : i32
    %dma_wait3A_285 = tpu.memref_slice %arg22[%dma_wait3A_283, %dma_wait3A_284] : memref<10240x16xf32, #tpu.memory_space<vmem_shared>> -> memref<10240x16xf32, #tpu.memory_space<vmem_shared>>
    tpu.wait_indirect_dma semaphore(%arg47 : memref<!tpu.dma_semaphore, #tpu.memory_space<semaphore_mem>>) src(%arg18 : memref<128x16xf32, #tpu.memory_space<vmem>>) dst(%dma_wait3A_285 : memref<10240x16xf32, #tpu.memory_space<vmem_shared>>)
    %dma_wait3A_286 = arith.constant 9856 : i32
    %dma_wait3A_287 = tpu.memref_slice %arg6[%dma_wait3A_286] : memref<10000xi32, #tpu.memory_space<vmem>> -> memref<128xi32, #tpu.memory_space<vmem>>
    %dma_wait3A_288 = arith.constant 0 : i32
    %dma_wait3A_289 = arith.constant 0 : i32
    %dma_wait3A_290 = tpu.memref_slice %arg22[%dma_wait3A_288, %dma_wait3A_289] : memref<10240x16xf32, #tpu.memory_space<vmem_shared>> -> memref<10240x16xf32, #tpu.memory_space<vmem_shared>>
    tpu.wait_indirect_dma semaphore(%arg48 : memref<!tpu.dma_semaphore, #tpu.memory_space<semaphore_mem>>) src(%arg19 : memref<128x16xf32, #tpu.memory_space<vmem>>) dst(%dma_wait3A_290 : memref<10240x16xf32, #tpu.memory_space<vmem_shared>>)
    %barrier3A_291 = arith.constant 0 : index
    tpu.barrier barrier_id(%barrier3A_291)
    %mul3A_292 = arith.constant 640 : i32
    %mul3A_293 = arith.muli %arg1, %mul3A_292 : i32
    %mul3A_294 = arith.constant 10240 : i32
    %mul3A_295 = arith.muli %arg0, %mul3A_294 : i32
    %mul3A_296 = arith.constant 640 : i32
    %mul3A_297 = arith.muli %arg1, %mul3A_296 : i32
    %add3A_298 = arith.addi %mul3A_295, %mul3A_297 : i32
    "tpu.region"() ({
      %run_scoped3A_299 = tpu.sem_alloc : memref<!tpu.dma_semaphore, #tpu.memory_space<semaphore_mem>>
      %dma_start3A_300 = arith.constant 0 : i32
      %dma_start3A_301 = tpu.memref_slice %arg4[%add3A_298, %dma_start3A_300] : memref<20480x16xf32, #tpu.memory_space<hbm>> -> memref<640x16xf32, #tpu.memory_space<hbm>>
      %dma_start3A_302 = arith.constant 0 : i32
      %dma_start3A_303 = tpu.memref_slice %arg22[%mul3A_293, %dma_start3A_302] : memref<10240x16xf32, #tpu.memory_space<vmem_shared>> -> memref<640x16xf32, #tpu.memory_space<vmem_shared>>
      tpu.enqueue_dma source(%dma_start3A_303 : memref<640x16xf32, #tpu.memory_space<vmem_shared>>) target(%dma_start3A_301 : memref<640x16xf32, #tpu.memory_space<hbm>>) target_semaphore(%run_scoped3A_299 : memref<!tpu.dma_semaphore, #tpu.memory_space<semaphore_mem>>)
      %dma_wait3A_304 = arith.constant 0 : i32
      %dma_wait3A_305 = tpu.memref_slice %arg4[%add3A_298, %dma_wait3A_304] : memref<20480x16xf32, #tpu.memory_space<hbm>> -> memref<640x16xf32, #tpu.memory_space<hbm>>
      %dma_wait3A_306 = arith.constant 0 : i32
      %dma_wait3A_307 = tpu.memref_slice %arg22[%mul3A_293, %dma_wait3A_306] : memref<10240x16xf32, #tpu.memory_space<vmem_shared>> -> memref<640x16xf32, #tpu.memory_space<vmem_shared>>
      tpu.wait_dma2 semaphore(%run_scoped3A_299 : memref<!tpu.dma_semaphore, #tpu.memory_space<semaphore_mem>>) src(%dma_wait3A_307 : memref<640x16xf32, #tpu.memory_space<vmem_shared>>) dst(%dma_wait3A_305 : memref<640x16xf32, #tpu.memory_space<hbm>>)
      tpu.yield
    }) : () -> ()
    return
  }
}

#map = affine_map<(d0, d1) -> (0, 0)>
#map1 = affine_map<(d0, d1) -> (0)>
module attributes {stable_mosaic.version = 14 : i64} {
  func.func @deg_kernel(%arg0: i32, %arg1: i32, %arg2: memref<2x320000xi32, #tpu.memory_space<hbm>>, %arg3: memref<20480xf32, #tpu.memory_space<hbm>>, %arg4: memref<10000xi32, #tpu.memory_space<vmem>>, %arg5: memref<128xf32, #tpu.memory_space<vmem>>, %arg6: memref<640xf32, #tpu.memory_space<vmem>>, %arg7: memref<10240xf32, #tpu.memory_space<vmem_shared>>, %arg8: memref<!tpu.dma_semaphore, #tpu.memory_space<semaphore_mem>>) attributes {dimension_semantics = [#tpu.dimension_semantics<core_parallel>, #tpu.dimension_semantics<subcore_parallel>], iteration_bounds = array<i64: 2, 16>, scalar_prefetch = 0 : i64, scratch_operands = 5 : i64, tpu.core_type = #tpu.core_type<sc_vector_subcore>, window_params = [{transform_indices = #map}, {transform_indices = #map1}]} {
    %mul3A = arith.constant 2 : i32
    %mul3A_0 = arith.muli %arg1, %mul3A : i32
    %add3A = arith.addi %mul3A_0, %arg0 : i32
    %scan3A = arith.constant 0 : i32
    %scan3A_1 = arith.constant 0 : i32
    %scan3A_2 = arith.constant 40 : i32
    %scan3A_3 = arith.addi %scan3A_1, %scan3A_2 : i32
    %scan3A_4 = arith.constant 1 : i32
    scf.for %scan3A_36 = %scan3A_1 to %scan3A_3 step %scan3A_4  : i32 {
      %broadcast_in_dim3A = arith.constant 0.000000e+00 : f32
      %broadcast_in_dim3A_37 = vector.broadcast %broadcast_in_dim3A : f32 to vector<16xf32>
      %mul3A_38 = arith.constant 16 : i32
      %mul3A_39 = arith.muli %scan3A_36, %mul3A_38 : i32
      %swap3A = arith.index_cast %mul3A_39 : i32 to index
      %swap3A_40 = tpu.vector_load %arg6[%swap3A] {strides = array<i32>} : memref<640xf32, #tpu.memory_space<vmem>>, vector<16xf32>,
      %swap3A_41 = vector.shape_cast %swap3A_40 : vector<16xf32> to vector<16xf32>
      %swap3A_42 = vector.shape_cast %broadcast_in_dim3A_37 : vector<16xf32> to vector<16xf32>
      tpu.vector_store %arg6[%swap3A], %swap3A_42 {strides = array<i32>} : memref<640xf32, #tpu.memory_space<vmem>>, vector<16xf32>,
    }
    %scan3A_5 = arith.constant 40 : i32
    %scan3A_6 = arith.constant 0 : i32
    %scan3A_7 = arith.constant 0 : i32
    %scan3A_8 = arith.constant 8 : i32
    %scan3A_9 = arith.addi %scan3A_7, %scan3A_8 : i32
    %scan3A_10 = arith.constant 1 : i32
    scf.for %scan3A_36 = %scan3A_7 to %scan3A_9 step %scan3A_10  : i32 {
      %broadcast_in_dim3A = arith.constant 1.000000e+00 : f32
      %broadcast_in_dim3A_37 = vector.broadcast %broadcast_in_dim3A : f32 to vector<16xf32>
      %mul3A_38 = arith.constant 16 : i32
      %mul3A_39 = arith.muli %scan3A_36, %mul3A_38 : i32
      %swap3A = arith.index_cast %mul3A_39 : i32 to index
      %swap3A_40 = tpu.vector_load %arg5[%swap3A] {strides = array<i32>} : memref<128xf32, #tpu.memory_space<vmem>>, vector<16xf32>,
      %swap3A_41 = vector.shape_cast %swap3A_40 : vector<16xf32> to vector<16xf32>
      %swap3A_42 = vector.shape_cast %broadcast_in_dim3A_37 : vector<16xf32> to vector<16xf32>
      tpu.vector_store %arg5[%swap3A], %swap3A_42 {strides = array<i32>} : memref<128xf32, #tpu.memory_space<vmem>>, vector<16xf32>,
    }
    %scan3A_11 = arith.constant 8 : i32
    %mul3A_12 = arith.constant 640 : i32
    %mul3A_13 = arith.muli %arg1, %mul3A_12 : i32
    "tpu.region"() ({
      %run_scoped3A_36 = tpu.sem_alloc : memref<!tpu.dma_semaphore, #tpu.memory_space<semaphore_mem>>
      %dma_start3A = tpu.memref_slice %arg7[%mul3A_13] : memref<10240xf32, #tpu.memory_space<vmem_shared>> -> memref<640xf32, #tpu.memory_space<vmem_shared>>
      %dma_start3A_37 = tpu.memref_slice %arg7[%mul3A_13] : memref<10240xf32, #tpu.memory_space<vmem_shared>> -> memref<640xf32, #tpu.memory_space<vmem_shared>>
      tpu.enqueue_dma source(%arg6 : memref<640xf32, #tpu.memory_space<vmem>>) target(%dma_start3A_37 : memref<640xf32, #tpu.memory_space<vmem_shared>>) target_semaphore(%run_scoped3A_36 : memref<!tpu.dma_semaphore, #tpu.memory_space<semaphore_mem>>)
      %dma_wait3A = tpu.memref_slice %arg7[%mul3A_13] : memref<10240xf32, #tpu.memory_space<vmem_shared>> -> memref<640xf32, #tpu.memory_space<vmem_shared>>
      %dma_wait3A_38 = tpu.memref_slice %arg7[%mul3A_13] : memref<10240xf32, #tpu.memory_space<vmem_shared>> -> memref<640xf32, #tpu.memory_space<vmem_shared>>
      tpu.wait_dma2 semaphore(%run_scoped3A_36 : memref<!tpu.dma_semaphore, #tpu.memory_space<semaphore_mem>>) src(%arg6 : memref<640xf32, #tpu.memory_space<vmem>>) dst(%dma_wait3A_38 : memref<640xf32, #tpu.memory_space<vmem_shared>>)
      tpu.yield
    }) : () -> ()
    %barrier3A = arith.constant 0 : index
    tpu.barrier barrier_id(%barrier3A)
    %mul3A_14 = arith.constant 10000 : i32
    %mul3A_15 = arith.muli %add3A, %mul3A_14 : i32
    %run_scoped3A = arith.constant 1 : i32
    "tpu.region"() ({
      %run_scoped3A_36 = tpu.sem_alloc : memref<!tpu.dma_semaphore, #tpu.memory_space<semaphore_mem>>
      %dma_start3A = tpu.memref_slice %arg2[%run_scoped3A, %mul3A_15] : memref<2x320000xi32, #tpu.memory_space<hbm>> -> memref<1x10000xi32, #tpu.memory_space<hbm>>
      %dma_start3A_37 = tpu.memref_squeeze %dma_start3A : memref<1x10000xi32, #tpu.memory_space<hbm>> -> memref<10000xi32, #tpu.memory_space<hbm>>
      %dma_start3A_38 = tpu.memref_slice %arg2[%run_scoped3A, %mul3A_15] : memref<2x320000xi32, #tpu.memory_space<hbm>> -> memref<1x10000xi32, #tpu.memory_space<hbm>>
      %dma_start3A_39 = tpu.memref_squeeze %dma_start3A_38 : memref<1x10000xi32, #tpu.memory_space<hbm>> -> memref<10000xi32, #tpu.memory_space<hbm>>
      tpu.enqueue_dma source(%dma_start3A_39 : memref<10000xi32, #tpu.memory_space<hbm>>) target(%arg4 : memref<10000xi32, #tpu.memory_space<vmem>>) target_semaphore(%run_scoped3A_36 : memref<!tpu.dma_semaphore, #tpu.memory_space<semaphore_mem>>)
      %dma_wait3A = tpu.memref_slice %arg2[%run_scoped3A, %mul3A_15] : memref<2x320000xi32, #tpu.memory_space<hbm>> -> memref<1x10000xi32, #tpu.memory_space<hbm>>
      %dma_wait3A_40 = tpu.memref_squeeze %dma_wait3A : memref<1x10000xi32, #tpu.memory_space<hbm>> -> memref<10000xi32, #tpu.memory_space<hbm>>
      %dma_wait3A_41 = tpu.memref_slice %arg2[%run_scoped3A, %mul3A_15] : memref<2x320000xi32, #tpu.memory_space<hbm>> -> memref<1x10000xi32, #tpu.memory_space<hbm>>
      %dma_wait3A_42 = tpu.memref_squeeze %dma_wait3A_41 : memref<1x10000xi32, #tpu.memory_space<hbm>> -> memref<10000xi32, #tpu.memory_space<hbm>>
      tpu.wait_dma2 semaphore(%run_scoped3A_36 : memref<!tpu.dma_semaphore, #tpu.memory_space<semaphore_mem>>) src(%dma_wait3A_42 : memref<10000xi32, #tpu.memory_space<hbm>>) dst(%arg4 : memref<10000xi32, #tpu.memory_space<vmem>>)
      tpu.yield
    }) : () -> ()
    "tpu.region"() ({
      %run_scoped3A_36 = tpu.sem_alloc : memref<!tpu.dma_semaphore, #tpu.memory_space<semaphore_mem>>
      %dma_start3A = arith.constant 0 : i32
      %dma_start3A_37 = tpu.memref_slice %arg5[%dma_start3A] : memref<128xf32, #tpu.memory_space<vmem>> -> memref<16xf32, #tpu.memory_space<vmem>>
      %dma_start3A_38 = arith.constant 9984 : i32
      %dma_start3A_39 = tpu.memref_slice %arg4[%dma_start3A_38] : memref<10000xi32, #tpu.memory_space<vmem>> -> memref<16xi32, #tpu.memory_space<vmem>>
      %dma_start3A_40 = arith.constant 0 : i32
      %dma_start3A_41 = tpu.memref_slice %arg7[%dma_start3A_40] : memref<10240xf32, #tpu.memory_space<vmem_shared>> -> memref<10240xf32, #tpu.memory_space<vmem_shared>>
      tpu.enqueue_indirect_dma source(%dma_start3A_37 : memref<16xf32, #tpu.memory_space<vmem>>) target(%dma_start3A_41 : memref<10240xf32, #tpu.memory_space<vmem_shared>>) offsets(%dma_start3A_39 : memref<16xi32, #tpu.memory_space<vmem>>) semaphore(%run_scoped3A_36 : memref<!tpu.dma_semaphore, #tpu.memory_space<semaphore_mem>>) {add = true}
      %dma_wait3A = arith.constant 0 : i32
      %dma_wait3A_42 = tpu.memref_slice %arg5[%dma_wait3A] : memref<128xf32, #tpu.memory_space<vmem>> -> memref<16xf32, #tpu.memory_space<vmem>>
      %dma_wait3A_43 = arith.constant 9984 : i32
      %dma_wait3A_44 = tpu.memref_slice %arg4[%dma_wait3A_43] : memref<10000xi32, #tpu.memory_space<vmem>> -> memref<16xi32, #tpu.memory_space<vmem>>
      %dma_wait3A_45 = arith.constant 0 : i32
      %dma_wait3A_46 = tpu.memref_slice %arg7[%dma_wait3A_45] : memref<10240xf32, #tpu.memory_space<vmem_shared>> -> memref<10240xf32, #tpu.memory_space<vmem_shared>>
      tpu.wait_indirect_dma semaphore(%run_scoped3A_36 : memref<!tpu.dma_semaphore, #tpu.memory_space<semaphore_mem>>) src(%dma_wait3A_42 : memref<16xf32, #tpu.memory_space<vmem>>) dst(%dma_wait3A_46 : memref<10240xf32, #tpu.memory_space<vmem_shared>>)
      tpu.yield
    }) : () -> ()
    %scan3A_16 = arith.constant 0 : i32
    %scan3A_17 = arith.constant 0 : i32
    %scan3A_18 = arith.constant 78 : i32
    %scan3A_19 = arith.addi %scan3A_17, %scan3A_18 : i32
    %scan3A_20 = arith.constant 1 : i32
    scf.for %scan3A_36 = %scan3A_17 to %scan3A_19 step %scan3A_20  : i32 {
      %mul3A_37 = arith.constant 128 : i32
      %mul3A_38 = arith.muli %scan3A_36, %mul3A_37 : i32
      %dma_start3A = tpu.memref_slice %arg4[%mul3A_38] : memref<10000xi32, #tpu.memory_space<vmem>> -> memref<128xi32, #tpu.memory_space<vmem>>
      %dma_start3A_39 = arith.constant 0 : i32
      %dma_start3A_40 = tpu.memref_slice %arg7[%dma_start3A_39] : memref<10240xf32, #tpu.memory_space<vmem_shared>> -> memref<10240xf32, #tpu.memory_space<vmem_shared>>
      tpu.enqueue_indirect_dma source(%arg5 : memref<128xf32, #tpu.memory_space<vmem>>) target(%dma_start3A_40 : memref<10240xf32, #tpu.memory_space<vmem_shared>>) offsets(%dma_start3A : memref<128xi32, #tpu.memory_space<vmem>>) semaphore(%arg8 : memref<!tpu.dma_semaphore, #tpu.memory_space<semaphore_mem>>) {add = true}
    }
    %scan3A_21 = arith.constant 78 : i32
    %scan3A_22 = arith.constant 0 : i32
    %scan3A_23 = arith.constant 0 : i32
    %scan3A_24 = arith.constant 78 : i32
    %scan3A_25 = arith.addi %scan3A_23, %scan3A_24 : i32
    %scan3A_26 = arith.constant 1 : i32
    scf.for %scan3A_36 = %scan3A_23 to %scan3A_25 step %scan3A_26  : i32 {
      %mul3A_37 = arith.constant 128 : i32
      %mul3A_38 = arith.muli %scan3A_36, %mul3A_37 : i32
      %dma_wait3A = tpu.memref_slice %arg4[%mul3A_38] : memref<10000xi32, #tpu.memory_space<vmem>> -> memref<128xi32, #tpu.memory_space<vmem>>
      %dma_wait3A_39 = arith.constant 0 : i32
      %dma_wait3A_40 = tpu.memref_slice %arg7[%dma_wait3A_39] : memref<10240xf32, #tpu.memory_space<vmem_shared>> -> memref<10240xf32, #tpu.memory_space<vmem_shared>>
      tpu.wait_indirect_dma semaphore(%arg8 : memref<!tpu.dma_semaphore, #tpu.memory_space<semaphore_mem>>) src(%arg5 : memref<128xf32, #tpu.memory_space<vmem>>) dst(%dma_wait3A_40 : memref<10240xf32, #tpu.memory_space<vmem_shared>>)
    }
    %scan3A_27 = arith.constant 78 : i32
    %barrier3A_28 = arith.constant 0 : index
    tpu.barrier barrier_id(%barrier3A_28)
    %mul3A_29 = arith.constant 640 : i32
    %mul3A_30 = arith.muli %arg1, %mul3A_29 : i32
    %mul3A_31 = arith.constant 10240 : i32
    %mul3A_32 = arith.muli %arg0, %mul3A_31 : i32
    %mul3A_33 = arith.constant 640 : i32
    %mul3A_34 = arith.muli %arg1, %mul3A_33 : i32
    %add3A_35 = arith.addi %mul3A_32, %mul3A_34 : i32
    "tpu.region"() ({
      %run_scoped3A_36 = tpu.sem_alloc : memref<!tpu.dma_semaphore, #tpu.memory_space<semaphore_mem>>
      %dma_start3A = tpu.memref_slice %arg3[%add3A_35] : memref<20480xf32, #tpu.memory_space<hbm>> -> memref<640xf32, #tpu.memory_space<hbm>>
      %dma_start3A_37 = tpu.memref_slice %arg7[%mul3A_30] : memref<10240xf32, #tpu.memory_space<vmem_shared>> -> memref<640xf32, #tpu.memory_space<vmem_shared>>
      tpu.enqueue_dma source(%dma_start3A_37 : memref<640xf32, #tpu.memory_space<vmem_shared>>) target(%dma_start3A : memref<640xf32, #tpu.memory_space<hbm>>) target_semaphore(%run_scoped3A_36 : memref<!tpu.dma_semaphore, #tpu.memory_space<semaphore_mem>>)
      %dma_wait3A = tpu.memref_slice %arg3[%add3A_35] : memref<20480xf32, #tpu.memory_space<hbm>> -> memref<640xf32, #tpu.memory_space<hbm>>
      %dma_wait3A_38 = tpu.memref_slice %arg7[%mul3A_30] : memref<10240xf32, #tpu.memory_space<vmem_shared>> -> memref<640xf32, #tpu.memory_space<vmem_shared>>
      tpu.wait_dma2 semaphore(%run_scoped3A_36 : memref<!tpu.dma_semaphore, #tpu.memory_space<semaphore_mem>>) src(%dma_wait3A_38 : memref<640xf32, #tpu.memory_space<vmem_shared>>) dst(%dma_wait3A : memref<640xf32, #tpu.memory_space<hbm>>)
      tpu.yield
    }) : () -> ()
    return
  }
}

module attributes {stable_mosaic.version = 14 : i64} {
  func.func @tc0_body(%arg0: memref<10000x128xf32, #tpu.memory_space<vmem>>, %arg1: memref<16x128xf32, #tpu.memory_space<vmem>>, %arg2: memref<10000x16xf32, #tpu.memory_space<vmem>>) attributes {dimension_semantics = [], scalar_prefetch = 0 : i64, scratch_operands = 0 : i64, tpu.core_type = #tpu.core_type<tc>} {
    %get3A = arith.constant 0 : index
    %get3A_0 = arith.constant 0 : index
    %get3A_1 = vector.load %arg0[%get3A, %get3A_0] : memref<10000x128xf32, #tpu.memory_space<vmem>>, vector<10000x128xf32>
    %get3A_2 = arith.constant 0 : index
    %get3A_3 = arith.constant 0 : index
    %get3A_4 = vector.load %arg1[%get3A_2, %get3A_3] : memref<16x128xf32, #tpu.memory_space<vmem>>, vector<16x128xf32>
    %dot_general3A = arith.constant dense<0.000000e+00> : vector<10000x16xf32>
    %dot_general3A_5 = tpu.matmul %get3A_1, %get3A_4, %dot_general3A {dimension_numbers = #tpu.dot_dimension_numbers<[1], [1], [0], [0], [0, 0, 1, 0], [], []>, transpose_lhs_hint = false} : vector<10000x128xf32>, vector<16x128xf32>, vector<10000x16xf32> -> vector<10000x16xf32>
    %swap3A = arith.constant 0 : index
    %swap3A_6 = arith.constant 0 : index
    %swap3A_7 = vector.load %arg2[%swap3A, %swap3A_6] : memref<10000x16xf32, #tpu.memory_space<vmem>>, vector<10000x16xf32>
    tpu.vector_store %arg2[%swap3A, %swap3A_6], %dot_general3A_5 {strides = array<i32>} : memref<10000x16xf32, #tpu.memory_space<vmem>>, vector<10000x16xf32>,
    return
  }
}

module attributes {stable_mosaic.version = 14 : i64} {
  func.func @tc1_body(%arg0: memref<10000x16xf32, #tpu.memory_space<vmem>>, %arg1: memref<20480xf32, #tpu.memory_space<vmem>>, %arg2: memref<10000x16xf32, #tpu.memory_space<vmem>>) attributes {dimension_semantics = [], scalar_prefetch = 0 : i64, scratch_operands = 0 : i64, tpu.core_type = #tpu.core_type<tc>} {
    %get3A = arith.constant 0 : index
    %get3A_0 = vector.load %arg1[%get3A] : memref<20480xf32, #tpu.memory_space<vmem>>, vector<10000xf32>
    %add3A = arith.constant 0.000000e+00 : f32
    %add3A_1 = vector.broadcast %add3A : f32 to vector<10000xf32>
    %add3A_2 = arith.addf %add3A_1, %get3A_0 : vector<10000xf32>
    %get3A_3 = arith.constant 10240 : index
    %get3A_4 = vector.load %arg1[%get3A_3] : memref<20480xf32, #tpu.memory_space<vmem>>, vector<10000xf32>
    %add3A_5 = arith.addf %add3A_2, %get3A_4 : vector<10000xf32>
    %add3A_6 = arith.constant 1.000000e+00 : f32
    %add3A_7 = vector.broadcast %add3A_6 : f32 to vector<10000xf32>
    %add3A_8 = arith.addf %add3A_5, %add3A_7 : vector<10000xf32>
    %rsqrt3A = math.rsqrt %add3A_8 : vector<10000xf32>
    %get3A_9 = arith.constant 0 : index
    %get3A_10 = arith.constant 0 : index
    %get3A_11 = vector.load %arg0[%get3A_9, %get3A_10] : memref<10000x16xf32, #tpu.memory_space<vmem>>, vector<10000x16xf32>
    %broadcast_in_dim3A = vector.shape_cast %rsqrt3A : vector<10000xf32> to vector<10000x1xf32>
    %broadcast_in_dim3A_12 = vector.broadcast %broadcast_in_dim3A : vector<10000x1xf32> to vector<10000x16xf32>
    %mul3A = arith.mulf %get3A_11, %broadcast_in_dim3A_12 : vector<10000x16xf32>
    %swap3A = arith.constant 0 : index
    %swap3A_13 = arith.constant 0 : index
    %swap3A_14 = vector.load %arg2[%swap3A, %swap3A_13] : memref<10000x16xf32, #tpu.memory_space<vmem>>, vector<10000x16xf32>
    tpu.vector_store %arg2[%swap3A, %swap3A_13], %mul3A {strides = array<i32>} : memref<10000x16xf32, #tpu.memory_space<vmem>>, vector<10000x16xf32>,
    return
  }
}

module attributes {stable_mosaic.version = 14 : i64} {
  func.func @tc2_body(%arg0: memref<20480x16xf32, #tpu.memory_space<vmem>>, %arg1: memref<20480xf32, #tpu.memory_space<vmem>>, %arg2: memref<1x16xf32, #tpu.memory_space<vmem>>, %arg3: memref<10000x16xf32, #tpu.memory_space<vmem>>) attributes {dimension_semantics = [], scalar_prefetch = 0 : i64, scratch_operands = 0 : i64, tpu.core_type = #tpu.core_type<tc>} {
    %get3A = arith.constant 0 : index
    %get3A_0 = arith.constant 0 : index
    %get3A_1 = vector.load %arg0[%get3A, %get3A_0] : memref<20480x16xf32, #tpu.memory_space<vmem>>, vector<10000x16xf32>
    %add3A = arith.constant 0.000000e+00 : f32
    %add3A_2 = vector.broadcast %add3A : f32 to vector<10000x16xf32>
    %add3A_3 = arith.addf %add3A_2, %get3A_1 : vector<10000x16xf32>
    %get3A_4 = arith.constant 10240 : index
    %get3A_5 = arith.constant 0 : index
    %get3A_6 = vector.load %arg0[%get3A_4, %get3A_5] : memref<20480x16xf32, #tpu.memory_space<vmem>>, vector<10000x16xf32>
    %add3A_7 = arith.addf %add3A_3, %get3A_6 : vector<10000x16xf32>
    %get3A_8 = arith.constant 0 : index
    %get3A_9 = vector.load %arg1[%get3A_8] : memref<20480xf32, #tpu.memory_space<vmem>>, vector<10000xf32>
    %add3A_10 = arith.constant 0.000000e+00 : f32
    %add3A_11 = vector.broadcast %add3A_10 : f32 to vector<10000xf32>
    %add3A_12 = arith.addf %add3A_11, %get3A_9 : vector<10000xf32>
    %get3A_13 = arith.constant 10240 : index
    %get3A_14 = vector.load %arg1[%get3A_13] : memref<20480xf32, #tpu.memory_space<vmem>>, vector<10000xf32>
    %add3A_15 = arith.addf %add3A_12, %get3A_14 : vector<10000xf32>
    %add3A_16 = arith.constant 1.000000e+00 : f32
    %add3A_17 = vector.broadcast %add3A_16 : f32 to vector<10000xf32>
    %add3A_18 = arith.addf %add3A_15, %add3A_17 : vector<10000xf32>
    %rsqrt3A = math.rsqrt %add3A_18 : vector<10000xf32>
    %broadcast_in_dim3A = vector.shape_cast %rsqrt3A : vector<10000xf32> to vector<10000x1xf32>
    %broadcast_in_dim3A_19 = vector.broadcast %broadcast_in_dim3A : vector<10000x1xf32> to vector<10000x16xf32>
    %mul3A = arith.mulf %broadcast_in_dim3A_19, %add3A_7 : vector<10000x16xf32>
    %get3A_20 = arith.constant 0 : index
    %get3A_21 = arith.constant 0 : index
    %get3A_22 = vector.load %arg2[%get3A_20, %get3A_21] : memref<1x16xf32, #tpu.memory_space<vmem>>, vector<1x16xf32>
    %add3A_23 = vector.broadcast %get3A_22 : vector<1x16xf32> to vector<10000x16xf32>
    %add3A_24 = arith.addf %mul3A, %add3A_23 : vector<10000x16xf32>
    %reduce_max3A = arith.constant dense<0xFF800000> : vector<10000xf32>
    %reduce_max3A_25 = vector.multi_reduction <maximumf>, %add3A_24, %reduce_max3A [1] : vector<10000x16xf32> to vector<10000xf32>
    %broadcast_in_dim3A_26 = vector.shape_cast %reduce_max3A_25 : vector<10000xf32> to vector<10000x1xf32>
    %sub3A = vector.broadcast %broadcast_in_dim3A_26 : vector<10000x1xf32> to vector<10000x16xf32>
    %sub3A_27 = arith.subf %add3A_24, %sub3A : vector<10000x16xf32>
    %exp3A = math.exp %sub3A_27 : vector<10000x16xf32>
    %reduce_sum3A = arith.constant dense<0.000000e+00> : vector<10000xf32>
    %reduce_sum3A_28 = vector.multi_reduction <add>, %exp3A, %reduce_sum3A [1] : vector<10000x16xf32> to vector<10000xf32>
    %broadcast_in_dim3A_29 = vector.shape_cast %reduce_sum3A_28 : vector<10000xf32> to vector<10000x1xf32>
    %log3A = math.log %broadcast_in_dim3A_29 : vector<10000x1xf32>
    %sub3A_30 = vector.broadcast %log3A : vector<10000x1xf32> to vector<10000x16xf32>
    %sub3A_31 = arith.subf %sub3A_27, %sub3A_30 : vector<10000x16xf32>
    %swap3A = arith.constant 0 : index
    %swap3A_32 = arith.constant 0 : index
    %swap3A_33 = vector.load %arg3[%swap3A, %swap3A_32] : memref<10000x16xf32, #tpu.memory_space<vmem>>, vector<10000x16xf32>
    tpu.vector_store %arg3[%swap3A, %swap3A_32], %sub3A_31 {strides = array<i32>} : memref<10000x16xf32, #tpu.memory_space<vmem>>, vector<10000x16xf32>,
    return
  }
}

</mosaic_0001>

<sc_bundles>
// kernel: kernel.10.cloned.1.call-start
scs
__scs_entry_jumppad:
0x0: {  	(pc) =	sbr.rel $0x88, $3  }
0x1: {  	(tag) =	ssettag $0x0;
	lr =	simm.s32 $0x1  }
0x2: {  	[smem:$0x3F9D] =	sst lr;
	_ =	strace $0xD0000000  }
0x3: {  	_ = 	snop  }
0x4: {  	_ = 	snop  }
0x5: {  	_ = 	snop  }
0x6: {  	_ = 	snop  }
0x7: {  	_ = 	snop  }
__scs_overlays_trampoline_lowered:
0x8: {  	[smem:$0x3FAC] =	sst s0  }
0x9: {  	[smem:$0x3FAD] =	sst s1  }
0xa: {  	[smem:$0x3FAE] =	sst s2  }
0xb: {  	[smem:$0x3FAF] =	sst s3  }
0xc: {  	[smem:$0x3FB0] =	sst s4  }
0xd: {  	[smem:$0x3FB1] =	sst s5  }
0xe: {  	[smem:$0x3FB2] =	sst s6  }
0xf: {  	[smem:$0x3FB3] =	sst s7  }
0x10: {  	[smem:$0x3FB4] =	sst s8  }
0x11: {  	[smem:$0x3FB5] =	sst s9;
	s0 =	simm.s32 @!p0 $0x0  }
0x12: {  	s1 =	sld [smem:$0x3F9B];
	s0 =	simm.s32 @p0 $0x1  }
0x13: {  	[smem:$0x3FB6] =	sst s0;
	s0 =	simm.s32 @!p1 $0x0  }
0x14: {  	s2 =	sld [smem:$0x3F9A];
	s0 =	simm.s32 @p1 $0x1  }
0x15: {  	[smem:$0x3FB7] =	sst s0;
	s0 =	simm.s32 @!p2 $0x0  }
0x16: {  	s3 =	sld [smem:$0x3FDB];
	s0 =	simm.s32 @p2 $0x1  }
0x17: {  	s4 =	simm.s32 $0x1BF5;
	[smem:$0x3FB9] =	sst s0  }
0x18: {  	s0 =	sld [smem:$0x3F9C];
	_ =	swait.ge [sflag:s4], $0x0  }
0x19: {  	s7 =	sld [smem:$0x3F9D]  }
0x1a: {  	s8 =	sadd.s32 $0xFFFFE003, lr  }
0x1b: {  	s9 =	sadd.s32 $0xFFFFFEF7, lr;
	s5 =	simm.s32 $0xFFFFFFFF;
	p2 =	slt.u32 s8, $0xFFFFF086  }
0x1c: {  	p1 =	slt.u32 s9, $0xF7A;
	s5 =	simm.s32 @!p2 $0x0  }
0x1d: {  	s5 =	simm.s32 @p1 $0x1;
	p0 =	seq.s32 s7, s2  }
0x1e: {  	s7 =	smul.u32 @!p0 $0xF7A, s2;
	p2 =	seq.s32 @!p0 s5, $0x0  }
0x1f: {  	s9 =	smul.u32 $0xF7A, s1;
	s8 =	simm.s32 @!p0 $0x1BF5;
	p2 =	por !p2, p0  }
0x20: {  	[sflag:s8] =	ssyncset.s32 @!p0 $0xFFFFF086;
	s6 =	sadd.s32 @!p0 s3, s7;
	s7 =	simm.s32 @!p0 $0x108  }
0x21: {  	s3 =	sadd.s32 s3, s9;
	s6 =	sadd.s32 @!p0 $0x88, s6;
	s7 =	simm.s32 @p2 $0x1082  }
0x22: {  	[simem:s7], [sflag:s8] =	dma.local @!p0 [hbm:s6], $0xF7A  }
0x23: {  	s9 =	sor.u32 $0xD0000000, s2;
	s6 =	simm.s32 $0x108;
	_ =	swait.ge @!p0 [sflag:s8], $0x0  }
0x24: {  	s3 =	sadd.s32 $0x88, s3;
	s6 =	simm.s32 @!p1 $0x1082;
	[sflag:s4] =	ssyncset.s32 $0xFFFFF086  }
0x25: {  	[simem:s6], [sflag:s4] =	dma.local [hbm:s3], $0xF7A  }
0x26: {  	[smem:$0x3F9D] =	sst s1;
	(tag) =	ssettag s2;
	_ =	strace s9  }
0x27: {  	s1 =	sld [smem:$0x3FAD]  }
0x28: {  	s2 =	sld [smem:$0x3FAE]  }
0x29: {  	s4 =	sld [smem:$0x3FB0]  }
0x2a: {  	p0 =	seq.s32 s5, $0x0;
	s5 =	sld [smem:$0x3FB1]  }
0x2b: {  	s6 =	sld [smem:$0x3FB2]  }
0x2c: {  	s7 =	sld [smem:$0x3FB3]  }
0x2d: {  	s3 =	simm.s32 $0x108;
	s8 =	sld [smem:$0x3FB4]  }
0x2e: {  	s3 =	simm.s32 @!p0 $0x1082;
	s9 =	sld [smem:$0x3FB5]  }
0x2f: {  	lr =	sadd.s32 s0, s3;
	s0 =	sld [smem:$0x3FAC]  }
0x30: {  	s3 =	sld [smem:$0x3FAF]  }
0x31: {  	[smem:$0x3FB8] =	sst s10  }
0x32: {  	s10 =	sld [smem:$0x3FB6];
	_ =	sdelay $0x3  }
0x33: {  	p0 =	seq.s32 s10, $0x1;
	s10 =	sld [smem:$0x3FB8];
	_ =	sdelay $0x3  }
0x34: {  	[smem:$0x3FB8] =	sst s10  }
0x35: {  	s10 =	sld [smem:$0x3FB7];
	_ =	sdelay $0x3  }
0x36: {  	p1 =	seq.s32 s10, $0x1;
	s10 =	sld [smem:$0x3FB8];
	_ =	sdelay $0x3  }
0x37: {  	[smem:$0x3FB8] =	sst s10  }
0x38: {  	s10 =	sld [smem:$0x3FB9]  }
0x39: {  	_ = 	snop;
	(pc) =	sbr.ind lr, $3  }
0x3a: {  	_ = 	snop  }
0x3b: {  	_ = 	snop  }
0x3c: {  	p2 =	seq.s32 s10, $0x1;
	s10 =	sld [smem:$0x3FB8]  }
0x3d: {  	_ =	shalt  }
0x3e: {  	_ =	shalt  }
0x3f: {  	_ =	shalt  }
0x40: {  	_ =	shalt  }
0x41: {  	_ =	shalt  }
0x42: {  	_ =	shalt  }
0x43: {  	_ =	shalt  }
0x44: {  	_ =	shalt  }
0x45: {  	_ =	shalt  }
0x46: {  	_ =	shalt  }
0x47: {  	_ =	shalt  }
0x48: {  	_ =	shalt  }
0x49: {  	_ =	shalt  }
0x4a: {  	_ =	shalt  }
0x4b: {  	_ =	shalt  }
0x4c: {  	_ =	shalt  }
0x4d: {  	_ =	shalt  }
0x4e: {  	_ =	shalt  }
0x4f: {  	_ =	shalt  }
0x50: {  	_ =	shalt  }
0x51: {  	_ =	shalt  }
0x52: {  	_ =	shalt  }
0x53: {  	_ =	shalt  }
0x54: {  	_ =	shalt  }
0x55: {  	_ =	shalt  }
0x56: {  	_ =	shalt  }
0x57: {  	_ =	shalt  }
0x58: {  	_ =	shalt  }
0x59: {  	_ =	shalt  }
0x5a: {  	_ =	shalt  }
0x5b: {  	_ =	shalt  }
0x5c: {  	_ =	shalt  }
0x5d: {  	_ =	shalt  }
0x5e: {  	_ =	shalt  }
0x5f: {  	_ =	shalt  }
0x60: {  	_ =	shalt  }
0x61: {  	_ =	shalt  }
0x62: {  	_ =	shalt  }
0x63: {  	_ =	shalt  }
0x64: {  	_ =	shalt  }
0x65: {  	_ =	shalt  }
0x66: {  	_ =	shalt  }
0x67: {  	_ =	shalt  }
0x68: {  	_ =	shalt  }
0x69: {  	_ =	shalt  }
0x6a: {  	_ =	shalt  }
0x6b: {  	_ =	shalt  }
0x6c: {  	_ =	shalt  }
0x6d: {  	_ =	shalt  }
0x6e: {  	_ =	shalt  }
0x6f: {  	_ =	shalt  }
0x70: {  	_ =	shalt  }
0x71: {  	_ =	shalt  }
0x72: {  	_ =	shalt  }
0x73: {  	_ =	shalt  }
0x74: {  	_ =	shalt  }
0x75: {  	_ =	shalt  }
0x76: {  	_ =	shalt  }
0x77: {  	_ =	shalt  }
0x78: {  	_ =	shalt  }
0x79: {  	_ =	shalt  }
0x7a: {  	_ =	shalt  }
0x7b: {  	_ =	shalt  }
0x7c: {  	_ =	shalt  }
0x7d: {  	_ =	shalt  }
0x7e: {  	_ =	shalt  }
0x7f: {  	_ =	shalt  }
0x80: {  	_ =	shalt  }
0x81: {  	_ =	shalt  }
0x82: {  	_ =	shalt  }
0x83: {  	_ =	shalt  }
0x84: {  	_ =	shalt  }
0x85: {  	_ =	shalt  }
0x86: {  	_ =	shalt  }
0x87: {  	_ =	shalt  }
.Lfunc_end0:
.L_simem_size_0:
called_computation.1_lowered:
.L_overlay_start_0:
0x88: {  	s2 =	sld [smem:$0x3FD9]  }
0x89: {  	s3 =	sld [smem:$0x3FFE];
	_ =	sdelay $0x1  }
0x8a: {  	s1 =	srdreg.scid  }
0x8b: {  	s0 =	sand.u32 $0x1, s1  }
0x8c: {  	s17 =	sshll.u32 s0, $0xA;
	s2 =	sadd.s32 s3, s2  }
0x8d: {  	s2 =	sadd.s32 s2, s17  }
0x8e: {  	[smem:$0x3FC4] =	sst s2  }
0x8f: {  	_ = 	snop  }
0x90: {  	s2 =	sld [smem:$0x3FD0];
	(tm) =	ssettm $0x1  }
0x91: {  	s18 =	sld [smem:$0x3FFB];
	_ =	sdelay $0x3  }
0x92: {  	_ =	strace s18  }
0x93: {  	s3 =	sld [smem:$0x3FFC];
	_ =	sdelay $0x3  }
0x94: {  	_ =	strace s3  }
0x95: {  	s3 =	sld [smem:$0x3FFD];
	_ =	sdelay $0x3  }
0x96: {  	_ =	strace s3  }
0x97: {  	_ =	strace $0x8FFFFFFF  }
0x98: {  	s19 =	sld [smem:$0x3FDB];
	_ =	sdelay $0x1  }
0x99: {  	s4 =	simm.s32 $_scs_section_size  }
0x9a: {  	s5 =	simm.s32 $_size__tile_overlayer_lowered;
	s6 =	simm.s32 $_tile_overlayer_lowered  }
0x9b: {  	s22 =	simm.s32 $0x1BFF;
	s21 =	sshll.u32 s6, $0x1;
	s3 =	sadd.s32 s4, s19  }
0x9c: {  	s7 =	simm.s32 $0x0;
	s20 =	sshll.u32 s5, $0x1;
	s5 =	sadd.s32 s21, s3  }
0x9d: {  	[timem:s7], [sflag:s22] =	dma.local [hbm:s5], s20  }
0x9e: {  	_ =	swait.ge [sflag:s22], s20  }
0x9f: {  	s4 =	ssub.s32 $0x0, s20;
	[sflag:s22] =	ssyncset.done $0x0  }
0xa0: {  	[sflag:s22] =	ssyncadd.s32 s4;
	_ =	sdelay $0x1  }
0xa1: {  	s23 =	simm.s32 $0x1B8B  }
0xa2: {  	_ =	swait.ge [sflag:s23], $0x1  }
0xa3: {  	[sflag:s23] =	ssyncset.done $0x0  }
0xa4: {  	s25 =	simm.s32 $0x1B8E;
	s24 =	sld [smem:$0x3FFE];
	[sflag:s23] =	ssyncadd.s32 $0xFFFFFFFF  }
0xa5: {  	s26 =	simm.s32 $execute0_lowered;
	[smem:$0x3FD2] =	sst s25  }
0xa6: {  	s5 =	sshll.u32 s26, $0x1;
	_ =	strace $0x80000049;
	[dreg:$0x1] =	wrdreg $0xFFFFFFFF  }
0xa7: {  	s28 =	simm.s32 $_size_execute0_lowered;
	s3 =	sadd.s32 s3, s5;
	[dreg:$0x0] =	wrdreg $0x0  }
0xa8: {  	s5 =	sshll.u32 s28, $0x1;
	[dreg:$0x2] =	wrdreg s3  }
0xa9: {  	[dreg:$0x3] =	wrdreg s5  }
0xaa: {  	[dreg:$0x4] =	wrdreg $0xC0  }
0xab: {  	_ =	task [dreg:s7], $0x5FFFF  }
0xac: {  	[dreg:$0x1] =	wrdreg $0xFFFFFFFF  }
0xad: {  	[dreg:$0x0] =	wrdreg $0x60  }
0xae: {  	[dreg:$0x2] =	wrdreg s24  }
0xaf: {  	[dreg:$0x3] =	wrdreg s2  }
0xb0: {  	[dreg:$0x4] =	wrdreg $0xDF200  }
0xb1: {  	[dreg:$0x5] =	wrdreg $0x9  }
0xb2: {  	_ =	task.clear_ibuf [dreg:s7], $0x6FFFF;
	_ =	strace $0x90000049  }
0xb3: {  	s29 =	simm.s32 $0x9;
	_ =	strace $0x8000004B  }
0xb4: {  	_ =	swait.ge [sflag:s29], $0x1  }
0xb5: {  	[sflag:s29] =	ssyncadd.s32 $0xFFFFFFFF  }
0xb6: {  	_ =	strace $0x9000004B  }
0xb7: {  	_ =	sfence  }
0xb8: {  	s30 =	sld [smem:$0x0];
	_ =	sdelay $0x2  }
0xb9: {  	s31 =	sshll.u32 s1, $0xD;
	s1 =	sshrl.u32 s1, $0x2  }
0xba: {  	s3 =	sand.u32 $0x4000, s31;
	s1 =	sadd.s32 s1, s30  }
0xbb: {  	s0 =	sor.u32 s3, s0;
	s1 =	sshll.u32 s1, $0x11  }
0xbc: {  	s0 =	sor.u32 s1, s0  }
0xbd: {  	s0 =	sadd.s32 $0x8F2B, s0  }
0xbe: {  	[sflag:s0] =	ssyncadd.remote.s32 $0x1  }
0xbf: {  	_ =	sfence.sel $0xFFFF  }
0xc0: {  	[dreg:$0x0] =	wrdreg $0xFFFFFFFF;
	(pc) =	sbr.abs _section_cstart, $3  }
0xc1: {  	[dreg:$0x1] =	wrdreg $0xFFFFFFFF  }
0xc2: {  	_ =	task.clear_ibuf [dreg:s7], $0x2FFFF;
	_ =	strace $0x9FFFFFFF  }
0xc3: {  	(tm) =	ssettm $0x7FFFFFFF  }
tec
execute0_lowered:
.L_overlay_start_1:
0x0: {  	(tag) =	ssettag $0x1  }
0x1: {  	s0 =	srdreg.scid  }
0x2: {  	s9 =	stileid.u32;
	s1 =	rddreg [dreg:$0x0]  }
0x3: {  	s2 =	rddreg [dreg:$0x1];
	s18 =	simm.s32 $0x0;
	s28 =	simm.s32 $0x11  }
0x4: {  	s30 =	simm.s32 $0x15;
	s29 =	simm.s32 $0x18;
	s6 =	smul.u32 $0x500, s9  }
0x5: {  	s10 =	simm.s32 $0x1A;
	s0 =	sand.u32 $0x1, s0;
	s7 =	smul.u32 $0xA000, s9  }
0x6: {  	s3 =	sshll.u32 s9, $0x1;
	[smem:$0x7FF] =	sst s18;
	s8 =	smul.u32 $0x2800, s9  }
0x7: {  	s22 =	sadd.s32 $0x4B00, s2;
	s4 =	sor.u32 s0, s3;
	s3 =	rddreg [dreg:$0x2]  }
0x8: {  	s5 =	smul.u32 $0x5000, s0;
	_ =	strace $0x8000004A;
	s17 =	ssub.s32 $0x2, s0  }
0x9: {  	[dreg:$0x7] =	wrdreg s22;
	p0 =	sne.s32 s0, $0x0;
	s22 =	simm.s32 $0x16  }
0xa: {  	s4 =	smul.u32 $0x2710, s4;
	s19 =	sshrl.u32 s17, $0x1;
	s7 =	sshrl.u32 s7, $0x2  }
0xb: {  	s21 =	sshrl.u32 s8, $0x3;
	s23 =	sadd.s32 $0x27100, s3;
	p2 =	seq.s32 @!p0 s9, $0xF  }
0xc: {  	s5 =	sadd.s32 s6, s5;
	s20 =	sadd.s32 s7, s3;
	s7 =	sadd.s32 s8, s3  }
0xd: {  	s6 =	sadd.s32 s2, s21;
	[dreg:$0x8] =	wrdreg s23;
	p1 =	por !p2, p0  }
0xe: {  	p2 =	por p2, p0;
	s23 =	simm.s32 $0x80;
	[dreg:$0x5] =	wrdreg s20  }
0xf: {  	s8 =	simm.s32 $0xD;
	s4 =	sshrl.u32 s4, $0x3;
	[dreg:$0x6] =	wrdreg s6  }
0x10: {  	s6 =	sadd.s32 $0x25800, s3;
	s4 =	sadd.s32 s4, s1;
	s1 =	sadd.s32 s5, s1  }
0x11: {  	s5 =	ssub.s32 s17, s19;
	s0 =	sshrl.u32 @!p1 s6, $0x3;
	s19 =	simm.s32 $0x13  }
0x12: {  	s17 =	simm.s32 $0x17;
	s24 =	sadd.s32 $0x1600, s4;
	[dreg:$0xd] =	wrdreg s0  }
0x13: {  	s25 =	sadd.s32 $0xB240, s4;
	s26 =	sadd.s32 $0x15000, s1;
	[dreg:$0x9] =	wrdreg s24  }
0x14: {  	s31 =	smax.u32 s5, $0x1;
	s0 =	sshll.u32 @!p2 s9, $0x6;
	[dreg:$0xa] =	wrdreg s25  }
0x15: {  	s9 =	simm.s32 $0x1;
	s1 =	simm.s32 $0x12;
	[dreg:$0xb] =	wrdreg s26  }
0x16: {  	[dreg:$0xc] =	wrdreg s31;
	s0 =	sor.u32 @!p2 $0x1C1C, s0;
	s24 =	simm.s32 $0xE  }
0x17: {  	s25 =	simm.s32 $0xF;
	[dreg:$0xe] =	wrdreg s0;
	s0 =	sshrl.u32 @!p2 s7, $0x3  }
0x18: {  	v0 =	vimm.f32 $0.0e+00;
	s26 =	simm.s32 $0x14;
	s7 =	simm.s32 $0x19;
	[dreg:$0xf] =	wrdreg s0  }
.LBB2_1:
0x19: {  	[dreg:$0x4] =	wrdreg s18;
	s0 =	simm.s32 $0x40;
	s6 =	simm.s32 $0x0  }
.LBB2_2:
0x1a: {  	p3 =	sne.s32 s0, $0x9FC0;
	[tilespmem:s6+$0xB720] =	vst v0;
	s6 =	smov.u32 s0;
	s0 =	sadd.s32 $0x40, s0  }
.Ltmp0:
0x1b: {  	(pc) =	sbr.rel @p3 .LBB2_2-.Ltmp0, $2  }
0x1c: {  	_ =	sdelay $0x2  }
0x1d: {  	s6 =	sshra.s32 s6, $0x2  }
0x1e: {  	[tilespmem:s6+$0xB720] =	vst v0;
	s0 =	simm.s32 @p0 $0xB720;
	s6 =	rddreg [dreg:$0x5]  }
0x1f: {  	[spmem:s6] =	stream.linear.scatter @p0 [tilespmem:s0], [sflag:$0x1C], $0x2800, $0x38;
	[tilespmem:$0x10720] =	vst v63  }
0x20: {  	s0 =	simm.s32 @p0 $0x1C  }
0x21: {  	_ =	swait.ge @p0 [sflag:s0], $0x2800  }
0x22: {  	[sflag:s0] =	ssyncset.done @p0 $0x0;
	s6 =	rddreg [dreg:$0x7]  }
0x23: {  	s18 =	rddreg [dreg:$0xd];
	[sflag:s0] =	ssyncadd.s32 @p0 $0xFFFFD800;
	s0 =	simm.s32 @!p1 $0x1FDC  }
0x24: {  	[spmem:s18], [sflag:s0] =	dma.local @!p1 [hbm:s6], $0x320  }
0x25: {  	s0 =	simm.s32 @!p1 $0x1C  }
0x26: {  	_ =	swait.ge @!p1 [sflag:s0], $0x320  }
0x27: {  	[sflag:s0] =	ssyncset.done @!p1 $0x0  }
0x28: {  	s6 =	simm.s32 @!p1 $0xB720;
	s18 =	rddreg [dreg:$0x8];
	[sflag:s0] =	ssyncadd.s32 @!p1 $0xFFFFFCE0  }
0x29: {  	[spmem:s18] =	stream.linear.scatter @!p1 [tilespmem:s6], [sflag:$0x1C], $0xF00, $0x38;
	[tilespmem:$0x10720] =	vst v63  }
0x2a: {  	_ =	swait.ge @!p1 [sflag:s0], $0xF00  }
0x2b: {  	s6 =	rddreg [dreg:$0xe]  }
0x2c: {  	[sflag:s0] =	ssyncset.done @!p1 $0x0;
	s18 =	rddreg [dreg:$0xf]  }
0x2d: {  	[sflag:s0] =	ssyncadd.s32 @!p1 $0xFFFFF100;
	s0 =	rddreg [dreg:$0x6]  }
0x2e: {  	[spmem:s18], [sflag:s6] =	dma.local @!p2 [hbm:s0], $0x500  }
0x2f: {  	s0 =	simm.s32 @!p2 $0x1C  }
0x30: {  	_ =	swait.ge @!p2 [sflag:s0], $0x500  }
0x31: {  	[sflag:s0] =	ssyncset.done @!p2 $0x0  }
0x32: {  	[sflag:s0] =	ssyncadd.s32 @!p2 $0xFFFFFB00  }
0x33: {  	[bflag:$0x0] =	sbarrier.arrive $0xFFFF  }
0x34: {  	s4 =	simm.s32 $0x0;
	s13 =	simm.s32 $0x1C;
	s12 =	rddreg [dreg:$0x9]  }
0x35: {  	[tilespmem:s4], [sflag:$0x1C] =	stream.linear.gather [hbm4b:s12+s4], $0x2710, $0x38;
	[tilespmem:$0x10720] =	vst v63  }
0x36: {  	_ =	swait.ge [sflag:s13], $0x2710  }
0x37: {  	[sflag:s13] =	ssyncset.done $0x0  }
0x38: {  	s15 =	simm.s32 $0x2710;
	s14 =	rddreg [dreg:$0xa];
	[sflag:s13] =	ssyncadd.s32 $0xFFFFD8F0  }
0x39: {  	[tilespmem:s15], [sflag:$0x1C] =	stream.linear.gather [hbm4b:s14+s4], $0x2710, $0x38;
	[tilespmem:$0x10720] =	vst v63  }
0x3a: {  	_ =	swait.ge [sflag:s13], $0x2710  }
0x3b: {  	s31 =	simm.s32 $0x10;
	s16 =	simm.s32 $0x2700;
	[sflag:s13] =	ssyncset.done $0x0  }
0x3c: {  	s20 =	simm.s32 $0xB620;
	s21 =	simm.s32 $0x1B;
	[sflag:s13] =	ssyncadd.s32 $0xFFFFD8F0  }
0x3d: {  	[tilespmem:s20], [sflag:$0x1B] =	stream.indirect.gather [hbm4b:s2+s31], $0x10, s16, s31, $0xb8;
	[tilespmem:$0x10720] =	vst v63  }
0x3e: {  	_ =	swait.ge [sflag:s21], $0x100  }
0x3f: {  	[sflag:s21] =	ssyncset.done $0x0  }
0x40: {  	s5 =	simm.s32 $0x4E10;
	[sflag:s21] =	ssyncadd.s32 $0xFFFFFF00  }
0x41: {  	[spmem:s3] =	stream.indirect.scatter.add.f32 [tilespmem:s20], [sflag:$0x1C], $0x10, s5, s31, $0xb8;
	[tilespmem:$0x10720] =	vst v63  }
0x42: {  	_ =	swait.ge [sflag:s13], $0x100  }
0x43: {  	[sflag:s13] =	ssyncset.done $0x0  }
0x44: {  	s21 =	simm.s32 $0x4E20;
	[sflag:s13] =	ssyncadd.s32 $0xFFFFFF00  }
0x45: {  	[tilespmem:s21], [sflag:$0x1] =	stream.indirect.gather [hbm4b:s2+s23], $0x10, s4, s23, $0xb8;
	[tilespmem:$0x10720] =	vst v63  }
0x46: {  	s16 =	simm.s32 $0x5620  }
0x47: {  	[tilespmem:s16], [sflag:$0x2] =	stream.indirect.gather [hbm4b:s2+s23], $0x10, s23, s23, $0xb8;
	[tilespmem:$0x10720] =	vst v63  }
0x48: {  	s11 =	simm.s32 $0x100;
	s4 =	simm.s32 $0x5E20  }
0x49: {  	[tilespmem:s4], [sflag:$0x3] =	stream.indirect.gather [hbm4b:s2+s23], $0x10, s11, s23, $0xb8;
	[tilespmem:$0x10720] =	vst v63  }
0x4a: {  	s12 =	simm.s32 $0x180;
	s5 =	simm.s32 $0x6620  }
0x4b: {  	[tilespmem:s5], [sflag:$0x4] =	stream.indirect.gather [hbm4b:s2+s23], $0x10, s12, s23, $0xb8;
	[tilespmem:$0x10720] =	vst v63  }
0x4c: {  	s20 =	simm.s32 $0x6E20;
	s13 =	simm.s32 $0x200  }
0x4d: {  	[tilespmem:s20], [sflag:$0x5] =	stream.indirect.gather [hbm4b:s2+s23], $0x10, s13, s23, $0xb8;
	[tilespmem:$0x10720] =	vst v63  }
0x4e: {  	s14 =	simm.s32 $0x280;
	s15 =	simm.s32 $0x7620  }
0x4f: {  	[tilespmem:s15], [sflag:$0x6] =	stream.indirect.gather [hbm4b:s2+s23], $0x10, s14, s23, $0xb8;
	[tilespmem:$0x10720] =	vst v63  }
0x50: {  	s18 =	simm.s32 $0x300;
	s14 =	simm.s32 $0x7E20  }
0x51: {  	[tilespmem:s14], [sflag:$0x7] =	stream.indirect.gather [hbm4b:s2+s23], $0x10, s18, s23, $0xb8;
	[tilespmem:$0x10720] =	vst v63  }
0x52: {  	s6 =	simm.s32 $0x380;
	s13 =	simm.s32 $0x8620  }
0x53: {  	[tilespmem:s13], [sflag:$0x8] =	stream.indirect.gather [hbm4b:s2+s23], $0x10, s6, s23, $0xb8;
	[tilespmem:$0x10720] =	vst v63  }
0x54: {  	s11 =	simm.s32 $0x400;
	s12 =	simm.s32 $0x8E20  }
0x55: {  	[tilespmem:s12], [sflag:$0x9] =	stream.indirect.gather [hbm4b:s2+s23], $0x10, s11, s23, $0xb8;
	[tilespmem:$0x10720] =	vst v63  }
0x56: {  	s18 =	simm.s32 $0x480;
	s11 =	simm.s32 $0x9620  }
0x57: {  	[tilespmem:s11], [sflag:$0xA] =	stream.indirect.gather [hbm4b:s2+s23], $0x10, s18, s23, $0xb8;
	[tilespmem:$0x10720] =	vst v63  }
0x58: {  	s6 =	simm.s32 $0x500;
	s18 =	simm.s32 $0x9E20  }
0x59: {  	[tilespmem:s18], [sflag:$0xB] =	stream.indirect.gather [hbm4b:s2+s23], $0x10, s6, s23, $0xb8;
	[tilespmem:$0x10720] =	vst v63  }
0x5a: {  	s0 =	simm.s32 $0x580;
	s18 =	simm.s32 $0xA620  }
0x5b: {  	[tilespmem:s18], [sflag:$0xC] =	stream.indirect.gather [hbm4b:s2+s23], $0x10, s0, s23, $0xb8;
	[tilespmem:$0x10720] =	vst v63  }
0x5c: {  	s0 =	simm.s32 $0x600;
	s18 =	simm.s32 $0xAE20  }
0x5d: {  	[tilespmem:s18], [sflag:$0xD] =	stream.indirect.gather [hbm4b:s2+s23], $0x10, s0, s23, $0xb8;
	[tilespmem:$0x10720] =	vst v63  }
0x5e: {  	_ =	swait.ge [sflag:s9], $0x800  }
0x5f: {  	[sflag:s9] =	ssyncset.done $0x0  }
0x60: {  	s0 =	simm.s32 $0x2710;
	[sflag:s9] =	ssyncadd.s32 $0xFFFFF800  }
0x61: {  	[spmem:s3] =	stream.indirect.scatter.add.f32 [tilespmem:s21], [sflag:$0xE], $0x10, s0, s23, $0xb8;
	[tilespmem:$0x10720] =	vst v63  }
0x62: {  	s0 =	simm.s32 $0x2  }
0x63: {  	_ =	swait.ge [sflag:s0], $0x800  }
0x64: {  	[sflag:s0] =	ssyncset.done $0x0  }
0x65: {  	[sflag:s0] =	ssyncadd.s32 $0xFFFFF800;
	s0 =	simm.s32 $0x2790  }
0x66: {  	[spmem:s3] =	stream.indirect.scatter.add.f32 [tilespmem:s16], [sflag:$0xF], $0x10, s0, s23, $0xb8;
	[tilespmem:$0x10720] =	vst v63  }
0x67: {  	s0 =	simm.s32 $0x3  }
0x68: {  	_ =	swait.ge [sflag:s0], $0x800  }
0x69: {  	[sflag:s0] =	ssyncset.done $0x0  }
0x6a: {  	[sflag:s0] =	ssyncadd.s32 $0xFFFFF800;
	s0 =	simm.s32 $0x2810  }
0x6b: {  	[spmem:s3] =	stream.indirect.scatter.add.f32 [tilespmem:s4], [sflag:$0x10], $0x10, s0, s23, $0xb8;
	[tilespmem:$0x10720] =	vst v63  }
0x6c: {  	s0 =	simm.s32 $0x4  }
0x6d: {  	_ =	swait.ge [sflag:s0], $0x800  }
0x6e: {  	[sflag:s0] =	ssyncset.done $0x0  }
0x6f: {  	[sflag:s0] =	ssyncadd.s32 $0xFFFFF800;
	s0 =	simm.s32 $0x2890  }
0x70: {  	[spmem:s3] =	stream.indirect.scatter.add.f32 [tilespmem:s5], [sflag:$0x11], $0x10, s0, s23, $0xb8;
	[tilespmem:$0x10720] =	vst v63  }
0x71: {  	s0 =	simm.s32 $0x5  }
0x72: {  	_ =	swait.ge [sflag:s0], $0x800  }
0x73: {  	[sflag:s0] =	ssyncset.done $0x0  }
0x74: {  	[sflag:s0] =	ssyncadd.s32 $0xFFFFF800;
	s0 =	simm.s32 $0x2910  }
0x75: {  	[spmem:s3] =	stream.indirect.scatter.add.f32 [tilespmem:s20], [sflag:$0x12], $0x10, s0, s23, $0xb8;
	[tilespmem:$0x10720] =	vst v63  }
0x76: {  	s0 =	simm.s32 $0x6  }
0x77: {  	_ =	swait.ge [sflag:s0], $0x800  }
0x78: {  	[sflag:s0] =	ssyncset.done $0x0  }
0x79: {  	[sflag:s0] =	ssyncadd.s32 $0xFFFFF800;
	s0 =	simm.s32 $0x2990  }
0x7a: {  	[spmem:s3] =	stream.indirect.scatter.add.f32 [tilespmem:s15], [sflag:$0x13], $0x10, s0, s23, $0xb8;
	[tilespmem:$0x10720] =	vst v63  }
0x7b: {  	s0 =	simm.s32 $0x7  }
0x7c: {  	_ =	swait.ge [sflag:s0], $0x800  }
0x7d: {  	[sflag:s0] =	ssyncset.done $0x0  }
0x7e: {  	[sflag:s0] =	ssyncadd.s32 $0xFFFFF800;
	s0 =	simm.s32 $0x2A10  }
0x7f: {  	[spmem:s3] =	stream.indirect.scatter.add.f32 [tilespmem:s14], [sflag:$0x14], $0x10, s0, s23, $0xb8;
	[tilespmem:$0x10720] =	vst v63  }
0x80: {  	s0 =	simm.s32 $0x8  }
0x81: {  	_ =	swait.ge [sflag:s0], $0x800  }
0x82: {  	[sflag:s0] =	ssyncset.done $0x0  }
0x83: {  	[sflag:s0] =	ssyncadd.s32 $0xFFFFF800;
	s0 =	simm.s32 $0x2A90  }
0x84: {  	[spmem:s3] =	stream.indirect.scatter.add.f32 [tilespmem:s13], [sflag:$0x15], $0x10, s0, s23, $0xb8;
	[tilespmem:$0x10720] =	vst v63  }
0x85: {  	s0 =	simm.s32 $0x9  }
0x86: {  	_ =	swait.ge [sflag:s0], $0x800  }
0x87: {  	[sflag:s0] =	ssyncset.done $0x0  }
0x88: {  	[sflag:s0] =	ssyncadd.s32 $0xFFFFF800;
	s0 =	simm.s32 $0x2B10  }
0x89: {  	[spmem:s3] =	stream.indirect.scatter.add.f32 [tilespmem:s12], [sflag:$0x16], $0x10, s0, s23, $0xb8;
	[tilespmem:$0x10720] =	vst v63  }
0x8a: {  	s0 =	simm.s32 $0xA  }
0x8b: {  	_ =	swait.ge [sflag:s0], $0x800  }
0x8c: {  	[sflag:s0] =	ssyncset.done $0x0  }
0x8d: {  	[sflag:s0] =	ssyncadd.s32 $0xFFFFF800;
	s0 =	simm.s32 $0x2B90  }
0x8e: {  	[spmem:s3] =	stream.indirect.scatter.add.f32 [tilespmem:s11], [sflag:$0x17], $0x10, s0, s23, $0xb8;
	[tilespmem:$0x10720] =	vst v63  }
0x8f: {  	s0 =	simm.s32 $0xB  }
0x90: {  	_ =	swait.ge [sflag:s0], $0x800  }
0x91: {  	[sflag:s0] =	ssyncset.done $0x0  }
0x92: {  	s6 =	simm.s32 $0x9E20;
	[sflag:s0] =	ssyncadd.s32 $0xFFFFF800;
	s0 =	simm.s32 $0x2C10  }
0x93: {  	[spmem:s3] =	stream.indirect.scatter.add.f32 [tilespmem:s6], [sflag:$0x18], $0x10, s0, s23, $0xb8;
	[tilespmem:$0x10720] =	vst v63  }
0x94: {  	s6 =	simm.s32 $0xC  }
0x95: {  	_ =	swait.ge [sflag:s6], $0x800  }
0x96: {  	[sflag:s6] =	ssyncset.done $0x0  }
0x97: {  	s0 =	simm.s32 $0x2C90;
	[sflag:s6] =	ssyncadd.s32 $0xFFFFF800;
	s6 =	simm.s32 $0xA620  }
0x98: {  	[spmem:s3] =	stream.indirect.scatter.add.f32 [tilespmem:s6], [sflag:$0x19], $0x10, s0, s23, $0xb8;
	[tilespmem:$0x10720] =	vst v63  }
0x99: {  	_ =	swait.ge [sflag:s8], $0x800  }
0x9a: {  	[sflag:s8] =	ssyncset.done $0x0  }
0x9b: {  	[sflag:s8] =	ssyncadd.s32 $0xFFFFF800;
	s8 =	simm.s32 $0x2D10  }
0x9c: {  	[spmem:s3] =	stream.indirect.scatter.add.f32 [tilespmem:s18], [sflag:$0x1A], $0x10, s8, s23, $0xb8;
	[tilespmem:$0x10720] =	vst v63  }
0x9d: {  	_ =	swait.ge [sflag:s24], $0x800  }
0x9e: {  	[sflag:s24] =	ssyncset.done $0x0  }
0x9f: {  	s8 =	simm.s32 $0x680;
	[sflag:s24] =	ssyncadd.s32 $0xFFFFF800  }
0xa0: {  	[tilespmem:s21], [sflag:$0x1] =	stream.indirect.gather [hbm4b:s2+s23], $0x10, s8, s23, $0xb8;
	[tilespmem:$0x10720] =	vst v63  }
0xa1: {  	_ =	swait.ge [sflag:s25], $0x800  }
0xa2: {  	[sflag:s25] =	ssyncset.done $0x0  }
0xa3: {  	s24 =	simm.s32 $0x700;
	[sflag:s25] =	ssyncadd.s32 $0xFFFFF800  }
0xa4: {  	[tilespmem:s16], [sflag:$0x2] =	stream.indirect.gather [hbm4b:s2+s23], $0x10, s24, s23, $0xb8;
	[tilespmem:$0x10720] =	vst v63  }
0xa5: {  	_ =	swait.ge [sflag:s31], $0x800  }
0xa6: {  	[sflag:s31] =	ssyncset.done $0x0  }
0xa7: {  	s25 =	simm.s32 $0x780;
	[sflag:s31] =	ssyncadd.s32 $0xFFFFF800  }
0xa8: {  	[tilespmem:s4], [sflag:$0x3] =	stream.indirect.gather [hbm4b:s2+s23], $0x10, s25, s23, $0xb8;
	[tilespmem:$0x10720] =	vst v63  }
0xa9: {  	_ =	swait.ge [sflag:s28], $0x800  }
0xaa: {  	[sflag:s28] =	ssyncset.done $0x0  }
0xab: {  	s4 =	simm.s32 $0x800;
	[sflag:s28] =	ssyncadd.s32 $0xFFFFF800  }
0xac: {  	[tilespmem:s5], [sflag:$0x4] =	stream.indirect.gather [hbm4b:s2+s23], $0x10, s4, s23, $0xb8;
	[tilespmem:$0x10720] =	vst v63  }
0xad: {  	_ =	swait.ge [sflag:s1], $0x800  }
0xae: {  	[sflag:s1] =	ssyncset.done $0x0  }
0xaf: {  	s8 =	simm.s32 $0x880;
	[sflag:s1] =	ssyncadd.s32 $0xFFFFF800  }
0xb0: {  	[tilespmem:s20], [sflag:$0x5] =	stream.indirect.gather [hbm4b:s2+s23], $0x10, s8, s23, $0xb8;
	[tilespmem:$0x10720] =	vst v63  }
0xb1: {  	_ =	swait.ge [sflag:s19], $0x800  }
0xb2: {  	[sflag:s19] =	ssyncset.done $0x0  }
0xb3: {  	s16 =	simm.s32 $0x900;
	[sflag:s19] =	ssyncadd.s32 $0xFFFFF800  }
0xb4: {  	[tilespmem:s15], [sflag:$0x6] =	stream.indirect.gather [hbm4b:s2+s23], $0x10, s16, s23, $0xb8;
	[tilespmem:$0x10720] =	vst v63  }
0xb5: {  	_ =	swait.ge [sflag:s26], $0x800  }
0xb6: {  	[sflag:s26] =	ssyncset.done $0x0  }
0xb7: {  	s19 =	simm.s32 $0x980;
	[sflag:s26] =	ssyncadd.s32 $0xFFFFF800  }
0xb8: {  	[tilespmem:s14], [sflag:$0x7] =	stream.indirect.gather [hbm4b:s2+s23], $0x10, s19, s23, $0xb8;
	[tilespmem:$0x10720] =	vst v63  }
0xb9: {  	_ =	swait.ge [sflag:s30], $0x800  }
0xba: {  	[sflag:s30] =	ssyncset.done $0x0  }
0xbb: {  	s20 =	simm.s32 $0xA00;
	[sflag:s30] =	ssyncadd.s32 $0xFFFFF800  }
0xbc: {  	[tilespmem:s13], [sflag:$0x8] =	stream.indirect.gather [hbm4b:s2+s23], $0x10, s20, s23, $0xb8;
	[tilespmem:$0x10720] =	vst v63  }
0xbd: {  	_ =	swait.ge [sflag:s22], $0x800  }
0xbe: {  	[sflag:s22] =	ssyncset.done $0x0  }
0xbf: {  	s21 =	simm.s32 $0xA80;
	[sflag:s22] =	ssyncadd.s32 $0xFFFFF800  }
0xc0: {  	[tilespmem:s12], [sflag:$0x9] =	stream.indirect.gather [hbm4b:s2+s23], $0x10, s21, s23, $0xb8;
	[tilespmem:$0x10720] =	vst v63  }
0xc1: {  	_ =	swait.ge [sflag:s17], $0x800  }
0xc2: {  	[sflag:s17] =	ssyncset.done $0x0  }
0xc3: {  	s22 =	simm.s32 $0xB00;
	[sflag:s17] =	ssyncadd.s32 $0xFFFFF800  }
0xc4: {  	[tilespmem:s11], [sflag:$0xA] =	stream.indirect.gather [hbm4b:s2+s23], $0x10, s22, s23, $0xb8;
	[tilespmem:$0x10720] =	vst v63  }
0xc5: {  	s6 =	simm.s32 $0xA620;
	_ =	swait.ge [sflag:s29], $0x800  }
0xc6: {  	s0 =	simm.s32 $0x1A00;
	s24 =	simm.s32 $0xB80;
	[sflag:s29] =	ssyncset.done $0x0  }
0xc7: {  	s31 =	simm.s32 $0x15;
	s25 =	simm.s32 $0x9E20;
	[sflag:s29] =	ssyncadd.s32 $0xFFFFF800  }
0xc8: {  	[tilespmem:s25], [sflag:$0xB] =	stream.indirect.gather [hbm4b:s2+s23], $0x10, s24, s23, $0xb8;
	[tilespmem:$0x10720] =	vst v63  }
0xc9: {  	s28 =	simm.s32 $0xF;
	s1 =	simm.s32 $0x12;
	_ =	swait.ge [sflag:s7], $0x800  }
0xca: {  	s26 =	simm.s32 $0xC00;
	s19 =	simm.s32 $0x13;
	[sflag:s7] =	ssyncset.done $0x0  }
0xcb: {  	s30 =	simm.s32 $0x11;
	s17 =	simm.s32 $0x17;
	[sflag:s7] =	ssyncadd.s32 $0xFFFFF800  }
0xcc: {  	[tilespmem:s6], [sflag:$0xC] =	stream.indirect.gather [hbm4b:s2+s23], $0x10, s26, s23, $0xb8;
	[tilespmem:$0x10720] =	vst v63  }
0xcd: {  	s22 =	simm.s32 $0x16;
	s29 =	simm.s32 $0x18;
	_ =	swait.ge [sflag:s10], $0x800  }
0xce: {  	s25 =	simm.s32 $0xE;
	s24 =	simm.s32 $0xD;
	[sflag:s10] =	ssyncset.done $0x0  }
0xcf: {  	s6 =	simm.s32 $0xC80;
	s26 =	simm.s32 $0x14;
	[sflag:s10] =	ssyncadd.s32 $0xFFFFF800  }
.LBB2_4:
0xd0: {  	[tilespmem:s18], [sflag:$0xD] =	stream.indirect.gather [hbm4b:s2+s23], $0x10, s6, s23, $0xb8;
	[tilespmem:$0x10720] =	vst v63  }
0xd1: {  	s6 =	smov.u32 s0;
	p3 =	sne.s32 s0, $0x6800;
	s0 =	sadd.s32 $0x1A00, s0  }
0xd2: {  	s8 =	simm.s32 $0xA620;
	s10 =	simm.s32 $0x4E20;
	_ =	swait.ge [sflag:s9], $0x800  }
0xd3: {  	s4 =	simm.s32 $0x2;
	s6 =	sshra.s32 s6, $0x2;
	[sflag:s9] =	ssyncset.done $0x0  }
0xd4: {  	s18 =	sadd.s32 $0x2710, s6;
	[sflag:s9] =	ssyncadd.s32 $0xFFFFF800;
	s9 =	simm.s32 $0xAE20  }
0xd5: {  	[spmem:s3] =	stream.indirect.scatter.add.f32 [tilespmem:s10], [sflag:$0xE], $0x10, s18, s23, $0xb8;
	[tilespmem:$0x10720] =	vst v63  }
0xd6: {  	_ =	swait.ge [sflag:s4], $0x800  }
0xd7: {  	s5 =	simm.s32 $0x3;
	[sflag:s4] =	ssyncset.done $0x0  }
0xd8: {  	s18 =	sadd.s32 $0x2790, s6;
	[sflag:s4] =	ssyncadd.s32 $0xFFFFF800;
	s4 =	simm.s32 $0x5620  }
0xd9: {  	[spmem:s3] =	stream.indirect.scatter.add.f32 [tilespmem:s4], [sflag:$0xF], $0x10, s18, s23, $0xb8;
	[tilespmem:$0x10720] =	vst v63  }
0xda: {  	_ =	swait.ge [sflag:s5], $0x800  }
0xdb: {  	s16 =	simm.s32 $0x5E20;
	[sflag:s5] =	ssyncset.done $0x0  }
0xdc: {  	s18 =	sadd.s32 $0x2810, s6;
	[sflag:s5] =	ssyncadd.s32 $0xFFFFF800;
	s5 =	simm.s32 $0x4  }
0xdd: {  	[spmem:s3] =	stream.indirect.scatter.add.f32 [tilespmem:s16], [sflag:$0x10], $0x10, s18, s23, $0xb8;
	[tilespmem:$0x10720] =	vst v63  }
0xde: {  	_ =	swait.ge [sflag:s5], $0x800  }
0xdf: {  	s7 =	simm.s32 $0x5;
	[sflag:s5] =	ssyncset.done $0x0  }
0xe0: {  	s18 =	sadd.s32 $0x2890, s6;
	[sflag:s5] =	ssyncadd.s32 $0xFFFFF800;
	s5 =	simm.s32 $0x6620  }
0xe1: {  	[spmem:s3] =	stream.indirect.scatter.add.f32 [tilespmem:s5], [sflag:$0x11], $0x10, s18, s23, $0xb8;
	[tilespmem:$0x10720] =	vst v63  }
0xe2: {  	_ =	swait.ge [sflag:s7], $0x800  }
0xe3: {  	s21 =	simm.s32 $0x6E20;
	[sflag:s7] =	ssyncset.done $0x0  }
0xe4: {  	s18 =	sadd.s32 $0x2910, s6;
	[sflag:s7] =	ssyncadd.s32 $0xFFFFF800;
	s7 =	simm.s32 $0x6  }
0xe5: {  	[spmem:s3] =	stream.indirect.scatter.add.f32 [tilespmem:s21], [sflag:$0x12], $0x10, s18, s23, $0xb8;
	[tilespmem:$0x10720] =	vst v63  }
0xe6: {  	_ =	swait.ge [sflag:s7], $0x800  }
0xe7: {  	s15 =	simm.s32 $0x7620;
	[sflag:s7] =	ssyncset.done $0x0  }
0xe8: {  	s18 =	sadd.s32 $0x2990, s6;
	[sflag:s7] =	ssyncadd.s32 $0xFFFFF800;
	s7 =	simm.s32 $0x7  }
0xe9: {  	[spmem:s3] =	stream.indirect.scatter.add.f32 [tilespmem:s15], [sflag:$0x13], $0x10, s18, s23, $0xb8;
	[tilespmem:$0x10720] =	vst v63  }
0xea: {  	_ =	swait.ge [sflag:s7], $0x800  }
0xeb: {  	s14 =	simm.s32 $0x7E20;
	[sflag:s7] =	ssyncset.done $0x0  }
0xec: {  	s18 =	sadd.s32 $0x2A10, s6;
	[sflag:s7] =	ssyncadd.s32 $0xFFFFF800;
	s7 =	simm.s32 $0x8  }
0xed: {  	[spmem:s3] =	stream.indirect.scatter.add.f32 [tilespmem:s14], [sflag:$0x14], $0x10, s18, s23, $0xb8;
	[tilespmem:$0x10720] =	vst v63  }
0xee: {  	_ =	swait.ge [sflag:s7], $0x800  }
0xef: {  	s13 =	simm.s32 $0x8620;
	[sflag:s7] =	ssyncset.done $0x0  }
0xf0: {  	s18 =	sadd.s32 $0x2A90, s6;
	[sflag:s7] =	ssyncadd.s32 $0xFFFFF800;
	s7 =	simm.s32 $0x9  }
0xf1: {  	[spmem:s3] =	stream.indirect.scatter.add.f32 [tilespmem:s13], [sflag:$0x15], $0x10, s18, s23, $0xb8;
	[tilespmem:$0x10720] =	vst v63  }
0xf2: {  	_ =	swait.ge [sflag:s7], $0x800  }
0xf3: {  	s12 =	simm.s32 $0x8E20;
	[sflag:s7] =	ssyncset.done $0x0  }
0xf4: {  	s18 =	sadd.s32 $0x2B10, s6;
	[sflag:s7] =	ssyncadd.s32 $0xFFFFF800;
	s7 =	simm.s32 $0xA  }
0xf5: {  	[spmem:s3] =	stream.indirect.scatter.add.f32 [tilespmem:s12], [sflag:$0x16], $0x10, s18, s23, $0xb8;
	[tilespmem:$0x10720] =	vst v63  }
0xf6: {  	_ =	swait.ge [sflag:s7], $0x800  }
0xf7: {  	s20 =	simm.s32 $0x9620;
	[sflag:s7] =	ssyncset.done $0x0  }
0xf8: {  	s18 =	sadd.s32 $0x2B90, s6;
	[sflag:s7] =	ssyncadd.s32 $0xFFFFF800;
	s7 =	simm.s32 $0xB  }
0xf9: {  	[spmem:s3] =	stream.indirect.scatter.add.f32 [tilespmem:s20], [sflag:$0x17], $0x10, s18, s23, $0xb8;
	[tilespmem:$0x10720] =	vst v63  }
0xfa: {  	_ =	swait.ge [sflag:s7], $0x800  }
0xfb: {  	s11 =	simm.s32 $0x9E20;
	[sflag:s7] =	ssyncset.done $0x0  }
0xfc: {  	s18 =	sadd.s32 $0x2C10, s6;
	[sflag:s7] =	ssyncadd.s32 $0xFFFFF800;
	s7 =	simm.s32 $0xC  }
0xfd: {  	[spmem:s3] =	stream.indirect.scatter.add.f32 [tilespmem:s11], [sflag:$0x18], $0x10, s18, s23, $0xb8;
	[tilespmem:$0x10720] =	vst v63  }
0xfe: {  	_ =	swait.ge [sflag:s7], $0x800  }
0xff: {  	[sflag:s7] =	ssyncset.done $0x0  }
0x100: {  	s18 =	sadd.s32 $0x2C90, s6;
	[sflag:s7] =	ssyncadd.s32 $0xFFFFF800  }
0x101: {  	[spmem:s3] =	stream.indirect.scatter.add.f32 [tilespmem:s8], [sflag:$0x19], $0x10, s18, s23, $0xb8;
	[tilespmem:$0x10720] =	vst v63  }
0x102: {  	_ =	swait.ge [sflag:s24], $0x800  }
0x103: {  	[sflag:s24] =	ssyncset.done $0x0  }
0x104: {  	s18 =	sadd.s32 $0x2D10, s6;
	[sflag:s24] =	ssyncadd.s32 $0xFFFFF800  }
0x105: {  	[spmem:s3] =	stream.indirect.scatter.add.f32 [tilespmem:s9], [sflag:$0x1A], $0x10, s18, s23, $0xb8;
	[tilespmem:$0x10720] =	vst v63  }
0x106: {  	s9 =	simm.s32 $0x1  }
0x107: {  	_ =	swait.ge [sflag:s25], $0x800  }
0x108: {  	[sflag:s25] =	ssyncset.done $0x0  }
0x109: {  	s7 =	simm.s32 $0x4E20;
	s18 =	sadd.s32 $0x680, s6;
	[sflag:s25] =	ssyncadd.s32 $0xFFFFF800  }
0x10a: {  	[tilespmem:s10], [sflag:$0x1] =	stream.indirect.gather [hbm4b:s2+s23], $0x10, s18, s23, $0xb8;
	[tilespmem:$0x10720] =	vst v63  }
0x10b: {  	_ =	swait.ge [sflag:s28], $0x800  }
0x10c: {  	[sflag:s28] =	ssyncset.done $0x0  }
0x10d: {  	s18 =	sadd.s32 $0x700, s6;
	[sflag:s28] =	ssyncadd.s32 $0xFFFFF800  }
0x10e: {  	[tilespmem:s4], [sflag:$0x2] =	stream.indirect.gather [hbm4b:s2+s23], $0x10, s18, s23, $0xb8;
	[tilespmem:$0x10720] =	vst v63  }
0x10f: {  	s10 =	simm.s32 $0x5620;
	s18 =	simm.s32 $0x10  }
0x110: {  	_ =	swait.ge [sflag:s18], $0x800  }
0x111: {  	[sflag:s18] =	ssyncset.done $0x0  }
0x112: {  	s4 =	simm.s32 $0x5E20;
	[sflag:s18] =	ssyncadd.s32 $0xFFFFF800;
	s18 =	sadd.s32 $0x780, s6  }
0x113: {  	[tilespmem:s16], [sflag:$0x3] =	stream.indirect.gather [hbm4b:s2+s23], $0x10, s18, s23, $0xb8;
	[tilespmem:$0x10720] =	vst v63  }
0x114: {  	_ =	swait.ge [sflag:s30], $0x800  }
0x115: {  	[sflag:s30] =	ssyncset.done $0x0  }
0x116: {  	s18 =	sadd.s32 $0x800, s6;
	s16 =	simm.s32 $0x6620;
	[sflag:s30] =	ssyncadd.s32 $0xFFFFF800  }
0x117: {  	[tilespmem:s5], [sflag:$0x4] =	stream.indirect.gather [hbm4b:s2+s23], $0x10, s18, s23, $0xb8;
	[tilespmem:$0x10720] =	vst v63  }
0x118: {  	_ =	swait.ge [sflag:s1], $0x800  }
0x119: {  	[sflag:s1] =	ssyncset.done $0x0  }
0x11a: {  	s18 =	sadd.s32 $0x880, s6;
	s5 =	simm.s32 $0x6E20;
	[sflag:s1] =	ssyncadd.s32 $0xFFFFF800  }
0x11b: {  	[tilespmem:s21], [sflag:$0x5] =	stream.indirect.gather [hbm4b:s2+s23], $0x10, s18, s23, $0xb8;
	[tilespmem:$0x10720] =	vst v63  }
0x11c: {  	_ =	swait.ge [sflag:s19], $0x800  }
0x11d: {  	[sflag:s19] =	ssyncset.done $0x0  }
0x11e: {  	s18 =	sadd.s32 $0x900, s6;
	s21 =	simm.s32 $0x7620;
	[sflag:s19] =	ssyncadd.s32 $0xFFFFF800  }
0x11f: {  	[tilespmem:s15], [sflag:$0x6] =	stream.indirect.gather [hbm4b:s2+s23], $0x10, s18, s23, $0xb8;
	[tilespmem:$0x10720] =	vst v63  }
0x120: {  	_ =	swait.ge [sflag:s26], $0x800  }
0x121: {  	[sflag:s26] =	ssyncset.done $0x0  }
0x122: {  	s18 =	sadd.s32 $0x980, s6;
	s15 =	simm.s32 $0x7E20;
	[sflag:s26] =	ssyncadd.s32 $0xFFFFF800  }
0x123: {  	[tilespmem:s14], [sflag:$0x7] =	stream.indirect.gather [hbm4b:s2+s23], $0x10, s18, s23, $0xb8;
	[tilespmem:$0x10720] =	vst v63  }
0x124: {  	_ =	swait.ge [sflag:s31], $0x800  }
0x125: {  	[sflag:s31] =	ssyncset.done $0x0  }
0x126: {  	s18 =	sadd.s32 $0xA00, s6;
	s14 =	simm.s32 $0x8620;
	[sflag:s31] =	ssyncadd.s32 $0xFFFFF800  }
0x127: {  	[tilespmem:s13], [sflag:$0x8] =	stream.indirect.gather [hbm4b:s2+s23], $0x10, s18, s23, $0xb8;
	[tilespmem:$0x10720] =	vst v63  }
0x128: {  	_ =	swait.ge [sflag:s22], $0x800  }
0x129: {  	[sflag:s22] =	ssyncset.done $0x0  }
0x12a: {  	s18 =	sadd.s32 $0xA80, s6;
	s13 =	simm.s32 $0x8E20;
	[sflag:s22] =	ssyncadd.s32 $0xFFFFF800  }
0x12b: {  	[tilespmem:s12], [sflag:$0x9] =	stream.indirect.gather [hbm4b:s2+s23], $0x10, s18, s23, $0xb8;
	[tilespmem:$0x10720] =	vst v63  }
0x12c: {  	_ =	swait.ge [sflag:s17], $0x800  }
0x12d: {  	[sflag:s17] =	ssyncset.done $0x0  }
0x12e: {  	s18 =	sadd.s32 $0xB00, s6;
	s12 =	simm.s32 $0x9620;
	[sflag:s17] =	ssyncadd.s32 $0xFFFFF800  }
0x12f: {  	[tilespmem:s20], [sflag:$0xA] =	stream.indirect.gather [hbm4b:s2+s23], $0x10, s18, s23, $0xb8;
	[tilespmem:$0x10720] =	vst v63  }
0x130: {  	_ =	swait.ge [sflag:s29], $0x800  }
0x131: {  	[sflag:s29] =	ssyncset.done $0x0  }
0x132: {  	s18 =	sadd.s32 $0xB80, s6;
	[sflag:s29] =	ssyncadd.s32 $0xFFFFF800  }
0x133: {  	[tilespmem:s11], [sflag:$0xB] =	stream.indirect.gather [hbm4b:s2+s23], $0x10, s18, s23, $0xb8;
	[tilespmem:$0x10720] =	vst v63  }
0x134: {  	s20 =	simm.s32 $0x9E20;
	s11 =	simm.s32 $0x19  }
0x135: {  	_ =	swait.ge [sflag:s11], $0x800  }
0x136: {  	[sflag:s11] =	ssyncset.done $0x0  }
0x137: {  	s18 =	sadd.s32 $0xC00, s6;
	[sflag:s11] =	ssyncadd.s32 $0xFFFFF800  }
0x138: {  	[tilespmem:s8], [sflag:$0xC] =	stream.indirect.gather [hbm4b:s2+s23], $0x10, s18, s23, $0xb8;
	[tilespmem:$0x10720] =	vst v63  }
.Ltmp1:
0x139: {  	_ = 	snop;
	(pc) =	sbr.rel @p3 .LBB2_4-.Ltmp1, $4  }
0x13a: {  	s11 =	simm.s32 $0x1A;
	s18 =	simm.s32 $0xAE20;
	s8 =	simm.s32 $0xA620  }
0x13b: {  	_ =	swait.ge [sflag:s11], $0x800  }
0x13c: {  	[sflag:s11] =	ssyncset.done $0x0  }
0x13d: {  	s6 =	sadd.s32 $0xC80, s6;
	[sflag:s11] =	ssyncadd.s32 $0xFFFFF800  }
0x13e: {  	[tilespmem:s18], [sflag:$0xD] =	stream.indirect.gather [hbm4b:s2+s23], $0x10, s6, s23, $0xb8;
	[tilespmem:$0x10720] =	vst v63  }
0x13f: {  	_ =	swait.ge [sflag:s9], $0x800  }
0x140: {  	[sflag:s9] =	ssyncset.done $0x0  }
0x141: {  	s0 =	simm.s32 $0x4790;
	s11 =	simm.s32 $0x2;
	[sflag:s9] =	ssyncadd.s32 $0xFFFFF800  }
0x142: {  	[spmem:s3] =	stream.indirect.scatter.add.f32 [tilespmem:s7], [sflag:$0xE], $0x10, s0, s23, $0xb8;
	[tilespmem:$0x10720] =	vst v63  }
0x143: {  	_ =	swait.ge [sflag:s11], $0x800  }
0x144: {  	[sflag:s11] =	ssyncset.done $0x0  }
0x145: {  	s6 =	simm.s32 $0x4810;
	s7 =	simm.s32 $0x3;
	[sflag:s11] =	ssyncadd.s32 $0xFFFFF800  }
0x146: {  	[spmem:s3] =	stream.indirect.scatter.add.f32 [tilespmem:s10], [sflag:$0xF], $0x10, s6, s23, $0xb8;
	[tilespmem:$0x10720] =	vst v63  }
0x147: {  	_ =	swait.ge [sflag:s7], $0x800  }
0x148: {  	[sflag:s7] =	ssyncset.done $0x0  }
0x149: {  	s11 =	simm.s32 $0x4;
	s10 =	simm.s32 $0x4890;
	[sflag:s7] =	ssyncadd.s32 $0xFFFFF800  }
0x14a: {  	[spmem:s3] =	stream.indirect.scatter.add.f32 [tilespmem:s4], [sflag:$0x10], $0x10, s10, s23, $0xb8;
	[tilespmem:$0x10720] =	vst v63  }
0x14b: {  	_ =	swait.ge [sflag:s11], $0x800  }
0x14c: {  	[sflag:s11] =	ssyncset.done $0x0  }
0x14d: {  	s6 =	simm.s32 $0x5;
	s4 =	simm.s32 $0x4910;
	[sflag:s11] =	ssyncadd.s32 $0xFFFFF800  }
0x14e: {  	[spmem:s3] =	stream.indirect.scatter.add.f32 [tilespmem:s16], [sflag:$0x11], $0x10, s4, s23, $0xb8;
	[tilespmem:$0x10720] =	vst v63  }
0x14f: {  	_ =	swait.ge [sflag:s6], $0x800  }
0x150: {  	[sflag:s6] =	ssyncset.done $0x0  }
0x151: {  	s7 =	simm.s32 $0x4990;
	s10 =	simm.s32 $0x6;
	[sflag:s6] =	ssyncadd.s32 $0xFFFFF800  }
0x152: {  	[spmem:s3] =	stream.indirect.scatter.add.f32 [tilespmem:s5], [sflag:$0x12], $0x10, s7, s23, $0xb8;
	[tilespmem:$0x10720] =	vst v63  }
0x153: {  	_ =	swait.ge [sflag:s10], $0x800  }
0x154: {  	[sflag:s10] =	ssyncset.done $0x0  }
0x155: {  	s11 =	simm.s32 $0x4A10;
	s16 =	simm.s32 $0x7;
	[sflag:s10] =	ssyncadd.s32 $0xFFFFF800  }
0x156: {  	[spmem:s3] =	stream.indirect.scatter.add.f32 [tilespmem:s21], [sflag:$0x13], $0x10, s11, s23, $0xb8;
	[tilespmem:$0x10720] =	vst v63  }
0x157: {  	_ =	swait.ge [sflag:s16], $0x800  }
0x158: {  	[sflag:s16] =	ssyncset.done $0x0  }
0x159: {  	s4 =	simm.s32 $0x8;
	s21 =	simm.s32 $0x4A90;
	[sflag:s16] =	ssyncadd.s32 $0xFFFFF800  }
0x15a: {  	[spmem:s3] =	stream.indirect.scatter.add.f32 [tilespmem:s15], [sflag:$0x14], $0x10, s21, s23, $0xb8;
	[tilespmem:$0x10720] =	vst v63  }
0x15b: {  	_ =	swait.ge [sflag:s4], $0x800  }
0x15c: {  	[sflag:s4] =	ssyncset.done $0x0  }
0x15d: {  	s6 =	simm.s32 $0x9;
	s5 =	simm.s32 $0x4B10;
	[sflag:s4] =	ssyncadd.s32 $0xFFFFF800  }
0x15e: {  	[spmem:s3] =	stream.indirect.scatter.add.f32 [tilespmem:s14], [sflag:$0x15], $0x10, s5, s23, $0xb8;
	[tilespmem:$0x10720] =	vst v63  }
0x15f: {  	_ =	swait.ge [sflag:s6], $0x800  }
0x160: {  	[sflag:s6] =	ssyncset.done $0x0  }
0x161: {  	s7 =	simm.s32 $0x4B90;
	s10 =	simm.s32 $0xA;
	[sflag:s6] =	ssyncadd.s32 $0xFFFFF800  }
0x162: {  	[spmem:s3] =	stream.indirect.scatter.add.f32 [tilespmem:s13], [sflag:$0x16], $0x10, s7, s23, $0xb8;
	[tilespmem:$0x10720] =	vst v63  }
0x163: {  	_ =	swait.ge [sflag:s10], $0x800  }
0x164: {  	[sflag:s10] =	ssyncset.done $0x0  }
0x165: {  	s11 =	simm.s32 $0x4C10;
	[sflag:s10] =	ssyncadd.s32 $0xFFFFF800  }
0x166: {  	[spmem:s3] =	stream.indirect.scatter.add.f32 [tilespmem:s12], [sflag:$0x17], $0x10, s11, s23, $0xb8;
	[tilespmem:$0x10720] =	vst v63  }
0x167: {  	s12 =	simm.s32 $0xB  }
0x168: {  	_ =	swait.ge [sflag:s12], $0x800  }
0x169: {  	[sflag:s12] =	ssyncset.done $0x0  }
0x16a: {  	s14 =	simm.s32 $0xC;
	s13 =	simm.s32 $0x4C90;
	[sflag:s12] =	ssyncadd.s32 $0xFFFFF800  }
0x16b: {  	[spmem:s3] =	stream.indirect.scatter.add.f32 [tilespmem:s20], [sflag:$0x18], $0x10, s13, s23, $0xb8;
	[tilespmem:$0x10720] =	vst v63  }
0x16c: {  	_ =	swait.ge [sflag:s14], $0x800  }
0x16d: {  	[sflag:s14] =	ssyncset.done $0x0  }
0x16e: {  	s15 =	simm.s32 $0x4D10;
	[sflag:s14] =	ssyncadd.s32 $0xFFFFF800  }
0x16f: {  	[spmem:s3] =	stream.indirect.scatter.add.f32 [tilespmem:s8], [sflag:$0x19], $0x10, s15, s23, $0xb8;
	[tilespmem:$0x10720] =	vst v63  }
0x170: {  	_ =	swait.ge [sflag:s24], $0x800  }
0x171: {  	[sflag:s24] =	ssyncset.done $0x0  }
0x172: {  	s16 =	simm.s32 $0x4D90;
	[sflag:s24] =	ssyncadd.s32 $0xFFFFF800  }
0x173: {  	[spmem:s3] =	stream.indirect.scatter.add.f32 [tilespmem:s18], [sflag:$0x1A], $0x10, s16, s23, $0xb8;
	[tilespmem:$0x10720] =	vst v63  }
0x174: {  	_ =	swait.ge [sflag:s25], $0x800  }
0x175: {  	[sflag:s25] =	ssyncset.done $0x0  }
0x176: {  	[sflag:s25] =	ssyncadd.s32 $0xFFFFF800  }
0x177: {  	_ =	swait.ge [sflag:s28], $0x800  }
0x178: {  	[sflag:s28] =	ssyncset.done $0x0  }
0x179: {  	s18 =	simm.s32 $0x10;
	[sflag:s28] =	ssyncadd.s32 $0xFFFFF800  }
0x17a: {  	_ =	swait.ge [sflag:s18], $0x800  }
0x17b: {  	[sflag:s18] =	ssyncset.done $0x0  }
0x17c: {  	[sflag:s18] =	ssyncadd.s32 $0xFFFFF800  }
0x17d: {  	_ =	swait.ge [sflag:s30], $0x800  }
0x17e: {  	[sflag:s30] =	ssyncset.done $0x0  }
0x17f: {  	[sflag:s30] =	ssyncadd.s32 $0xFFFFF800  }
0x180: {  	_ =	swait.ge [sflag:s1], $0x800  }
0x181: {  	[sflag:s1] =	ssyncset.done $0x0  }
0x182: {  	[sflag:s1] =	ssyncadd.s32 $0xFFFFF800  }
0x183: {  	_ =	swait.ge [sflag:s19], $0x800  }
0x184: {  	[sflag:s19] =	ssyncset.done $0x0  }
0x185: {  	[sflag:s19] =	ssyncadd.s32 $0xFFFFF800  }
0x186: {  	_ =	swait.ge [sflag:s26], $0x800  }
0x187: {  	[sflag:s26] =	ssyncset.done $0x0  }
0x188: {  	[sflag:s26] =	ssyncadd.s32 $0xFFFFF800  }
0x189: {  	_ =	swait.ge [sflag:s31], $0x800  }
0x18a: {  	[sflag:s31] =	ssyncset.done $0x0  }
0x18b: {  	[sflag:s31] =	ssyncadd.s32 $0xFFFFF800  }
0x18c: {  	_ =	swait.ge [sflag:s22], $0x800  }
0x18d: {  	[sflag:s22] =	ssyncset.done $0x0  }
0x18e: {  	[sflag:s22] =	ssyncadd.s32 $0xFFFFF800  }
0x18f: {  	_ =	swait.ge [sflag:s17], $0x800  }
0x190: {  	[sflag:s17] =	ssyncset.done $0x0  }
0x191: {  	[sflag:s17] =	ssyncadd.s32 $0xFFFFF800  }
0x192: {  	_ =	swait.ge [sflag:s29], $0x800  }
0x193: {  	[sflag:s29] =	ssyncset.done $0x0  }
0x194: {  	s19 =	simm.s32 $0x19;
	[sflag:s29] =	ssyncadd.s32 $0xFFFFF800  }
0x195: {  	_ =	swait.ge [sflag:s19], $0x800  }
0x196: {  	[sflag:s19] =	ssyncset.done $0x0  }
0x197: {  	s20 =	simm.s32 $0x1A;
	[sflag:s19] =	ssyncadd.s32 $0xFFFFF800  }
0x198: {  	_ =	swait.ge [sflag:s20], $0x800  }
0x199: {  	[sflag:s20] =	ssyncset.done $0x0  }
0x19a: {  	s21 =	stileid.u32;
	[sflag:s20] =	ssyncadd.s32 $0xFFFFF800  }
0x19b: {  	s0 =	sshll.u32 s21, $0x6;
	[bflag:$0x0] =	sbarrier.arrive $0xFFFF  }
0x19c: {  	s0 =	sor.u32 $0x1C1C, s0;
	s22 =	rddreg [dreg:$0x5]  }
0x19d: {  	s25 =	simm.s32 $0x1C;
	s24 =	rddreg [dreg:$0xb];
	s6 =	sshrl.u32 s22, $0x3  }
0x19e: {  	[hbm:s24], [sflag:s0] =	dma.local [spmem:s6], $0x500  }
0x19f: {  	_ =	swait.ge [sflag:s25], $0x500  }
0x1a0: {  	s26 =	rddreg [dreg:$0x4]  }
0x1a1: {  	s31 =	rddreg [dreg:$0xc];
	s18 =	sadd.s32 $0x1, s26  }
0x1a2: {  	s7 =	simm.s32 $0x19;
	p3 =	sne.s32 s18, s31  }
.Ltmp2:
0x1a3: {  	s10 =	simm.s32 $0x1A;
	s8 =	simm.s32 $0xD;
	(pc) =	sbr.rel @p3 .LBB2_1-.Ltmp2, $4  }
0x1a4: {  	s28 =	simm.s32 $0x11;
	s30 =	simm.s32 $0x15;
	s1 =	simm.s32 $0x12  }
0x1a5: {  	s17 =	simm.s32 $0x17;
	s29 =	simm.s32 $0x18;
	s19 =	simm.s32 $0x13  }
0x1a6: {  	s22 =	simm.s32 $0x16;
	s24 =	simm.s32 $0xE;
	[sflag:s25] =	ssyncset.done $0x0  }
0x1a7: {  	[sflag:s25] =	ssyncadd.s32 $0xFFFFFB00;
	s25 =	simm.s32 $0xF;
	s26 =	simm.s32 $0x14  }
0x1a8: {  	_ =	sfence.sel $0x180000  }
0x1a9: {  	[bflag:$0x0] =	sbarrier.arrive $0xFFFF  }
0x1aa: {  	_ =	strace $0x9000004A  }
0x1ab: {  	s0 =	stileid.u32;
	[bflag:$0x2] =	sbarrier.arrive $0xFFFF  }
0x1ac: {  	p0 =	sne.s32 s0, $0x0;
	s0 =	rddreg [dreg:$0x3]  }
0x1ad: {  	s0 =	sadd.s32 @!p0 $0x100000, s0  }
0x1ae: {  	[sflag:s0] =	ssyncadd.tile.s32 @!p0 $0x1;
	_ =	shalt  }
.Lfunc_end2:
_tile_overlayer_lowered:
.L_overlay_start_2:
0x1af: {  	(tag) =	ssettag $0x2  }
0x1b0: {  	s0 =	rddreg [dreg:$0x0];
	s2 =	stileid.u32  }
0x1b1: {  	s1 =	rddreg [dreg:$0x1];
	p0 =	sne.s32 s2, $0x0  }
0x1b2: {  	s3 =	rddreg [dreg:$0x2];
	[bflag:$0x3] =	sbarrier.arrive $0xFFFF;
	s2 =	simm.s32 @!p0 $0x1C1C  }
0x1b3: {  	[timem:s3], [sflag:s2] =	dma.local @!p0 [hbm:s0], s1  }
0x1b4: {  	s0 =	simm.s32 @!p0 $0x1C  }
0x1b5: {  	_ =	swait.ge @!p0 [sflag:s0], s1  }
0x1b6: {  	s1 =	ssub.s32 @!p0 $0x0, s1;
	[sflag:s0] =	ssyncset.done @!p0 $0x0  }
0x1b7: {  	[sflag:s0] =	ssyncadd.s32 @!p0 s1  }
0x1b8: {  	[bflag:$0x3] =	sbarrier.arrive $0xFFFF  }
0x1b9: {  	_ =	shalt  }

// kernel: kernel.7.cloned.1.call-start
scs
__scs_entry_jumppad:
0x0: {  	(pc) =	sbr.rel $0x88, $3  }
0x1: {  	(tag) =	ssettag $0x0;
	lr =	simm.s32 $0x1  }
0x2: {  	[smem:$0x3F9D] =	sst lr;
	_ =	strace $0xD0000000  }
0x3: {  	_ = 	snop  }
0x4: {  	_ = 	snop  }
0x5: {  	_ = 	snop  }
0x6: {  	_ = 	snop  }
0x7: {  	_ = 	snop  }
__scs_overlays_trampoline_lowered:
0x8: {  	[smem:$0x3FAC] =	sst s0  }
0x9: {  	[smem:$0x3FAD] =	sst s1  }
0xa: {  	[smem:$0x3FAE] =	sst s2  }
0xb: {  	[smem:$0x3FAF] =	sst s3  }
0xc: {  	[smem:$0x3FB0] =	sst s4  }
0xd: {  	[smem:$0x3FB1] =	sst s5  }
0xe: {  	[smem:$0x3FB2] =	sst s6  }
0xf: {  	[smem:$0x3FB3] =	sst s7  }
0x10: {  	[smem:$0x3FB4] =	sst s8  }
0x11: {  	[smem:$0x3FB5] =	sst s9;
	s0 =	simm.s32 @!p0 $0x0  }
0x12: {  	s1 =	sld [smem:$0x3F9B];
	s0 =	simm.s32 @p0 $0x1  }
0x13: {  	[smem:$0x3FB6] =	sst s0;
	s0 =	simm.s32 @!p1 $0x0  }
0x14: {  	s2 =	sld [smem:$0x3F9A];
	s0 =	simm.s32 @p1 $0x1  }
0x15: {  	[smem:$0x3FB7] =	sst s0;
	s0 =	simm.s32 @!p2 $0x0  }
0x16: {  	s3 =	sld [smem:$0x3FDB];
	s0 =	simm.s32 @p2 $0x1  }
0x17: {  	s4 =	simm.s32 $0x1BF5;
	[smem:$0x3FB9] =	sst s0  }
0x18: {  	s0 =	sld [smem:$0x3F9C];
	_ =	swait.ge [sflag:s4], $0x0  }
0x19: {  	s7 =	sld [smem:$0x3F9D]  }
0x1a: {  	s8 =	sadd.s32 $0xFFFFE003, lr  }
0x1b: {  	s9 =	sadd.s32 $0xFFFFFEF7, lr;
	s5 =	simm.s32 $0xFFFFFFFF;
	p2 =	slt.u32 s8, $0xFFFFF086  }
0x1c: {  	p1 =	slt.u32 s9, $0xF7A;
	s5 =	simm.s32 @!p2 $0x0  }
0x1d: {  	s5 =	simm.s32 @p1 $0x1;
	p0 =	seq.s32 s7, s2  }
0x1e: {  	s7 =	smul.u32 @!p0 $0xF7A, s2;
	p2 =	seq.s32 @!p0 s5, $0x0  }
0x1f: {  	s9 =	smul.u32 $0xF7A, s1;
	s8 =	simm.s32 @!p0 $0x1BF5;
	p2 =	por !p2, p0  }
0x20: {  	[sflag:s8] =	ssyncset.s32 @!p0 $0xFFFFF086;
	s6 =	sadd.s32 @!p0 s3, s7;
	s7 =	simm.s32 @!p0 $0x108  }
0x21: {  	s3 =	sadd.s32 s3, s9;
	s6 =	sadd.s32 @!p0 $0x88, s6;
	s7 =	simm.s32 @p2 $0x1082  }
0x22: {  	[simem:s7], [sflag:s8] =	dma.local @!p0 [hbm:s6], $0xF7A  }
0x23: {  	s9 =	sor.u32 $0xD0000000, s2;
	s6 =	simm.s32 $0x108;
	_ =	swait.ge @!p0 [sflag:s8], $0x0  }
0x24: {  	s3 =	sadd.s32 $0x88, s3;
	s6 =	simm.s32 @!p1 $0x1082;
	[sflag:s4] =	ssyncset.s32 $0xFFFFF086  }
0x25: {  	[simem:s6], [sflag:s4] =	dma.local [hbm:s3], $0xF7A  }
0x26: {  	[smem:$0x3F9D] =	sst s1;
	(tag) =	ssettag s2;
	_ =	strace s9  }
0x27: {  	s1 =	sld [smem:$0x3FAD]  }
0x28: {  	s2 =	sld [smem:$0x3FAE]  }
0x29: {  	s4 =	sld [smem:$0x3FB0]  }
0x2a: {  	p0 =	seq.s32 s5, $0x0;
	s5 =	sld [smem:$0x3FB1]  }
0x2b: {  	s6 =	sld [smem:$0x3FB2]  }
0x2c: {  	s7 =	sld [smem:$0x3FB3]  }
0x2d: {  	s3 =	simm.s32 $0x108;
	s8 =	sld [smem:$0x3FB4]  }
0x2e: {  	s3 =	simm.s32 @!p0 $0x1082;
	s9 =	sld [smem:$0x3FB5]  }
0x2f: {  	lr =	sadd.s32 s0, s3;
	s0 =	sld [smem:$0x3FAC]  }
0x30: {  	s3 =	sld [smem:$0x3FAF]  }
0x31: {  	[smem:$0x3FB8] =	sst s10  }
0x32: {  	s10 =	sld [smem:$0x3FB6];
	_ =	sdelay $0x3  }
0x33: {  	p0 =	seq.s32 s10, $0x1;
	s10 =	sld [smem:$0x3FB8];
	_ =	sdelay $0x3  }
0x34: {  	[smem:$0x3FB8] =	sst s10  }
0x35: {  	s10 =	sld [smem:$0x3FB7];
	_ =	sdelay $0x3  }
0x36: {  	p1 =	seq.s32 s10, $0x1;
	s10 =	sld [smem:$0x3FB8];
	_ =	sdelay $0x3  }
0x37: {  	[smem:$0x3FB8] =	sst s10  }
0x38: {  	s10 =	sld [smem:$0x3FB9]  }
0x39: {  	_ = 	snop;
	(pc) =	sbr.ind lr, $3  }
0x3a: {  	_ = 	snop  }
0x3b: {  	_ = 	snop  }
0x3c: {  	p2 =	seq.s32 s10, $0x1;
	s10 =	sld [smem:$0x3FB8]  }
0x3d: {  	_ =	shalt  }
0x3e: {  	_ =	shalt  }
0x3f: {  	_ =	shalt  }
0x40: {  	_ =	shalt  }
0x41: {  	_ =	shalt  }
0x42: {  	_ =	shalt  }
0x43: {  	_ =	shalt  }
0x44: {  	_ =	shalt  }
0x45: {  	_ =	shalt  }
0x46: {  	_ =	shalt  }
0x47: {  	_ =	shalt  }
0x48: {  	_ =	shalt  }
0x49: {  	_ =	shalt  }
0x4a: {  	_ =	shalt  }
0x4b: {  	_ =	shalt  }
0x4c: {  	_ =	shalt  }
0x4d: {  	_ =	shalt  }
0x4e: {  	_ =	shalt  }
0x4f: {  	_ =	shalt  }
0x50: {  	_ =	shalt  }
0x51: {  	_ =	shalt  }
0x52: {  	_ =	shalt  }
0x53: {  	_ =	shalt  }
0x54: {  	_ =	shalt  }
0x55: {  	_ =	shalt  }
0x56: {  	_ =	shalt  }
0x57: {  	_ =	shalt  }
0x58: {  	_ =	shalt  }
0x59: {  	_ =	shalt  }
0x5a: {  	_ =	shalt  }
0x5b: {  	_ =	shalt  }
0x5c: {  	_ =	shalt  }
0x5d: {  	_ =	shalt  }
0x5e: {  	_ =	shalt  }
0x5f: {  	_ =	shalt  }
0x60: {  	_ =	shalt  }
0x61: {  	_ =	shalt  }
0x62: {  	_ =	shalt  }
0x63: {  	_ =	shalt  }
0x64: {  	_ =	shalt  }
0x65: {  	_ =	shalt  }
0x66: {  	_ =	shalt  }
0x67: {  	_ =	shalt  }
0x68: {  	_ =	shalt  }
0x69: {  	_ =	shalt  }
0x6a: {  	_ =	shalt  }
0x6b: {  	_ =	shalt  }
0x6c: {  	_ =	shalt  }
0x6d: {  	_ =	shalt  }
0x6e: {  	_ =	shalt  }
0x6f: {  	_ =	shalt  }
0x70: {  	_ =	shalt  }
0x71: {  	_ =	shalt  }
0x72: {  	_ =	shalt  }
0x73: {  	_ =	shalt  }
0x74: {  	_ =	shalt  }
0x75: {  	_ =	shalt  }
0x76: {  	_ =	shalt  }
0x77: {  	_ =	shalt  }
0x78: {  	_ =	shalt  }
0x79: {  	_ =	shalt  }
0x7a: {  	_ =	shalt  }
0x7b: {  	_ =	shalt  }
0x7c: {  	_ =	shalt  }
0x7d: {  	_ =	shalt  }
0x7e: {  	_ =	shalt  }
0x7f: {  	_ =	shalt  }
0x80: {  	_ =	shalt  }
0x81: {  	_ =	shalt  }
0x82: {  	_ =	shalt  }
0x83: {  	_ =	shalt  }
0x84: {  	_ =	shalt  }
0x85: {  	_ =	shalt  }
0x86: {  	_ =	shalt  }
0x87: {  	_ =	shalt  }
.Lfunc_end0:
.L_simem_size_0:
called_computation_lowered:
.L_overlay_start_0:
0x88: {  	s2 =	sld [smem:$0x3FD9]  }
0x89: {  	s3 =	sld [smem:$0x3FFE];
	_ =	sdelay $0x1  }
0x8a: {  	s1 =	srdreg.scid  }
0x8b: {  	s0 =	sand.u32 $0x1, s1  }
0x8c: {  	s17 =	sshll.u32 s0, $0xA;
	s2 =	sadd.s32 s3, s2  }
0x8d: {  	s2 =	sadd.s32 s2, s17  }
0x8e: {  	[smem:$0x3FC4] =	sst s2  }
0x8f: {  	_ = 	snop  }
0x90: {  	s2 =	sld [smem:$0x3FD0];
	(tm) =	ssettm $0x1  }
0x91: {  	s18 =	sld [smem:$0x3FFB];
	_ =	sdelay $0x3  }
0x92: {  	_ =	strace s18  }
0x93: {  	s3 =	sld [smem:$0x3FFC];
	_ =	sdelay $0x3  }
0x94: {  	_ =	strace s3  }
0x95: {  	s3 =	sld [smem:$0x3FFD];
	_ =	sdelay $0x3  }
0x96: {  	_ =	strace s3  }
0x97: {  	_ =	strace $0x8FFFFFFF  }
0x98: {  	s19 =	sld [smem:$0x3FDB];
	_ =	sdelay $0x1  }
0x99: {  	s4 =	simm.s32 $_scs_section_size  }
0x9a: {  	s5 =	simm.s32 $_size__tile_overlayer_lowered;
	s6 =	simm.s32 $_tile_overlayer_lowered  }
0x9b: {  	s22 =	simm.s32 $0x1BFF;
	s21 =	sshll.u32 s6, $0x1;
	s3 =	sadd.s32 s4, s19  }
0x9c: {  	s7 =	simm.s32 $0x0;
	s20 =	sshll.u32 s5, $0x1;
	s5 =	sadd.s32 s21, s3  }
0x9d: {  	[timem:s7], [sflag:s22] =	dma.local [hbm:s5], s20  }
0x9e: {  	_ =	swait.ge [sflag:s22], s20  }
0x9f: {  	s4 =	ssub.s32 $0x0, s20;
	[sflag:s22] =	ssyncset.done $0x0  }
0xa0: {  	[sflag:s22] =	ssyncadd.s32 s4;
	_ =	sdelay $0x1  }
0xa1: {  	s23 =	simm.s32 $0x1B8B  }
0xa2: {  	_ =	swait.ge [sflag:s23], $0x1  }
0xa3: {  	[sflag:s23] =	ssyncset.done $0x0  }
0xa4: {  	s25 =	simm.s32 $0x1B8E;
	s24 =	sld [smem:$0x3FFE];
	[sflag:s23] =	ssyncadd.s32 $0xFFFFFFFF  }
0xa5: {  	s26 =	simm.s32 $execute0_lowered;
	[smem:$0x3FD2] =	sst s25  }
0xa6: {  	s5 =	sshll.u32 s26, $0x1;
	_ =	strace $0x80000046;
	[dreg:$0x1] =	wrdreg $0xFFFFFFFF  }
0xa7: {  	s28 =	simm.s32 $_size_execute0_lowered;
	s3 =	sadd.s32 s3, s5;
	[dreg:$0x0] =	wrdreg $0x0  }
0xa8: {  	s5 =	sshll.u32 s28, $0x1;
	[dreg:$0x2] =	wrdreg s3  }
0xa9: {  	[dreg:$0x3] =	wrdreg s5  }
0xaa: {  	[dreg:$0x4] =	wrdreg $0xC0  }
0xab: {  	_ =	task [dreg:s7], $0x5FFFF  }
0xac: {  	[dreg:$0x1] =	wrdreg $0xFFFFFFFF  }
0xad: {  	[dreg:$0x0] =	wrdreg $0x60  }
0xae: {  	[dreg:$0x2] =	wrdreg s24  }
0xaf: {  	[dreg:$0x3] =	wrdreg s2  }
0xb0: {  	[dreg:$0x4] =	wrdreg $0x2A100  }
0xb1: {  	[dreg:$0x5] =	wrdreg $0x9  }
0xb2: {  	_ =	task.clear_ibuf [dreg:s7], $0x6FFFF;
	_ =	strace $0x90000046  }
0xb3: {  	s29 =	simm.s32 $0x9;
	_ =	strace $0x80000048  }
0xb4: {  	_ =	swait.ge [sflag:s29], $0x1  }
0xb5: {  	[sflag:s29] =	ssyncadd.s32 $0xFFFFFFFF  }
0xb6: {  	_ =	strace $0x90000048  }
0xb7: {  	_ =	sfence  }
0xb8: {  	s30 =	sld [smem:$0x0];
	_ =	sdelay $0x2  }
0xb9: {  	s31 =	sshll.u32 s1, $0xD;
	s1 =	sshrl.u32 s1, $0x2  }
0xba: {  	s3 =	sand.u32 $0x4000, s31;
	s1 =	sadd.s32 s1, s30  }
0xbb: {  	s0 =	sor.u32 s3, s0;
	s1 =	sshll.u32 s1, $0x11  }
0xbc: {  	s0 =	sor.u32 s1, s0  }
0xbd: {  	s0 =	sadd.s32 $0x8F2B, s0  }
0xbe: {  	[sflag:s0] =	ssyncadd.remote.s32 $0x1  }
0xbf: {  	_ =	sfence.sel $0xFFFF  }
0xc0: {  	[dreg:$0x0] =	wrdreg $0xFFFFFFFF;
	(pc) =	sbr.abs _section_cstart, $3  }
0xc1: {  	[dreg:$0x1] =	wrdreg $0xFFFFFFFF  }
0xc2: {  	_ =	task.clear_ibuf [dreg:s7], $0x2FFFF;
	_ =	strace $0x9FFFFFFF  }
0xc3: {  	(tm) =	ssettm $0x7FFFFFFF  }
tec
execute0_lowered:
.L_overlay_start_1:
0x0: {  	(tag) =	ssettag $0x1  }
0x1: {  	s4 =	rddreg [dreg:$0x0];
	s1 =	srdreg.scid  }
0x2: {  	s0 =	stileid.u32;
	s6 =	rddreg [dreg:$0x1]  }
0x3: {  	s2 =	rddreg [dreg:$0x2];
	s3 =	simm.s32 $0x0;
	s11 =	simm.s32 $0x2700  }
0x4: {  	s12 =	simm.s32 $0x2710;
	s13 =	simm.s32 $0x80;
	s14 =	simm.s32 $0x1  }
0x5: {  	s17 =	simm.s32 $0x0;
	s5 =	sand.u32 $0x1, s1;
	s1 =	rddreg [dreg:$0x3]  }
0x6: {  	s29 =	sshll.u32 s0, $0x1;
	s8 =	smul.u32 $0x280, s0;
	[smem:$0x7FF] =	sst s3  }
0x7: {  	s15 =	sshll.u32 s0, $0x6;
	s7 =	sor.u32 s5, s29;
	s9 =	smul.u32 $0x2800, s5  }
0x8: {  	_ =	strace $0x80000047;
	s5 =	ssub.s32 $0x2, s5;
	s7 =	smul.u32 $0x2710, s7  }
0x9: {  	s15 =	sor.u32 $0x1C02, s15;
	s10 =	sshrl.u32 s5, $0x1;
	s9 =	sadd.s32 s8, s9  }
0xa: {  	s10 =	ssub.s32 s5, s10;
	s7 =	sshrl.u32 s7, $0x3;
	s31 =	sshrl.u32 s9, $0x3  }
0xb: {  	s9 =	simm.s32 $0x2;
	s30 =	sadd.s32 s4, s7;
	s4 =	sadd.s32 s8, s2  }
0xc: {  	s6 =	sadd.s32 s6, s31;
	s7 =	smax.u32 s10, $0x1;
	s8 =	simm.s32 $0x2790  }
0xd: {  	v0 =	vimm.f32 $0.0e+00;
	v1 =	vimm.f32 $1.000000000e+00;
	s10 =	simm.s32 $0x10;
	s5 =	sadd.s32 $0xB240, s30;
	s16 =	sshrl.u32 s4, $0x3  }
.LBB2_1:
0xe: {  	[tilespmem:$0x2790] =	vst v0  }
0xf: {  	[tilespmem:$0x27A0] =	vst v0  }
0x10: {  	[tilespmem:$0x27B0] =	vst v0  }
0x11: {  	[tilespmem:$0x27C0] =	vst v0  }
0x12: {  	[tilespmem:$0x27D0] =	vst v0  }
0x13: {  	[tilespmem:$0x27E0] =	vst v0  }
0x14: {  	[tilespmem:$0x27F0] =	vst v0  }
0x15: {  	[tilespmem:$0x2800] =	vst v0  }
0x16: {  	[tilespmem:$0x2810] =	vst v0  }
0x17: {  	[tilespmem:$0x2820] =	vst v0  }
0x18: {  	[tilespmem:$0x2830] =	vst v0  }
0x19: {  	[tilespmem:$0x2840] =	vst v0  }
0x1a: {  	[tilespmem:$0x2850] =	vst v0  }
0x1b: {  	[tilespmem:$0x2860] =	vst v0  }
0x1c: {  	[tilespmem:$0x2870] =	vst v0  }
0x1d: {  	[tilespmem:$0x2880] =	vst v0  }
0x1e: {  	[tilespmem:$0x2890] =	vst v0  }
0x1f: {  	[tilespmem:$0x28A0] =	vst v0  }
0x20: {  	[tilespmem:$0x28B0] =	vst v0  }
0x21: {  	[tilespmem:$0x28C0] =	vst v0  }
0x22: {  	[tilespmem:$0x28D0] =	vst v0  }
0x23: {  	[tilespmem:$0x28E0] =	vst v0  }
0x24: {  	[tilespmem:$0x28F0] =	vst v0  }
0x25: {  	[tilespmem:$0x2900] =	vst v0  }
0x26: {  	[tilespmem:$0x2910] =	vst v0  }
0x27: {  	[tilespmem:$0x2920] =	vst v0  }
0x28: {  	[tilespmem:$0x2930] =	vst v0  }
0x29: {  	[tilespmem:$0x2940] =	vst v0  }
0x2a: {  	[tilespmem:$0x2950] =	vst v0  }
0x2b: {  	[tilespmem:$0x2960] =	vst v0  }
0x2c: {  	[tilespmem:$0x2970] =	vst v0  }
0x2d: {  	[tilespmem:$0x2980] =	vst v0  }
0x2e: {  	[tilespmem:$0x2990] =	vst v0  }
0x2f: {  	[tilespmem:$0x29A0] =	vst v0  }
0x30: {  	[tilespmem:$0x29B0] =	vst v0  }
0x31: {  	[tilespmem:$0x29C0] =	vst v0  }
0x32: {  	[tilespmem:$0x29D0] =	vst v0  }
0x33: {  	[tilespmem:$0x29E0] =	vst v0  }
0x34: {  	[tilespmem:$0x29F0] =	vst v0  }
0x35: {  	[tilespmem:$0x2A00] =	vst v0  }
0x36: {  	[tilespmem:$0x2710] =	vst v1  }
0x37: {  	[tilespmem:$0x2720] =	vst v1  }
0x38: {  	[tilespmem:$0x2730] =	vst v1  }
0x39: {  	[tilespmem:$0x2740] =	vst v1  }
0x3a: {  	[tilespmem:$0x2750] =	vst v1  }
0x3b: {  	[tilespmem:$0x2760] =	vst v1  }
0x3c: {  	[tilespmem:$0x2770] =	vst v1  }
0x3d: {  	[tilespmem:$0x2780] =	vst v1  }
0x3e: {  	[spmem:s4] =	stream.linear.scatter [tilespmem:s8], [sflag:$0x2], $0x280, $0x38;
	[tilespmem:$0x2C90] =	vst v63  }
0x3f: {  	_ =	swait.ge [sflag:s9], $0x280  }
0x40: {  	[sflag:s9] =	ssyncset.done $0x0  }
0x41: {  	[sflag:s9] =	ssyncadd.s32 $0xFFFFFD80  }
0x42: {  	[bflag:$0x0] =	sbarrier.arrive $0xFFFF  }
0x43: {  	[tilespmem:s3], [sflag:$0x2] =	stream.linear.gather [hbm4b:s5+s3], $0x2710, $0x38;
	[tilespmem:$0x2C90] =	vst v63  }
0x44: {  	_ =	swait.ge [sflag:s9], $0x2710  }
0x45: {  	[sflag:s9] =	ssyncset.done $0x0  }
0x46: {  	[sflag:s9] =	ssyncadd.s32 $0xFFFFD8F0  }
0x47: {  	[spmem:s2] =	stream.indirect.scatter.add.f32 [tilespmem:s12], [sflag:$0x2], $0x1, s11, s10, $0xb8;
	[tilespmem:$0x2C90] =	vst v63  }
0x48: {  	_ =	swait.ge [sflag:s9], $0x10  }
0x49: {  	[sflag:s9] =	ssyncset.done $0x0  }
0x4a: {  	s18 =	simm.s32 $0x0;
	[sflag:s9] =	ssyncadd.s32 $0xFFFFFFF0  }
.LBB2_2:
0x4b: {  	p0 =	sne.s32 s18, $0x9A00  }
.Ltmp0:
0x4c: {  	_ = 	snop;
	(pc) =	sbr.rel @p0 .LBB2_2-.Ltmp0, $3  }
0x4d: {  	_ =	sdelay $0x1  }
0x4e: {  	s19 =	sshra.s32 s18, $0x2;
	s18 =	sadd.s32 $0x200, s18  }
0x4f: {  	[spmem:s2] =	stream.indirect.scatter.add.f32 [tilespmem:s12], [sflag:$0x1], $0x1, s19, s13, $0xb8;
	[tilespmem:$0x2C90] =	vst v63  }
0x50: {  	_ =	swait.ge [sflag:s14], $0x80  }
0x51: {  	s18 =	simm.s32 $0x4D;
	[sflag:s14] =	ssyncset.done $0x0  }
.LBB2_4:
0x52: {  	p0 =	sne.s32 s18, $0x1;
	s18 =	sadd.s32 $0xFFFFFFFF, s18;
	[sflag:s14] =	ssyncadd.s32 $0xFFFFFF80  }
.Ltmp1:
0x53: {  	(pc) =	sbr.rel @p0 .LBB2_4-.Ltmp1, $3  }
0x54: {  	_ =	sdelay $0x1  }
0x55: {  	_ =	swait.ge [sflag:s14], $0x80  }
0x56: {  	[sflag:s14] =	ssyncset.done $0x0  }
0x57: {  	s17 =	sadd.s32 $0x1, s17  }
0x58: {  	[sflag:s14] =	ssyncadd.s32 $0xFFFFFF80;
	p0 =	sne.s32 s17, s7  }
.Ltmp2:
0x59: {  	[bflag:$0x0] =	sbarrier.arrive $0xFFFF;
	(pc) =	sbr.rel @p0 .LBB2_1-.Ltmp2, $4  }
0x5a: {  	[hbm:s6], [sflag:s15] =	dma.local [spmem:s16], $0x50  }
0x5b: {  	_ =	swait.ge [sflag:s9], $0x50  }
0x5c: {  	[sflag:s9] =	ssyncset.done $0x0  }
0x5d: {  	[sflag:s9] =	ssyncadd.s32 $0xFFFFFFB0  }
0x5e: {  	_ =	sfence.sel $0x180000  }
0x5f: {  	[bflag:$0x0] =	sbarrier.arrive $0xFFFF  }
0x60: {  	p0 =	sne.s32 s0, $0x0;
	_ =	strace $0x90000047  }
0x61: {  	s0 =	sadd.s32 @!p0 $0x100000, s1;
	[bflag:$0x2] =	sbarrier.arrive $0xFFFF  }
0x62: {  	[sflag:s0] =	ssyncadd.tile.s32 @!p0 $0x1;
	_ =	shalt  }
.Lfunc_end2:
_tile_overlayer_lowered:
.L_overlay_start_2:
0x63: {  	(tag) =	ssettag $0x2  }
0x64: {  	s0 =	rddreg [dreg:$0x0];
	s2 =	stileid.u32  }
0x65: {  	s1 =	rddreg [dreg:$0x1];
	p0 =	sne.s32 s2, $0x0  }
0x66: {  	s3 =	rddreg [dreg:$0x2];
	[bflag:$0x3] =	sbarrier.arrive $0xFFFF;
	s2 =	simm.s32 @!p0 $0x1C02  }
0x67: {  	[timem:s3], [sflag:s2] =	dma.local @!p0 [hbm:s0], s1  }
0x68: {  	s0 =	simm.s32 @!p0 $0x2  }
0x69: {  	_ =	swait.ge @!p0 [sflag:s0], s1  }
0x6a: {  	s1 =	ssub.s32 @!p0 $0x0, s1;
	[sflag:s0] =	ssyncset.done @!p0 $0x0  }
0x6b: {  	[sflag:s0] =	ssyncadd.s32 @!p0 s1  }
0x6c: {  	[bflag:$0x3] =	sbarrier.arrive $0xFFFF  }
0x6d: {  	_ =	shalt  }

</sc_bundles>
